<compile_context>
chip_gen: v7x
topology: tpu7x:2x2x1
jax: 0.10.2.dev20260603
libtpu: 0.0.44.dev20260713+nightly
codegen_flags: <defaults>
</compile_context>

<pallas_src>
import functools

import jax
import jax.numpy as jnp
from jax import lax
from jax.experimental import pallas as pl
from jax.experimental.pallas import tpu as pltpu
from jax.experimental.pallas import tpu_sc as plsc

D_HALF = 64
D_MODEL = 128
LANES = 16
CHUNK = 128

INV_TWO_PI = 0.15915494309189535
MAGIC = 12582912.0

_COS_C = (0.9989871519760831, -19.591110544368195,
          61.597305393820854, -61.089690063946605)
_SIN_C = (6.282446814164697, -41.234040039091646,
          79.18757169991866, -59.246811349574564)


def _sincos_chain(pv, f, bb, a):
    q = pv * f + bb
    t = (q + jnp.float32(MAGIC)) - jnp.float32(MAGIC)
    u = q - t
    y = u * u
    c = jnp.float32(_COS_C[3])
    for k in (2, 1, 0):
        c = c * y + jnp.float32(_COS_C[k])
    s = jnp.float32(_SIN_C[3])
    for k in (2, 1, 0):
        s = s * y + jnp.float32(_SIN_C[k])
    return a * c, a * (s * u)


def _build(n_tokens, seq_len):
    info = plsc.get_sparse_core_info()
    nc, ns = info.num_cores, info.num_subcores
    nw = nc * ns
    assert n_tokens % (nw * CHUNK) == 0
    per_w = n_tokens // nw
    n_chunks = per_w // CHUNK
    assert n_chunks % 2 == 0

    mesh = plsc.VectorSubcoreMesh(core_axis_name="c", subcore_axis_name="s")
    vm = pltpu.VMEM

    @functools.partial(
        pl.kernel,
        mesh=mesh,
        out_type=jax.ShapeDtypeStruct((n_tokens, D_MODEL), jnp.float32),
        scratch_types=[
            vm((per_w,), jnp.int32),
            vm((2, CHUNK, 3 * D_HALF), jnp.float32),
            vm((2, CHUNK, D_MODEL), jnp.float32),
            pltpu.SemaphoreType.DMA,
            pltpu.SemaphoreType.DMA,
            pltpu.SemaphoreType.DMA,
            pltpu.SemaphoreType.DMA,
        ],
        compiler_params=pltpu.CompilerParams(use_tc_tiling_on_sc=False),
    )
    def kern(x_hbm, tab_hbm, out_hbm,
             idx_v, tab_v, out_v, sem_g0, sem_g1, sem_o0, sem_o1):
        wid = lax.axis_index("s") * nc + lax.axis_index("c")
        base_w = wid * per_w
        sem_g = (sem_g0, sem_g1)
        sem_o = (sem_o0, sem_o1)

        pltpu.sync_copy(x_hbm.at[pl.ds(base_w, per_w)], idx_v)

        def idx_slice(ci):
            return idx_v.at[pl.ds(ci * CHUNK, CHUNK)]

        def start_gathers(ci, b):
            pltpu.async_copy(tab_hbm.at[idx_slice(ci)], tab_v.at[b], sem_g[b])

        def wait_gathers(ci, b):
            pltpu.make_async_copy(tab_hbm.at[idx_slice(ci)], tab_v.at[b], sem_g[b]).wait()

        def drain_out(ci, b):
            base = base_w + ci * CHUNK
            pltpu.make_async_copy(
                out_v.at[b], out_hbm.at[pl.ds(base, CHUNK)], sem_o[b]).wait()

        start_gathers(0, 0)

        def pair_body(cp, carry):
            for b in (0, 1):
                ci = cp * 2 + b

                @pl.when(ci + 1 < n_chunks)
                def _():
                    start_gathers(ci + 1, 1 - b)

                @pl.when(ci >= 2)
                def _():
                    drain_out(ci - 2, b)

                wait_gathers(ci, b)

                def tok_body(t2, tc):
                    chains = []
                    for u in (0, 1, 2, 3):
                        t = t2 * 4 + u
                        p = lax.rem(base_w + ci * CHUNK + t, seq_len) + 1
                        pv = jnp.full((LANES,), p.astype(jnp.float32))
                        for j in range(D_HALF // LANES):
                            f = tab_v[b, t, pl.ds(j * LANES, LANES)]
                            a = tab_v[b, t, pl.ds(D_HALF + j * LANES, LANES)]
                            bb = tab_v[b, t, pl.ds(2 * D_HALF + j * LANES, LANES)]
                            chains.append((t, j, pv, f, bb, a))
                    results = [(t, j) + _sincos_chain(pv, f, bb, a)
                               for (t, j, pv, f, bb, a) in chains]
                    for t, j, oc, oi in results:
                        out_v[b, t, pl.ds(j * LANES, LANES)] = oc
                        out_v[b, t, pl.ds(D_HALF + j * LANES, LANES)] = oi
                    return tc

                lax.fori_loop(0, CHUNK // 4, tok_body, 0)
                base = base_w + ci * CHUNK
                pltpu.async_copy(out_v.at[b], out_hbm.at[pl.ds(base, CHUNK)], sem_o[b])
            return carry

        lax.fori_loop(0, n_chunks // 2, pair_body, 0)
        drain_out(n_chunks - 2, 0)
        drain_out(n_chunks - 1, 1)

    return kern


def kernel(x, word_table, freq_table, phase_table):
    b, length = x.shape
    n = b * length
    v = word_table.shape[0]
    xf = x.reshape(n)
    scale = jnp.float32(INV_TWO_PI)
    merged = jnp.concatenate(
        [freq_table * scale, word_table, phase_table * scale], axis=1)
    out = _build(n, length)(xf, merged)
    return out.reshape(b, length, D_MODEL)

# --- scband reference (transcript-rebuilt; emitter-appended) ---
"""Pipeline reference for scband-complex-embedding-31482110280422 (READ-ONLY COPY).

The authoritative reference and input builder live on the scoring server;
editing this copy changes nothing except your own understanding.
"""

import jax, jax.numpy as jnp
import numpy as np
import math

VOCAB = 100000
D_MODEL = 128
D_HALF = D_MODEL // 2
PAD_IDX = 0
B, L = 4096, 200


def setup_inputs(seed: int = 0) -> dict:
    key = jax.random.key(seed)
    k_x, k_w, k_f, k_p = jax.random.split(key, 4)
    x = jax.random.randint(k_x, (B, L), 0, VOCAB, dtype=jnp.int64 if jax.config.jax_enable_x64 else jnp.int32).astype(jnp.int32)
    word_table = jax.random.normal(k_w, (VOCAB, D_HALF), dtype=jnp.float32)
    freq_table = jax.random.normal(k_f, (VOCAB, D_HALF), dtype=jnp.float32)
    phase_table = jax.random.normal(k_p, (VOCAB, D_HALF), dtype=jnp.float32)
    # padding_idx rows are zero in torch nn.Embedding
    word_table = word_table.at[PAD_IDX].set(0.0)
    freq_table = freq_table.at[PAD_IDX].set(0.0)
    phase_table = phase_table.at[PAD_IDX].set(0.0)
    return {"x": x, "word_table": word_table, "freq_table": freq_table, "phase_table": phase_table}


def reference(x, word_table, freq_table, phase_table):
    # forward of ComplexEmbedding (eval mode: dropout = identity)
    b, length = x.shape
    amp = jnp.take(word_table, x, axis=0)            # [B, L, D/2]
    freq = jnp.take(freq_table, x, axis=0)           # [B, L, D/2]
    # module re-assigns init_phase_emb.weight = weight % 2*pi before lookup
    phase_mod = phase_table % (2.0 * math.pi)
    dim_bias = jnp.take(phase_mod, x, axis=0)        # [B, L, D/2]
    pos = jnp.arange(1, length + 1, dtype=jnp.float32)  # [L]
    pos = pos[None, :, None]                          # [1, L, 1], broadcast over B and D/2
    out_phase = pos * freq + dim_bias
    out_real = amp * jnp.cos(out_phase)
    out_im = amp * jnp.sin(out_phase)
    return jnp.concatenate([out_real, out_im], axis=-1)  # [B, L, D]

if __name__ == "__main__":
    import jax
    _d = setup_inputs()
    print(jax.jit(kernel)(*tuple(_d.values())))

</pallas_src>

<mosaic_0001>
#map = affine_map<(d0, d1) -> (0)>
#map1 = affine_map<(d0, d1) -> (0, 0)>
module attributes {stable_mosaic.version = 14 : i64} {
  func.func @kern(%arg0: i32, %arg1: i32, %arg2: memref<819200xi32, #tpu.memory_space<hbm>>, %arg3: memref<100000x192xf32, #tpu.memory_space<hbm>>, %arg4: memref<819200x128xf32, #tpu.memory_space<hbm>>, %arg5: memref<25600xi32, #tpu.memory_space<vmem>>, %arg6: memref<2x128x192xf32, #tpu.memory_space<vmem>>, %arg7: memref<2x128x128xf32, #tpu.memory_space<vmem>>, %arg8: memref<!tpu.dma_semaphore, #tpu.memory_space<semaphore_mem>>, %arg9: memref<!tpu.dma_semaphore, #tpu.memory_space<semaphore_mem>>, %arg10: memref<!tpu.dma_semaphore, #tpu.memory_space<semaphore_mem>>, %arg11: memref<!tpu.dma_semaphore, #tpu.memory_space<semaphore_mem>>) attributes {dimension_semantics = [#tpu.dimension_semantics<core_parallel>, #tpu.dimension_semantics<subcore_parallel>], iteration_bounds = array<i64: 2, 16>, scalar_prefetch = 0 : i64, scratch_operands = 7 : i64, tpu.core_type = #tpu.core_type<sc_vector_subcore>, window_params = [{transform_indices = #map}, {transform_indices = #map1}, {transform_indices = #map1}]} {
    %mul3A = arith.constant 2 : i32
    %mul3A_0 = arith.muli %arg1, %mul3A : i32
    %add3A = arith.addi %mul3A_0, %arg0 : i32
    %mul3A_1 = arith.constant 25600 : i32
    %mul3A_2 = arith.muli %add3A, %mul3A_1 : i32
    "tpu.region"() ({
      %run_scoped3A = tpu.sem_alloc : memref<!tpu.dma_semaphore, #tpu.memory_space<semaphore_mem>>
      %dma_start3A_46 = tpu.memref_slice %arg2[%mul3A_2] : memref<819200xi32, #tpu.memory_space<hbm>> -> memref<25600xi32, #tpu.memory_space<hbm>>
      %dma_start3A_47 = tpu.memref_slice %arg2[%mul3A_2] : memref<819200xi32, #tpu.memory_space<hbm>> -> memref<25600xi32, #tpu.memory_space<hbm>>
      tpu.enqueue_dma source(%dma_start3A_47 : memref<25600xi32, #tpu.memory_space<hbm>>) target(%arg5 : memref<25600xi32, #tpu.memory_space<vmem>>) target_semaphore(%run_scoped3A : memref<!tpu.dma_semaphore, #tpu.memory_space<semaphore_mem>>)
      %dma_wait3A_48 = tpu.memref_slice %arg2[%mul3A_2] : memref<819200xi32, #tpu.memory_space<hbm>> -> memref<25600xi32, #tpu.memory_space<hbm>>
      %dma_wait3A_49 = tpu.memref_slice %arg2[%mul3A_2] : memref<819200xi32, #tpu.memory_space<hbm>> -> memref<25600xi32, #tpu.memory_space<hbm>>
      tpu.wait_dma2 semaphore(%run_scoped3A : memref<!tpu.dma_semaphore, #tpu.memory_space<semaphore_mem>>) src(%dma_wait3A_49 : memref<25600xi32, #tpu.memory_space<hbm>>) dst(%arg5 : memref<25600xi32, #tpu.memory_space<vmem>>)
      tpu.yield
    }) : () -> ()
    %dma_start3A = arith.constant 0 : i32
    %dma_start3A_3 = arith.constant 0 : i32
    %dma_start3A_4 = arith.constant 0 : i32
    %dma_start3A_5 = tpu.memref_slice %arg6[%dma_start3A, %dma_start3A_3, %dma_start3A_4] : memref<2x128x192xf32, #tpu.memory_space<vmem>> -> memref<1x128x192xf32, #tpu.memory_space<vmem>>
    %dma_start3A_6 = tpu.memref_squeeze %dma_start3A_5 : memref<1x128x192xf32, #tpu.memory_space<vmem>> -> memref<128x192xf32, #tpu.memory_space<vmem>>
    %dma_start3A_7 = arith.constant 0 : i32
    %dma_start3A_8 = tpu.memref_slice %arg5[%dma_start3A_7] : memref<25600xi32, #tpu.memory_space<vmem>> -> memref<128xi32, #tpu.memory_space<vmem>>
    %dma_start3A_9 = arith.constant 0 : i32
    %dma_start3A_10 = arith.constant 0 : i32
    %dma_start3A_11 = tpu.memref_slice %arg3[%dma_start3A_9, %dma_start3A_10] : memref<100000x192xf32, #tpu.memory_space<hbm>> -> memref<100000x192xf32, #tpu.memory_space<hbm>>
    tpu.enqueue_indirect_dma source(%dma_start3A_11 : memref<100000x192xf32, #tpu.memory_space<hbm>>) target(%dma_start3A_6 : memref<128x192xf32, #tpu.memory_space<vmem>>) offsets(%dma_start3A_8 : memref<128xi32, #tpu.memory_space<vmem>>) semaphore(%arg8 : memref<!tpu.dma_semaphore, #tpu.memory_space<semaphore_mem>>)
    %scan3A = arith.constant 0 : i32
    %scan3A_12 = arith.constant 0 : i32
    %scan3A_13 = arith.constant 100 : i32
    %scan3A_14 = arith.addi %scan3A_12, %scan3A_13 : i32
    %scan3A_15 = arith.constant 1 : i32
    scf.for %scan3A_46 = %scan3A_12 to %scan3A_14 step %scan3A_15  : i32 {
      %mul3A_47 = arith.constant 2 : i32
      %mul3A_48 = arith.muli %scan3A_46, %mul3A_47 : i32
      %add3A_49 = arith.constant 0 : i32
      %add3A_50 = arith.addi %mul3A_48, %add3A_49 : i32
      %add3A_51 = arith.constant 1 : i32
      %add3A_52 = arith.addi %add3A_50, %add3A_51 : i32
      %lt3A = arith.constant 200 : i32
      %lt3A_53 = arith.cmpi slt, %add3A_52, %lt3A : i32
      %convert_element_type3A = arith.extui %lt3A_53 : i1 to i32
      %cond3A = arith.constant 0 : i32
      %cond3A_54 = arith.cmpi ne, %convert_element_type3A, %cond3A : i32
      scf.if %cond3A_54 {
        %add3A_141 = arith.constant 1 : i32
        %add3A_142 = arith.addi %add3A_50, %add3A_141 : i32
        %mul3A_143 = arith.constant 128 : i32
        %mul3A_144 = arith.muli %add3A_142, %mul3A_143 : i32
        %dma_start3A_145 = arith.constant 1 : i32
        %dma_start3A_146 = arith.constant 0 : i32
        %dma_start3A_147 = arith.constant 0 : i32
        %dma_start3A_148 = tpu.memref_slice %arg6[%dma_start3A_145, %dma_start3A_146, %dma_start3A_147] : memref<2x128x192xf32, #tpu.memory_space<vmem>> -> memref<1x128x192xf32, #tpu.memory_space<vmem>>
        %dma_start3A_149 = tpu.memref_squeeze %dma_start3A_148 : memref<1x128x192xf32, #tpu.memory_space<vmem>> -> memref<128x192xf32, #tpu.memory_space<vmem>>
        %dma_start3A_150 = tpu.memref_slice %arg5[%mul3A_144] : memref<25600xi32, #tpu.memory_space<vmem>> -> memref<128xi32, #tpu.memory_space<vmem>>
        %dma_start3A_151 = arith.constant 0 : i32
        %dma_start3A_152 = arith.constant 0 : i32
        %dma_start3A_153 = tpu.memref_slice %arg3[%dma_start3A_151, %dma_start3A_152] : memref<100000x192xf32, #tpu.memory_space<hbm>> -> memref<100000x192xf32, #tpu.memory_space<hbm>>
        tpu.enqueue_indirect_dma source(%dma_start3A_153 : memref<100000x192xf32, #tpu.memory_space<hbm>>) target(%dma_start3A_149 : memref<128x192xf32, #tpu.memory_space<vmem>>) offsets(%dma_start3A_150 : memref<128xi32, #tpu.memory_space<vmem>>) semaphore(%arg9 : memref<!tpu.dma_semaphore, #tpu.memory_space<semaphore_mem>>)
      } else {
      }
      %ge3A = arith.constant 2 : i32
      %ge3A_55 = arith.cmpi sge, %add3A_50, %ge3A : i32
      %convert_element_type3A_56 = arith.extui %ge3A_55 : i1 to i32
      %cond3A_57 = arith.constant 0 : i32
      %cond3A_58 = arith.cmpi ne, %convert_element_type3A_56, %cond3A_57 : i32
      scf.if %cond3A_58 {
        %sub3A = arith.constant 2 : i32
        %sub3A_141 = arith.subi %add3A_50, %sub3A : i32
        %mul3A_142 = arith.constant 128 : i32
        %mul3A_143 = arith.muli %sub3A_141, %mul3A_142 : i32
        %add3A_144 = arith.addi %mul3A_2, %mul3A_143 : i32
        %dma_wait3A_145 = arith.constant 0 : i32
        %dma_wait3A_146 = arith.constant 0 : i32
        %dma_wait3A_147 = arith.constant 0 : i32
        %dma_wait3A_148 = tpu.memref_slice %arg7[%dma_wait3A_145, %dma_wait3A_146, %dma_wait3A_147] : memref<2x128x128xf32, #tpu.memory_space<vmem>> -> memref<1x128x128xf32, #tpu.memory_space<vmem>>
        %dma_wait3A_149 = tpu.memref_squeeze %dma_wait3A_148 : memref<1x128x128xf32, #tpu.memory_space<vmem>> -> memref<128x128xf32, #tpu.memory_space<vmem>>
        %dma_wait3A_150 = arith.constant 0 : i32
        %dma_wait3A_151 = tpu.memref_slice %arg4[%add3A_144, %dma_wait3A_150] : memref<819200x128xf32, #tpu.memory_space<hbm>> -> memref<128x128xf32, #tpu.memory_space<hbm>>
        %dma_wait3A_152 = arith.constant 0 : i32
        %dma_wait3A_153 = tpu.memref_slice %arg4[%add3A_144, %dma_wait3A_152] : memref<819200x128xf32, #tpu.memory_space<hbm>> -> memref<128x128xf32, #tpu.memory_space<hbm>>
        %dma_wait3A_154 = arith.constant 0 : i32
        %dma_wait3A_155 = arith.constant 0 : i32
        %dma_wait3A_156 = tpu.memref_slice %arg7[%dma_wait3A_145, %dma_wait3A_154, %dma_wait3A_155] : memref<2x128x128xf32, #tpu.memory_space<vmem>> -> memref<1x128x128xf32, #tpu.memory_space<vmem>>
        %dma_wait3A_157 = tpu.memref_squeeze %dma_wait3A_156 : memref<1x128x128xf32, #tpu.memory_space<vmem>> -> memref<128x128xf32, #tpu.memory_space<vmem>>
        tpu.wait_dma2 semaphore(%arg10 : memref<!tpu.dma_semaphore, #tpu.memory_space<semaphore_mem>>) src(%dma_wait3A_157 : memref<128x128xf32, #tpu.memory_space<vmem>>) dst(%dma_wait3A_153 : memref<128x128xf32, #tpu.memory_space<hbm>>)
      } else {
      }
      %mul3A_59 = arith.constant 128 : i32
      %mul3A_60 = arith.muli %add3A_50, %mul3A_59 : i32
      %dma_wait3A_61 = arith.constant 0 : i32
      %dma_wait3A_62 = arith.constant 0 : i32
      %dma_wait3A_63 = arith.constant 0 : i32
      %dma_wait3A_64 = tpu.memref_slice %arg6[%dma_wait3A_61, %dma_wait3A_62, %dma_wait3A_63] : memref<2x128x192xf32, #tpu.memory_space<vmem>> -> memref<1x128x192xf32, #tpu.memory_space<vmem>>
      %dma_wait3A_65 = tpu.memref_squeeze %dma_wait3A_64 : memref<1x128x192xf32, #tpu.memory_space<vmem>> -> memref<128x192xf32, #tpu.memory_space<vmem>>
      %dma_wait3A_66 = tpu.memref_slice %arg5[%mul3A_60] : memref<25600xi32, #tpu.memory_space<vmem>> -> memref<128xi32, #tpu.memory_space<vmem>>
      %dma_wait3A_67 = arith.constant 0 : i32
      %dma_wait3A_68 = arith.constant 0 : i32
      %dma_wait3A_69 = tpu.memref_slice %arg3[%dma_wait3A_67, %dma_wait3A_68] : memref<100000x192xf32, #tpu.memory_space<hbm>> -> memref<100000x192xf32, #tpu.memory_space<hbm>>
      tpu.wait_indirect_dma semaphore(%arg8 : memref<!tpu.dma_semaphore, #tpu.memory_space<semaphore_mem>>) src(%dma_wait3A_69 : memref<100000x192xf32, #tpu.memory_space<hbm>>) dst(%dma_wait3A_65 : memref<128x192xf32, #tpu.memory_space<vmem>>)
      %scan3A_70 = arith.constant 0 : i32
      %scan3A_71 = arith.constant 0 : i32
      %scan3A_72 = arith.constant 32 : i32
      %scan3A_73 = arith.addi %scan3A_71, %scan3A_72 : i32
      %scan3A_74 = arith.constant 1 : i32
      scf.for %scan3A_141 = %scan3A_71 to %scan3A_73 step %scan3A_74  : i32 {
        %mul3A_142 = arith.constant 4 : i32
        %mul3A_143 = arith.muli %scan3A_141, %mul3A_142 : i32
        %add3A_144 = arith.constant 0 : i32
        %add3A_145 = arith.addi %mul3A_143, %add3A_144 : i32
        %mul3A_146 = arith.constant 128 : i32
        %mul3A_147 = arith.muli %add3A_50, %mul3A_146 : i32
        %add3A_148 = arith.addi %mul3A_2, %mul3A_147 : i32
        %add3A_149 = arith.addi %add3A_148, %add3A_145 : i32
        %rem3A = arith.constant 200 : i32
        %rem3A_150 = arith.remsi %add3A_149, %rem3A : i32
        %add3A_151 = arith.constant 1 : i32
        %add3A_152 = arith.addi %rem3A_150, %add3A_151 : i32
        %convert_element_type3A_153 = arith.sitofp %add3A_152 : i32 to f32
        %broadcast_in_dim3A = vector.broadcast %convert_element_type3A_153 : f32 to vector<16xf32>
        %get3A = arith.constant 0 : i32
        %get3A_154 = arith.index_cast %get3A : i32 to index
        %get3A_155 = arith.index_cast %add3A_145 : i32 to index
        %get3A_156 = arith.constant 0 : index
        %get3A_157 = tpu.vector_load %arg6[%get3A_154, %get3A_155, %get3A_156] {strides = array<i32>} : memref<2x128x192xf32, #tpu.memory_space<vmem>>, vector<1x1x16xf32>,
        %get3A_158 = vector.shape_cast %get3A_157 : vector<1x1x16xf32> to vector<16xf32>
        %get3A_159 = arith.constant 0 : i32
        %get3A_160 = arith.index_cast %get3A_159 : i32 to index
        %get3A_161 = arith.index_cast %add3A_145 : i32 to index
        %get3A_162 = arith.constant 64 : index
        %get3A_163 = tpu.vector_load %arg6[%get3A_160, %get3A_161, %get3A_162] {strides = array<i32>} : memref<2x128x192xf32, #tpu.memory_space<vmem>>, vector<1x1x16xf32>,
        %get3A_164 = vector.shape_cast %get3A_163 : vector<1x1x16xf32> to vector<16xf32>
        %get3A_165 = arith.constant 0 : i32
        %get3A_166 = arith.index_cast %get3A_165 : i32 to index
        %get3A_167 = arith.index_cast %add3A_145 : i32 to index
        %get3A_168 = arith.constant 128 : index
        %get3A_169 = tpu.vector_load %arg6[%get3A_166, %get3A_167, %get3A_168] {strides = array<i32>} : memref<2x128x192xf32, #tpu.memory_space<vmem>>, vector<1x1x16xf32>,
        %get3A_170 = vector.shape_cast %get3A_169 : vector<1x1x16xf32> to vector<16xf32>
        %get3A_171 = arith.constant 0 : i32
        %get3A_172 = arith.index_cast %get3A_171 : i32 to index
        %get3A_173 = arith.index_cast %add3A_145 : i32 to index
        %get3A_174 = arith.constant 16 : index
        %get3A_175 = tpu.vector_load %arg6[%get3A_172, %get3A_173, %get3A_174] {strides = array<i32>} : memref<2x128x192xf32, #tpu.memory_space<vmem>>, vector<1x1x16xf32>,
        %get3A_176 = vector.shape_cast %get3A_175 : vector<1x1x16xf32> to vector<16xf32>
        %get3A_177 = arith.constant 0 : i32
        %get3A_178 = arith.index_cast %get3A_177 : i32 to index
        %get3A_179 = arith.index_cast %add3A_145 : i32 to index
        %get3A_180 = arith.constant 80 : index
        %get3A_181 = tpu.vector_load %arg6[%get3A_178, %get3A_179, %get3A_180] {strides = array<i32>} : memref<2x128x192xf32, #tpu.memory_space<vmem>>, vector<1x1x16xf32>,
        %get3A_182 = vector.shape_cast %get3A_181 : vector<1x1x16xf32> to vector<16xf32>
        %get3A_183 = arith.constant 0 : i32
        %get3A_184 = arith.index_cast %get3A_183 : i32 to index
        %get3A_185 = arith.index_cast %add3A_145 : i32 to index
        %get3A_186 = arith.constant 144 : index
        %get3A_187 = tpu.vector_load %arg6[%get3A_184, %get3A_185, %get3A_186] {strides = array<i32>} : memref<2x128x192xf32, #tpu.memory_space<vmem>>, vector<1x1x16xf32>,
        %get3A_188 = vector.shape_cast %get3A_187 : vector<1x1x16xf32> to vector<16xf32>
        %get3A_189 = arith.constant 0 : i32
        %get3A_190 = arith.index_cast %get3A_189 : i32 to index
        %get3A_191 = arith.index_cast %add3A_145 : i32 to index
        %get3A_192 = arith.constant 32 : index
        %get3A_193 = tpu.vector_load %arg6[%get3A_190, %get3A_191, %get3A_192] {strides = array<i32>} : memref<2x128x192xf32, #tpu.memory_space<vmem>>, vector<1x1x16xf32>,
        %get3A_194 = vector.shape_cast %get3A_193 : vector<1x1x16xf32> to vector<16xf32>
        %get3A_195 = arith.constant 0 : i32
        %get3A_196 = arith.index_cast %get3A_195 : i32 to index
        %get3A_197 = arith.index_cast %add3A_145 : i32 to index
        %get3A_198 = arith.constant 96 : index
        %get3A_199 = tpu.vector_load %arg6[%get3A_196, %get3A_197, %get3A_198] {strides = array<i32>} : memref<2x128x192xf32, #tpu.memory_space<vmem>>, vector<1x1x16xf32>,
        %get3A_200 = vector.shape_cast %get3A_199 : vector<1x1x16xf32> to vector<16xf32>
        %get3A_201 = arith.constant 0 : i32
        %get3A_202 = arith.index_cast %get3A_201 : i32 to index
        %get3A_203 = arith.index_cast %add3A_145 : i32 to index
        %get3A_204 = arith.constant 160 : index
        %get3A_205 = tpu.vector_load %arg6[%get3A_202, %get3A_203, %get3A_204] {strides = array<i32>} : memref<2x128x192xf32, #tpu.memory_space<vmem>>, vector<1x1x16xf32>,
        %get3A_206 = vector.shape_cast %get3A_205 : vector<1x1x16xf32> to vector<16xf32>
        %get3A_207 = arith.constant 0 : i32
        %get3A_208 = arith.index_cast %get3A_207 : i32 to index
        %get3A_209 = arith.index_cast %add3A_145 : i32 to index
        %get3A_210 = arith.constant 48 : index
        %get3A_211 = tpu.vector_load %arg6[%get3A_208, %get3A_209, %get3A_210] {strides = array<i32>} : memref<2x128x192xf32, #tpu.memory_space<vmem>>, vector<1x1x16xf32>,
        %get3A_212 = vector.shape_cast %get3A_211 : vector<1x1x16xf32> to vector<16xf32>
        %get3A_213 = arith.constant 0 : i32
        %get3A_214 = arith.index_cast %get3A_213 : i32 to index
        %get3A_215 = arith.index_cast %add3A_145 : i32 to index
        %get3A_216 = arith.constant 112 : index
        %get3A_217 = tpu.vector_load %arg6[%get3A_214, %get3A_215, %get3A_216] {strides = array<i32>} : memref<2x128x192xf32, #tpu.memory_space<vmem>>, vector<1x1x16xf32>,
        %get3A_218 = vector.shape_cast %get3A_217 : vector<1x1x16xf32> to vector<16xf32>
        %get3A_219 = arith.constant 0 : i32
        %get3A_220 = arith.index_cast %get3A_219 : i32 to index
        %get3A_221 = arith.index_cast %add3A_145 : i32 to index
        %get3A_222 = arith.constant 176 : index
        %get3A_223 = tpu.vector_load %arg6[%get3A_220, %get3A_221, %get3A_222] {strides = array<i32>} : memref<2x128x192xf32, #tpu.memory_space<vmem>>, vector<1x1x16xf32>,
        %get3A_224 = vector.shape_cast %get3A_223 : vector<1x1x16xf32> to vector<16xf32>
        %mul3A_225 = arith.constant 4 : i32
        %mul3A_226 = arith.muli %scan3A_141, %mul3A_225 : i32
        %add3A_227 = arith.constant 1 : i32
        %add3A_228 = arith.addi %mul3A_226, %add3A_227 : i32
        %mul3A_229 = arith.constant 128 : i32
        %mul3A_230 = arith.muli %add3A_50, %mul3A_229 : i32
        %add3A_231 = arith.addi %mul3A_2, %mul3A_230 : i32
        %add3A_232 = arith.addi %add3A_231, %add3A_228 : i32
        %rem3A_233 = arith.constant 200 : i32
        %rem3A_234 = arith.remsi %add3A_232, %rem3A_233 : i32
        %add3A_235 = arith.constant 1 : i32
        %add3A_236 = arith.addi %rem3A_234, %add3A_235 : i32
        %convert_element_type3A_237 = arith.sitofp %add3A_236 : i32 to f32
        %broadcast_in_dim3A_238 = vector.broadcast %convert_element_type3A_237 : f32 to vector<16xf32>
        %get3A_239 = arith.constant 0 : i32
        %get3A_240 = arith.index_cast %get3A_239 : i32 to index
        %get3A_241 = arith.index_cast %add3A_228 : i32 to index
        %get3A_242 = arith.constant 0 : index
        %get3A_243 = tpu.vector_load %arg6[%get3A_240, %get3A_241, %get3A_242] {strides = array<i32>} : memref<2x128x192xf32, #tpu.memory_space<vmem>>, vector<1x1x16xf32>,
        %get3A_244 = vector.shape_cast %get3A_243 : vector<1x1x16xf32> to vector<16xf32>
        %get3A_245 = arith.constant 0 : i32
        %get3A_246 = arith.index_cast %get3A_245 : i32 to index
        %get3A_247 = arith.index_cast %add3A_228 : i32 to index
        %get3A_248 = arith.constant 64 : index
        %get3A_249 = tpu.vector_load %arg6[%get3A_246, %get3A_247, %get3A_248] {strides = array<i32>} : memref<2x128x192xf32, #tpu.memory_space<vmem>>, vector<1x1x16xf32>,
        %get3A_250 = vector.shape_cast %get3A_249 : vector<1x1x16xf32> to vector<16xf32>
        %get3A_251 = arith.constant 0 : i32
        %get3A_252 = arith.index_cast %get3A_251 : i32 to index
        %get3A_253 = arith.index_cast %add3A_228 : i32 to index
        %get3A_254 = arith.constant 128 : index
        %get3A_255 = tpu.vector_load %arg6[%get3A_252, %get3A_253, %get3A_254] {strides = array<i32>} : memref<2x128x192xf32, #tpu.memory_space<vmem>>, vector<1x1x16xf32>,
        %get3A_256 = vector.shape_cast %get3A_255 : vector<1x1x16xf32> to vector<16xf32>
        %get3A_257 = arith.constant 0 : i32
        %get3A_258 = arith.index_cast %get3A_257 : i32 to index
        %get3A_259 = arith.index_cast %add3A_228 : i32 to index
        %get3A_260 = arith.constant 16 : index
        %get3A_261 = tpu.vector_load %arg6[%get3A_258, %get3A_259, %get3A_260] {strides = array<i32>} : memref<2x128x192xf32, #tpu.memory_space<vmem>>, vector<1x1x16xf32>,
        %get3A_262 = vector.shape_cast %get3A_261 : vector<1x1x16xf32> to vector<16xf32>
        %get3A_263 = arith.constant 0 : i32
        %get3A_264 = arith.index_cast %get3A_263 : i32 to index
        %get3A_265 = arith.index_cast %add3A_228 : i32 to index
        %get3A_266 = arith.constant 80 : index
        %get3A_267 = tpu.vector_load %arg6[%get3A_264, %get3A_265, %get3A_266] {strides = array<i32>} : memref<2x128x192xf32, #tpu.memory_space<vmem>>, vector<1x1x16xf32>,
        %get3A_268 = vector.shape_cast %get3A_267 : vector<1x1x16xf32> to vector<16xf32>
        %get3A_269 = arith.constant 0 : i32
        %get3A_270 = arith.index_cast %get3A_269 : i32 to index
        %get3A_271 = arith.index_cast %add3A_228 : i32 to index
        %get3A_272 = arith.constant 144 : index
        %get3A_273 = tpu.vector_load %arg6[%get3A_270, %get3A_271, %get3A_272] {strides = array<i32>} : memref<2x128x192xf32, #tpu.memory_space<vmem>>, vector<1x1x16xf32>,
        %get3A_274 = vector.shape_cast %get3A_273 : vector<1x1x16xf32> to vector<16xf32>
        %get3A_275 = arith.constant 0 : i32
        %get3A_276 = arith.index_cast %get3A_275 : i32 to index
        %get3A_277 = arith.index_cast %add3A_228 : i32 to index
        %get3A_278 = arith.constant 32 : index
        %get3A_279 = tpu.vector_load %arg6[%get3A_276, %get3A_277, %get3A_278] {strides = array<i32>} : memref<2x128x192xf32, #tpu.memory_space<vmem>>, vector<1x1x16xf32>,
        %get3A_280 = vector.shape_cast %get3A_279 : vector<1x1x16xf32> to vector<16xf32>
        %get3A_281 = arith.constant 0 : i32
        %get3A_282 = arith.index_cast %get3A_281 : i32 to index
        %get3A_283 = arith.index_cast %add3A_228 : i32 to index
        %get3A_284 = arith.constant 96 : index
        %get3A_285 = tpu.vector_load %arg6[%get3A_282, %get3A_283, %get3A_284] {strides = array<i32>} : memref<2x128x192xf32, #tpu.memory_space<vmem>>, vector<1x1x16xf32>,
        %get3A_286 = vector.shape_cast %get3A_285 : vector<1x1x16xf32> to vector<16xf32>
        %get3A_287 = arith.constant 0 : i32
        %get3A_288 = arith.index_cast %get3A_287 : i32 to index
        %get3A_289 = arith.index_cast %add3A_228 : i32 to index
        %get3A_290 = arith.constant 160 : index
        %get3A_291 = tpu.vector_load %arg6[%get3A_288, %get3A_289, %get3A_290] {strides = array<i32>} : memref<2x128x192xf32, #tpu.memory_space<vmem>>, vector<1x1x16xf32>,
        %get3A_292 = vector.shape_cast %get3A_291 : vector<1x1x16xf32> to vector<16xf32>
        %get3A_293 = arith.constant 0 : i32
        %get3A_294 = arith.index_cast %get3A_293 : i32 to index
        %get3A_295 = arith.index_cast %add3A_228 : i32 to index
        %get3A_296 = arith.constant 48 : index
        %get3A_297 = tpu.vector_load %arg6[%get3A_294, %get3A_295, %get3A_296] {strides = array<i32>} : memref<2x128x192xf32, #tpu.memory_space<vmem>>, vector<1x1x16xf32>,
        %get3A_298 = vector.shape_cast %get3A_297 : vector<1x1x16xf32> to vector<16xf32>
        %get3A_299 = arith.constant 0 : i32
        %get3A_300 = arith.index_cast %get3A_299 : i32 to index
        %get3A_301 = arith.index_cast %add3A_228 : i32 to index
        %get3A_302 = arith.constant 112 : index
        %get3A_303 = tpu.vector_load %arg6[%get3A_300, %get3A_301, %get3A_302] {strides = array<i32>} : memref<2x128x192xf32, #tpu.memory_space<vmem>>, vector<1x1x16xf32>,
        %get3A_304 = vector.shape_cast %get3A_303 : vector<1x1x16xf32> to vector<16xf32>
        %get3A_305 = arith.constant 0 : i32
        %get3A_306 = arith.index_cast %get3A_305 : i32 to index
        %get3A_307 = arith.index_cast %add3A_228 : i32 to index
        %get3A_308 = arith.constant 176 : index
        %get3A_309 = tpu.vector_load %arg6[%get3A_306, %get3A_307, %get3A_308] {strides = array<i32>} : memref<2x128x192xf32, #tpu.memory_space<vmem>>, vector<1x1x16xf32>,
        %get3A_310 = vector.shape_cast %get3A_309 : vector<1x1x16xf32> to vector<16xf32>
        %mul3A_311 = arith.constant 4 : i32
        %mul3A_312 = arith.muli %scan3A_141, %mul3A_311 : i32
        %add3A_313 = arith.constant 2 : i32
        %add3A_314 = arith.addi %mul3A_312, %add3A_313 : i32
        %mul3A_315 = arith.constant 128 : i32
        %mul3A_316 = arith.muli %add3A_50, %mul3A_315 : i32
        %add3A_317 = arith.addi %mul3A_2, %mul3A_316 : i32
        %add3A_318 = arith.addi %add3A_317, %add3A_314 : i32
        %rem3A_319 = arith.constant 200 : i32
        %rem3A_320 = arith.remsi %add3A_318, %rem3A_319 : i32
        %add3A_321 = arith.constant 1 : i32
        %add3A_322 = arith.addi %rem3A_320, %add3A_321 : i32
        %convert_element_type3A_323 = arith.sitofp %add3A_322 : i32 to f32
        %broadcast_in_dim3A_324 = vector.broadcast %convert_element_type3A_323 : f32 to vector<16xf32>
        %get3A_325 = arith.constant 0 : i32
        %get3A_326 = arith.index_cast %get3A_325 : i32 to index
        %get3A_327 = arith.index_cast %add3A_314 : i32 to index
        %get3A_328 = arith.constant 0 : index
        %get3A_329 = tpu.vector_load %arg6[%get3A_326, %get3A_327, %get3A_328] {strides = array<i32>} : memref<2x128x192xf32, #tpu.memory_space<vmem>>, vector<1x1x16xf32>,
        %get3A_330 = vector.shape_cast %get3A_329 : vector<1x1x16xf32> to vector<16xf32>
        %get3A_331 = arith.constant 0 : i32
        %get3A_332 = arith.index_cast %get3A_331 : i32 to index
        %get3A_333 = arith.index_cast %add3A_314 : i32 to index
        %get3A_334 = arith.constant 64 : index
        %get3A_335 = tpu.vector_load %arg6[%get3A_332, %get3A_333, %get3A_334] {strides = array<i32>} : memref<2x128x192xf32, #tpu.memory_space<vmem>>, vector<1x1x16xf32>,
        %get3A_336 = vector.shape_cast %get3A_335 : vector<1x1x16xf32> to vector<16xf32>
        %get3A_337 = arith.constant 0 : i32
        %get3A_338 = arith.index_cast %get3A_337 : i32 to index
        %get3A_339 = arith.index_cast %add3A_314 : i32 to index
        %get3A_340 = arith.constant 128 : index
        %get3A_341 = tpu.vector_load %arg6[%get3A_338, %get3A_339, %get3A_340] {strides = array<i32>} : memref<2x128x192xf32, #tpu.memory_space<vmem>>, vector<1x1x16xf32>,
        %get3A_342 = vector.shape_cast %get3A_341 : vector<1x1x16xf32> to vector<16xf32>
        %get3A_343 = arith.constant 0 : i32
        %get3A_344 = arith.index_cast %get3A_343 : i32 to index
        %get3A_345 = arith.index_cast %add3A_314 : i32 to index
        %get3A_346 = arith.constant 16 : index
        %get3A_347 = tpu.vector_load %arg6[%get3A_344, %get3A_345, %get3A_346] {strides = array<i32>} : memref<2x128x192xf32, #tpu.memory_space<vmem>>, vector<1x1x16xf32>,
        %get3A_348 = vector.shape_cast %get3A_347 : vector<1x1x16xf32> to vector<16xf32>
        %get3A_349 = arith.constant 0 : i32
        %get3A_350 = arith.index_cast %get3A_349 : i32 to index
        %get3A_351 = arith.index_cast %add3A_314 : i32 to index
        %get3A_352 = arith.constant 80 : index
        %get3A_353 = tpu.vector_load %arg6[%get3A_350, %get3A_351, %get3A_352] {strides = array<i32>} : memref<2x128x192xf32, #tpu.memory_space<vmem>>, vector<1x1x16xf32>,
        %get3A_354 = vector.shape_cast %get3A_353 : vector<1x1x16xf32> to vector<16xf32>
        %get3A_355 = arith.constant 0 : i32
        %get3A_356 = arith.index_cast %get3A_355 : i32 to index
        %get3A_357 = arith.index_cast %add3A_314 : i32 to index
        %get3A_358 = arith.constant 144 : index
        %get3A_359 = tpu.vector_load %arg6[%get3A_356, %get3A_357, %get3A_358] {strides = array<i32>} : memref<2x128x192xf32, #tpu.memory_space<vmem>>, vector<1x1x16xf32>,
        %get3A_360 = vector.shape_cast %get3A_359 : vector<1x1x16xf32> to vector<16xf32>
        %get3A_361 = arith.constant 0 : i32
        %get3A_362 = arith.index_cast %get3A_361 : i32 to index
        %get3A_363 = arith.index_cast %add3A_314 : i32 to index
        %get3A_364 = arith.constant 32 : index
        %get3A_365 = tpu.vector_load %arg6[%get3A_362, %get3A_363, %get3A_364] {strides = array<i32>} : memref<2x128x192xf32, #tpu.memory_space<vmem>>, vector<1x1x16xf32>,
        %get3A_366 = vector.shape_cast %get3A_365 : vector<1x1x16xf32> to vector<16xf32>
        %get3A_367 = arith.constant 0 : i32
        %get3A_368 = arith.index_cast %get3A_367 : i32 to index
        %get3A_369 = arith.index_cast %add3A_314 : i32 to index
        %get3A_370 = arith.constant 96 : index
        %get3A_371 = tpu.vector_load %arg6[%get3A_368, %get3A_369, %get3A_370] {strides = array<i32>} : memref<2x128x192xf32, #tpu.memory_space<vmem>>, vector<1x1x16xf32>,
        %get3A_372 = vector.shape_cast %get3A_371 : vector<1x1x16xf32> to vector<16xf32>
        %get3A_373 = arith.constant 0 : i32
        %get3A_374 = arith.index_cast %get3A_373 : i32 to index
        %get3A_375 = arith.index_cast %add3A_314 : i32 to index
        %get3A_376 = arith.constant 160 : index
        %get3A_377 = tpu.vector_load %arg6[%get3A_374, %get3A_375, %get3A_376] {strides = array<i32>} : memref<2x128x192xf32, #tpu.memory_space<vmem>>, vector<1x1x16xf32>,
        %get3A_378 = vector.shape_cast %get3A_377 : vector<1x1x16xf32> to vector<16xf32>
        %get3A_379 = arith.constant 0 : i32
        %get3A_380 = arith.index_cast %get3A_379 : i32 to index
        %get3A_381 = arith.index_cast %add3A_314 : i32 to index
        %get3A_382 = arith.constant 48 : index
        %get3A_383 = tpu.vector_load %arg6[%get3A_380, %get3A_381, %get3A_382] {strides = array<i32>} : memref<2x128x192xf32, #tpu.memory_space<vmem>>, vector<1x1x16xf32>,
        %get3A_384 = vector.shape_cast %get3A_383 : vector<1x1x16xf32> to vector<16xf32>
        %get3A_385 = arith.constant 0 : i32
        %get3A_386 = arith.index_cast %get3A_385 : i32 to index
        %get3A_387 = arith.index_cast %add3A_314 : i32 to index
        %get3A_388 = arith.constant 112 : index
        %get3A_389 = tpu.vector_load %arg6[%get3A_386, %get3A_387, %get3A_388] {strides = array<i32>} : memref<2x128x192xf32, #tpu.memory_space<vmem>>, vector<1x1x16xf32>,
        %get3A_390 = vector.shape_cast %get3A_389 : vector<1x1x16xf32> to vector<16xf32>
        %get3A_391 = arith.constant 0 : i32
        %get3A_392 = arith.index_cast %get3A_391 : i32 to index
        %get3A_393 = arith.index_cast %add3A_314 : i32 to index
        %get3A_394 = arith.constant 176 : index
        %get3A_395 = tpu.vector_load %arg6[%get3A_392, %get3A_393, %get3A_394] {strides = array<i32>} : memref<2x128x192xf32, #tpu.memory_space<vmem>>, vector<1x1x16xf32>,
        %get3A_396 = vector.shape_cast %get3A_395 : vector<1x1x16xf32> to vector<16xf32>
        %mul3A_397 = arith.constant 4 : i32
        %mul3A_398 = arith.muli %scan3A_141, %mul3A_397 : i32
        %add3A_399 = arith.constant 3 : i32
        %add3A_400 = arith.addi %mul3A_398, %add3A_399 : i32
        %mul3A_401 = arith.constant 128 : i32
        %mul3A_402 = arith.muli %add3A_50, %mul3A_401 : i32
        %add3A_403 = arith.addi %mul3A_2, %mul3A_402 : i32
        %add3A_404 = arith.addi %add3A_403, %add3A_400 : i32
        %rem3A_405 = arith.constant 200 : i32
        %rem3A_406 = arith.remsi %add3A_404, %rem3A_405 : i32
        %add3A_407 = arith.constant 1 : i32
        %add3A_408 = arith.addi %rem3A_406, %add3A_407 : i32
        %convert_element_type3A_409 = arith.sitofp %add3A_408 : i32 to f32
        %broadcast_in_dim3A_410 = vector.broadcast %convert_element_type3A_409 : f32 to vector<16xf32>
        %get3A_411 = arith.constant 0 : i32
        %get3A_412 = arith.index_cast %get3A_411 : i32 to index
        %get3A_413 = arith.index_cast %add3A_400 : i32 to index
        %get3A_414 = arith.constant 0 : index
        %get3A_415 = tpu.vector_load %arg6[%get3A_412, %get3A_413, %get3A_414] {strides = array<i32>} : memref<2x128x192xf32, #tpu.memory_space<vmem>>, vector<1x1x16xf32>,
        %get3A_416 = vector.shape_cast %get3A_415 : vector<1x1x16xf32> to vector<16xf32>
        %get3A_417 = arith.constant 0 : i32
        %get3A_418 = arith.index_cast %get3A_417 : i32 to index
        %get3A_419 = arith.index_cast %add3A_400 : i32 to index
        %get3A_420 = arith.constant 64 : index
        %get3A_421 = tpu.vector_load %arg6[%get3A_418, %get3A_419, %get3A_420] {strides = array<i32>} : memref<2x128x192xf32, #tpu.memory_space<vmem>>, vector<1x1x16xf32>,
        %get3A_422 = vector.shape_cast %get3A_421 : vector<1x1x16xf32> to vector<16xf32>
        %get3A_423 = arith.constant 0 : i32
        %get3A_424 = arith.index_cast %get3A_423 : i32 to index
        %get3A_425 = arith.index_cast %add3A_400 : i32 to index
        %get3A_426 = arith.constant 128 : index
        %get3A_427 = tpu.vector_load %arg6[%get3A_424, %get3A_425, %get3A_426] {strides = array<i32>} : memref<2x128x192xf32, #tpu.memory_space<vmem>>, vector<1x1x16xf32>,
        %get3A_428 = vector.shape_cast %get3A_427 : vector<1x1x16xf32> to vector<16xf32>
        %get3A_429 = arith.constant 0 : i32
        %get3A_430 = arith.index_cast %get3A_429 : i32 to index
        %get3A_431 = arith.index_cast %add3A_400 : i32 to index
        %get3A_432 = arith.constant 16 : index
        %get3A_433 = tpu.vector_load %arg6[%get3A_430, %get3A_431, %get3A_432] {strides = array<i32>} : memref<2x128x192xf32, #tpu.memory_space<vmem>>, vector<1x1x16xf32>,
        %get3A_434 = vector.shape_cast %get3A_433 : vector<1x1x16xf32> to vector<16xf32>
        %get3A_435 = arith.constant 0 : i32
        %get3A_436 = arith.index_cast %get3A_435 : i32 to index
        %get3A_437 = arith.index_cast %add3A_400 : i32 to index
        %get3A_438 = arith.constant 80 : index
        %get3A_439 = tpu.vector_load %arg6[%get3A_436, %get3A_437, %get3A_438] {strides = array<i32>} : memref<2x128x192xf32, #tpu.memory_space<vmem>>, vector<1x1x16xf32>,
        %get3A_440 = vector.shape_cast %get3A_439 : vector<1x1x16xf32> to vector<16xf32>
        %get3A_441 = arith.constant 0 : i32
        %get3A_442 = arith.index_cast %get3A_441 : i32 to index
        %get3A_443 = arith.index_cast %add3A_400 : i32 to index
        %get3A_444 = arith.constant 144 : index
        %get3A_445 = tpu.vector_load %arg6[%get3A_442, %get3A_443, %get3A_444] {strides = array<i32>} : memref<2x128x192xf32, #tpu.memory_space<vmem>>, vector<1x1x16xf32>,
        %get3A_446 = vector.shape_cast %get3A_445 : vector<1x1x16xf32> to vector<16xf32>
        %get3A_447 = arith.constant 0 : i32
        %get3A_448 = arith.index_cast %get3A_447 : i32 to index
        %get3A_449 = arith.index_cast %add3A_400 : i32 to index
        %get3A_450 = arith.constant 32 : index
        %get3A_451 = tpu.vector_load %arg6[%get3A_448, %get3A_449, %get3A_450] {strides = array<i32>} : memref<2x128x192xf32, #tpu.memory_space<vmem>>, vector<1x1x16xf32>,
        %get3A_452 = vector.shape_cast %get3A_451 : vector<1x1x16xf32> to vector<16xf32>
        %get3A_453 = arith.constant 0 : i32
        %get3A_454 = arith.index_cast %get3A_453 : i32 to index
        %get3A_455 = arith.index_cast %add3A_400 : i32 to index
        %get3A_456 = arith.constant 96 : index
        %get3A_457 = tpu.vector_load %arg6[%get3A_454, %get3A_455, %get3A_456] {strides = array<i32>} : memref<2x128x192xf32, #tpu.memory_space<vmem>>, vector<1x1x16xf32>,
        %get3A_458 = vector.shape_cast %get3A_457 : vector<1x1x16xf32> to vector<16xf32>
        %get3A_459 = arith.constant 0 : i32
        %get3A_460 = arith.index_cast %get3A_459 : i32 to index
        %get3A_461 = arith.index_cast %add3A_400 : i32 to index
        %get3A_462 = arith.constant 160 : index
        %get3A_463 = tpu.vector_load %arg6[%get3A_460, %get3A_461, %get3A_462] {strides = array<i32>} : memref<2x128x192xf32, #tpu.memory_space<vmem>>, vector<1x1x16xf32>,
        %get3A_464 = vector.shape_cast %get3A_463 : vector<1x1x16xf32> to vector<16xf32>
        %get3A_465 = arith.constant 0 : i32
        %get3A_466 = arith.index_cast %get3A_465 : i32 to index
        %get3A_467 = arith.index_cast %add3A_400 : i32 to index
        %get3A_468 = arith.constant 48 : index
        %get3A_469 = tpu.vector_load %arg6[%get3A_466, %get3A_467, %get3A_468] {strides = array<i32>} : memref<2x128x192xf32, #tpu.memory_space<vmem>>, vector<1x1x16xf32>,
        %get3A_470 = vector.shape_cast %get3A_469 : vector<1x1x16xf32> to vector<16xf32>
        %get3A_471 = arith.constant 0 : i32
        %get3A_472 = arith.index_cast %get3A_471 : i32 to index
        %get3A_473 = arith.index_cast %add3A_400 : i32 to index
        %get3A_474 = arith.constant 112 : index
        %get3A_475 = tpu.vector_load %arg6[%get3A_472, %get3A_473, %get3A_474] {strides = array<i32>} : memref<2x128x192xf32, #tpu.memory_space<vmem>>, vector<1x1x16xf32>,
        %get3A_476 = vector.shape_cast %get3A_475 : vector<1x1x16xf32> to vector<16xf32>
        %get3A_477 = arith.constant 0 : i32
        %get3A_478 = arith.index_cast %get3A_477 : i32 to index
        %get3A_479 = arith.index_cast %add3A_400 : i32 to index
        %get3A_480 = arith.constant 176 : index
        %get3A_481 = tpu.vector_load %arg6[%get3A_478, %get3A_479, %get3A_480] {strides = array<i32>} : memref<2x128x192xf32, #tpu.memory_space<vmem>>, vector<1x1x16xf32>,
        %get3A_482 = vector.shape_cast %get3A_481 : vector<1x1x16xf32> to vector<16xf32>
        %mul3A_483 = arith.mulf %broadcast_in_dim3A, %get3A_158 : vector<16xf32>
        %add3A_484 = arith.addf %mul3A_483, %get3A_170 : vector<16xf32>
        %add3A_485 = arith.constant 0x4B400000 : f32
        %add3A_486 = vector.broadcast %add3A_485 : f32 to vector<16xf32>
        %add3A_487 = arith.addf %add3A_484, %add3A_486 : vector<16xf32>
        %sub3A = arith.constant 0x4B400000 : f32
        %sub3A_488 = vector.broadcast %sub3A : f32 to vector<16xf32>
        %sub3A_489 = arith.subf %add3A_487, %sub3A_488 : vector<16xf32>
        %sub3A_490 = arith.subf %add3A_484, %sub3A_489 : vector<16xf32>
        %mul3A_491 = arith.mulf %sub3A_490, %sub3A_490 : vector<16xf32>
        %mul3A_492 = arith.constant -61.0896912 : f32
        %mul3A_493 = vector.broadcast %mul3A_492 : f32 to vector<16xf32>
        %mul3A_494 = arith.mulf %mul3A_493, %mul3A_491 : vector<16xf32>
        %add3A_495 = arith.constant 61.5973052 : f32
        %add3A_496 = vector.broadcast %add3A_495 : f32 to vector<16xf32>
        %add3A_497 = arith.addf %mul3A_494, %add3A_496 : vector<16xf32>
        %mul3A_498 = arith.mulf %add3A_497, %mul3A_491 : vector<16xf32>
        %add3A_499 = arith.constant -19.5911102 : f32
        %add3A_500 = vector.broadcast %add3A_499 : f32 to vector<16xf32>
        %add3A_501 = arith.addf %mul3A_498, %add3A_500 : vector<16xf32>
        %mul3A_502 = arith.mulf %add3A_501, %mul3A_491 : vector<16xf32>
        %add3A_503 = arith.constant 0.998987138 : f32
        %add3A_504 = vector.broadcast %add3A_503 : f32 to vector<16xf32>
        %add3A_505 = arith.addf %mul3A_502, %add3A_504 : vector<16xf32>
        %mul3A_506 = arith.constant -59.2468109 : f32
        %mul3A_507 = vector.broadcast %mul3A_506 : f32 to vector<16xf32>
        %mul3A_508 = arith.mulf %mul3A_507, %mul3A_491 : vector<16xf32>
        %add3A_509 = arith.constant 79.1875687 : f32
        %add3A_510 = vector.broadcast %add3A_509 : f32 to vector<16xf32>
        %add3A_511 = arith.addf %mul3A_508, %add3A_510 : vector<16xf32>
        %mul3A_512 = arith.mulf %add3A_511, %mul3A_491 : vector<16xf32>
        %add3A_513 = arith.constant -41.2340393 : f32
        %add3A_514 = vector.broadcast %add3A_513 : f32 to vector<16xf32>
        %add3A_515 = arith.addf %mul3A_512, %add3A_514 : vector<16xf32>
        %mul3A_516 = arith.mulf %add3A_515, %mul3A_491 : vector<16xf32>
        %add3A_517 = arith.constant 6.28244686 : f32
        %add3A_518 = vector.broadcast %add3A_517 : f32 to vector<16xf32>
        %add3A_519 = arith.addf %mul3A_516, %add3A_518 : vector<16xf32>
        %mul3A_520 = arith.mulf %get3A_164, %add3A_505 : vector<16xf32>
        %mul3A_521 = arith.mulf %add3A_519, %sub3A_490 : vector<16xf32>
        %mul3A_522 = arith.mulf %get3A_164, %mul3A_521 : vector<16xf32>
        %mul3A_523 = arith.mulf %broadcast_in_dim3A, %get3A_176 : vector<16xf32>
        %add3A_524 = arith.addf %mul3A_523, %get3A_188 : vector<16xf32>
        %add3A_525 = arith.constant 0x4B400000 : f32
        %add3A_526 = vector.broadcast %add3A_525 : f32 to vector<16xf32>
        %add3A_527 = arith.addf %add3A_524, %add3A_526 : vector<16xf32>
        %sub3A_528 = arith.constant 0x4B400000 : f32
        %sub3A_529 = vector.broadcast %sub3A_528 : f32 to vector<16xf32>
        %sub3A_530 = arith.subf %add3A_527, %sub3A_529 : vector<16xf32>
        %sub3A_531 = arith.subf %add3A_524, %sub3A_530 : vector<16xf32>
        %mul3A_532 = arith.mulf %sub3A_531, %sub3A_531 : vector<16xf32>
        %mul3A_533 = arith.constant -61.0896912 : f32
        %mul3A_534 = vector.broadcast %mul3A_533 : f32 to vector<16xf32>
        %mul3A_535 = arith.mulf %mul3A_534, %mul3A_532 : vector<16xf32>
        %add3A_536 = arith.constant 61.5973052 : f32
        %add3A_537 = vector.broadcast %add3A_536 : f32 to vector<16xf32>
        %add3A_538 = arith.addf %mul3A_535, %add3A_537 : vector<16xf32>
        %mul3A_539 = arith.mulf %add3A_538, %mul3A_532 : vector<16xf32>
        %add3A_540 = arith.constant -19.5911102 : f32
        %add3A_541 = vector.broadcast %add3A_540 : f32 to vector<16xf32>
        %add3A_542 = arith.addf %mul3A_539, %add3A_541 : vector<16xf32>
        %mul3A_543 = arith.mulf %add3A_542, %mul3A_532 : vector<16xf32>
        %add3A_544 = arith.constant 0.998987138 : f32
        %add3A_545 = vector.broadcast %add3A_544 : f32 to vector<16xf32>
        %add3A_546 = arith.addf %mul3A_543, %add3A_545 : vector<16xf32>
        %mul3A_547 = arith.constant -59.2468109 : f32
        %mul3A_548 = vector.broadcast %mul3A_547 : f32 to vector<16xf32>
        %mul3A_549 = arith.mulf %mul3A_548, %mul3A_532 : vector<16xf32>
        %add3A_550 = arith.constant 79.1875687 : f32
        %add3A_551 = vector.broadcast %add3A_550 : f32 to vector<16xf32>
        %add3A_552 = arith.addf %mul3A_549, %add3A_551 : vector<16xf32>
        %mul3A_553 = arith.mulf %add3A_552, %mul3A_532 : vector<16xf32>
        %add3A_554 = arith.constant -41.2340393 : f32
        %add3A_555 = vector.broadcast %add3A_554 : f32 to vector<16xf32>
        %add3A_556 = arith.addf %mul3A_553, %add3A_555 : vector<16xf32>
        %mul3A_557 = arith.mulf %add3A_556, %mul3A_532 : vector<16xf32>
        %add3A_558 = arith.constant 6.28244686 : f32
        %add3A_559 = vector.broadcast %add3A_558 : f32 to vector<16xf32>
        %add3A_560 = arith.addf %mul3A_557, %add3A_559 : vector<16xf32>
        %mul3A_561 = arith.mulf %get3A_182, %add3A_546 : vector<16xf32>
        %mul3A_562 = arith.mulf %add3A_560, %sub3A_531 : vector<16xf32>
        %mul3A_563 = arith.mulf %get3A_182, %mul3A_562 : vector<16xf32>
        %mul3A_564 = arith.mulf %broadcast_in_dim3A, %get3A_194 : vector<16xf32>
        %add3A_565 = arith.addf %mul3A_564, %get3A_206 : vector<16xf32>
        %add3A_566 = arith.constant 0x4B400000 : f32
        %add3A_567 = vector.broadcast %add3A_566 : f32 to vector<16xf32>
        %add3A_568 = arith.addf %add3A_565, %add3A_567 : vector<16xf32>
        %sub3A_569 = arith.constant 0x4B400000 : f32
        %sub3A_570 = vector.broadcast %sub3A_569 : f32 to vector<16xf32>
        %sub3A_571 = arith.subf %add3A_568, %sub3A_570 : vector<16xf32>
        %sub3A_572 = arith.subf %add3A_565, %sub3A_571 : vector<16xf32>
        %mul3A_573 = arith.mulf %sub3A_572, %sub3A_572 : vector<16xf32>
        %mul3A_574 = arith.constant -61.0896912 : f32
        %mul3A_575 = vector.broadcast %mul3A_574 : f32 to vector<16xf32>
        %mul3A_576 = arith.mulf %mul3A_575, %mul3A_573 : vector<16xf32>
        %add3A_577 = arith.constant 61.5973052 : f32
        %add3A_578 = vector.broadcast %add3A_577 : f32 to vector<16xf32>
        %add3A_579 = arith.addf %mul3A_576, %add3A_578 : vector<16xf32>
        %mul3A_580 = arith.mulf %add3A_579, %mul3A_573 : vector<16xf32>
        %add3A_581 = arith.constant -19.5911102 : f32
        %add3A_582 = vector.broadcast %add3A_581 : f32 to vector<16xf32>
        %add3A_583 = arith.addf %mul3A_580, %add3A_582 : vector<16xf32>
        %mul3A_584 = arith.mulf %add3A_583, %mul3A_573 : vector<16xf32>
        %add3A_585 = arith.constant 0.998987138 : f32
        %add3A_586 = vector.broadcast %add3A_585 : f32 to vector<16xf32>
        %add3A_587 = arith.addf %mul3A_584, %add3A_586 : vector<16xf32>
        %mul3A_588 = arith.constant -59.2468109 : f32
        %mul3A_589 = vector.broadcast %mul3A_588 : f32 to vector<16xf32>
        %mul3A_590 = arith.mulf %mul3A_589, %mul3A_573 : vector<16xf32>
        %add3A_591 = arith.constant 79.1875687 : f32
        %add3A_592 = vector.broadcast %add3A_591 : f32 to vector<16xf32>
        %add3A_593 = arith.addf %mul3A_590, %add3A_592 : vector<16xf32>
        %mul3A_594 = arith.mulf %add3A_593, %mul3A_573 : vector<16xf32>
        %add3A_595 = arith.constant -41.2340393 : f32
        %add3A_596 = vector.broadcast %add3A_595 : f32 to vector<16xf32>
        %add3A_597 = arith.addf %mul3A_594, %add3A_596 : vector<16xf32>
        %mul3A_598 = arith.mulf %add3A_597, %mul3A_573 : vector<16xf32>
        %add3A_599 = arith.constant 6.28244686 : f32
        %add3A_600 = vector.broadcast %add3A_599 : f32 to vector<16xf32>
        %add3A_601 = arith.addf %mul3A_598, %add3A_600 : vector<16xf32>
        %mul3A_602 = arith.mulf %get3A_200, %add3A_587 : vector<16xf32>
        %mul3A_603 = arith.mulf %add3A_601, %sub3A_572 : vector<16xf32>
        %mul3A_604 = arith.mulf %get3A_200, %mul3A_603 : vector<16xf32>
        %mul3A_605 = arith.mulf %broadcast_in_dim3A, %get3A_212 : vector<16xf32>
        %add3A_606 = arith.addf %mul3A_605, %get3A_224 : vector<16xf32>
        %add3A_607 = arith.constant 0x4B400000 : f32
        %add3A_608 = vector.broadcast %add3A_607 : f32 to vector<16xf32>
        %add3A_609 = arith.addf %add3A_606, %add3A_608 : vector<16xf32>
        %sub3A_610 = arith.constant 0x4B400000 : f32
        %sub3A_611 = vector.broadcast %sub3A_610 : f32 to vector<16xf32>
        %sub3A_612 = arith.subf %add3A_609, %sub3A_611 : vector<16xf32>
        %sub3A_613 = arith.subf %add3A_606, %sub3A_612 : vector<16xf32>
        %mul3A_614 = arith.mulf %sub3A_613, %sub3A_613 : vector<16xf32>
        %mul3A_615 = arith.constant -61.0896912 : f32
        %mul3A_616 = vector.broadcast %mul3A_615 : f32 to vector<16xf32>
        %mul3A_617 = arith.mulf %mul3A_616, %mul3A_614 : vector<16xf32>
        %add3A_618 = arith.constant 61.5973052 : f32
        %add3A_619 = vector.broadcast %add3A_618 : f32 to vector<16xf32>
        %add3A_620 = arith.addf %mul3A_617, %add3A_619 : vector<16xf32>
        %mul3A_621 = arith.mulf %add3A_620, %mul3A_614 : vector<16xf32>
        %add3A_622 = arith.constant -19.5911102 : f32
        %add3A_623 = vector.broadcast %add3A_622 : f32 to vector<16xf32>
        %add3A_624 = arith.addf %mul3A_621, %add3A_623 : vector<16xf32>
        %mul3A_625 = arith.mulf %add3A_624, %mul3A_614 : vector<16xf32>
        %add3A_626 = arith.constant 0.998987138 : f32
        %add3A_627 = vector.broadcast %add3A_626 : f32 to vector<16xf32>
        %add3A_628 = arith.addf %mul3A_625, %add3A_627 : vector<16xf32>
        %mul3A_629 = arith.constant -59.2468109 : f32
        %mul3A_630 = vector.broadcast %mul3A_629 : f32 to vector<16xf32>
        %mul3A_631 = arith.mulf %mul3A_630, %mul3A_614 : vector<16xf32>
        %add3A_632 = arith.constant 79.1875687 : f32
        %add3A_633 = vector.broadcast %add3A_632 : f32 to vector<16xf32>
        %add3A_634 = arith.addf %mul3A_631, %add3A_633 : vector<16xf32>
        %mul3A_635 = arith.mulf %add3A_634, %mul3A_614 : vector<16xf32>
        %add3A_636 = arith.constant -41.2340393 : f32
        %add3A_637 = vector.broadcast %add3A_636 : f32 to vector<16xf32>
        %add3A_638 = arith.addf %mul3A_635, %add3A_637 : vector<16xf32>
        %mul3A_639 = arith.mulf %add3A_638, %mul3A_614 : vector<16xf32>
        %add3A_640 = arith.constant 6.28244686 : f32
        %add3A_641 = vector.broadcast %add3A_640 : f32 to vector<16xf32>
        %add3A_642 = arith.addf %mul3A_639, %add3A_641 : vector<16xf32>
        %mul3A_643 = arith.mulf %get3A_218, %add3A_628 : vector<16xf32>
        %mul3A_644 = arith.mulf %add3A_642, %sub3A_613 : vector<16xf32>
        %mul3A_645 = arith.mulf %get3A_218, %mul3A_644 : vector<16xf32>
        %mul3A_646 = arith.mulf %broadcast_in_dim3A_238, %get3A_244 : vector<16xf32>
        %add3A_647 = arith.addf %mul3A_646, %get3A_256 : vector<16xf32>
        %add3A_648 = arith.constant 0x4B400000 : f32
        %add3A_649 = vector.broadcast %add3A_648 : f32 to vector<16xf32>
        %add3A_650 = arith.addf %add3A_647, %add3A_649 : vector<16xf32>
        %sub3A_651 = arith.constant 0x4B400000 : f32
        %sub3A_652 = vector.broadcast %sub3A_651 : f32 to vector<16xf32>
        %sub3A_653 = arith.subf %add3A_650, %sub3A_652 : vector<16xf32>
        %sub3A_654 = arith.subf %add3A_647, %sub3A_653 : vector<16xf32>
        %mul3A_655 = arith.mulf %sub3A_654, %sub3A_654 : vector<16xf32>
        %mul3A_656 = arith.constant -61.0896912 : f32
        %mul3A_657 = vector.broadcast %mul3A_656 : f32 to vector<16xf32>
        %mul3A_658 = arith.mulf %mul3A_657, %mul3A_655 : vector<16xf32>
        %add3A_659 = arith.constant 61.5973052 : f32
        %add3A_660 = vector.broadcast %add3A_659 : f32 to vector<16xf32>
        %add3A_661 = arith.addf %mul3A_658, %add3A_660 : vector<16xf32>
        %mul3A_662 = arith.mulf %add3A_661, %mul3A_655 : vector<16xf32>
        %add3A_663 = arith.constant -19.5911102 : f32
        %add3A_664 = vector.broadcast %add3A_663 : f32 to vector<16xf32>
        %add3A_665 = arith.addf %mul3A_662, %add3A_664 : vector<16xf32>
        %mul3A_666 = arith.mulf %add3A_665, %mul3A_655 : vector<16xf32>
        %add3A_667 = arith.constant 0.998987138 : f32
        %add3A_668 = vector.broadcast %add3A_667 : f32 to vector<16xf32>
        %add3A_669 = arith.addf %mul3A_666, %add3A_668 : vector<16xf32>
        %mul3A_670 = arith.constant -59.2468109 : f32
        %mul3A_671 = vector.broadcast %mul3A_670 : f32 to vector<16xf32>
        %mul3A_672 = arith.mulf %mul3A_671, %mul3A_655 : vector<16xf32>
        %add3A_673 = arith.constant 79.1875687 : f32
        %add3A_674 = vector.broadcast %add3A_673 : f32 to vector<16xf32>
        %add3A_675 = arith.addf %mul3A_672, %add3A_674 : vector<16xf32>
        %mul3A_676 = arith.mulf %add3A_675, %mul3A_655 : vector<16xf32>
        %add3A_677 = arith.constant -41.2340393 : f32
        %add3A_678 = vector.broadcast %add3A_677 : f32 to vector<16xf32>
        %add3A_679 = arith.addf %mul3A_676, %add3A_678 : vector<16xf32>
        %mul3A_680 = arith.mulf %add3A_679, %mul3A_655 : vector<16xf32>
        %add3A_681 = arith.constant 6.28244686 : f32
        %add3A_682 = vector.broadcast %add3A_681 : f32 to vector<16xf32>
        %add3A_683 = arith.addf %mul3A_680, %add3A_682 : vector<16xf32>
        %mul3A_684 = arith.mulf %get3A_250, %add3A_669 : vector<16xf32>
        %mul3A_685 = arith.mulf %add3A_683, %sub3A_654 : vector<16xf32>
        %mul3A_686 = arith.mulf %get3A_250, %mul3A_685 : vector<16xf32>
        %mul3A_687 = arith.mulf %broadcast_in_dim3A_238, %get3A_262 : vector<16xf32>
        %add3A_688 = arith.addf %mul3A_687, %get3A_274 : vector<16xf32>
        %add3A_689 = arith.constant 0x4B400000 : f32
        %add3A_690 = vector.broadcast %add3A_689 : f32 to vector<16xf32>
        %add3A_691 = arith.addf %add3A_688, %add3A_690 : vector<16xf32>
        %sub3A_692 = arith.constant 0x4B400000 : f32
        %sub3A_693 = vector.broadcast %sub3A_692 : f32 to vector<16xf32>
        %sub3A_694 = arith.subf %add3A_691, %sub3A_693 : vector<16xf32>
        %sub3A_695 = arith.subf %add3A_688, %sub3A_694 : vector<16xf32>
        %mul3A_696 = arith.mulf %sub3A_695, %sub3A_695 : vector<16xf32>
        %mul3A_697 = arith.constant -61.0896912 : f32
        %mul3A_698 = vector.broadcast %mul3A_697 : f32 to vector<16xf32>
        %mul3A_699 = arith.mulf %mul3A_698, %mul3A_696 : vector<16xf32>
        %add3A_700 = arith.constant 61.5973052 : f32
        %add3A_701 = vector.broadcast %add3A_700 : f32 to vector<16xf32>
        %add3A_702 = arith.addf %mul3A_699, %add3A_701 : vector<16xf32>
        %mul3A_703 = arith.mulf %add3A_702, %mul3A_696 : vector<16xf32>
        %add3A_704 = arith.constant -19.5911102 : f32
        %add3A_705 = vector.broadcast %add3A_704 : f32 to vector<16xf32>
        %add3A_706 = arith.addf %mul3A_703, %add3A_705 : vector<16xf32>
        %mul3A_707 = arith.mulf %add3A_706, %mul3A_696 : vector<16xf32>
        %add3A_708 = arith.constant 0.998987138 : f32
        %add3A_709 = vector.broadcast %add3A_708 : f32 to vector<16xf32>
        %add3A_710 = arith.addf %mul3A_707, %add3A_709 : vector<16xf32>
        %mul3A_711 = arith.constant -59.2468109 : f32
        %mul3A_712 = vector.broadcast %mul3A_711 : f32 to vector<16xf32>
        %mul3A_713 = arith.mulf %mul3A_712, %mul3A_696 : vector<16xf32>
        %add3A_714 = arith.constant 79.1875687 : f32
        %add3A_715 = vector.broadcast %add3A_714 : f32 to vector<16xf32>
        %add3A_716 = arith.addf %mul3A_713, %add3A_715 : vector<16xf32>
        %mul3A_717 = arith.mulf %add3A_716, %mul3A_696 : vector<16xf32>
        %add3A_718 = arith.constant -41.2340393 : f32
        %add3A_719 = vector.broadcast %add3A_718 : f32 to vector<16xf32>
        %add3A_720 = arith.addf %mul3A_717, %add3A_719 : vector<16xf32>
        %mul3A_721 = arith.mulf %add3A_720, %mul3A_696 : vector<16xf32>
        %add3A_722 = arith.constant 6.28244686 : f32
        %add3A_723 = vector.broadcast %add3A_722 : f32 to vector<16xf32>
        %add3A_724 = arith.addf %mul3A_721, %add3A_723 : vector<16xf32>
        %mul3A_725 = arith.mulf %get3A_268, %add3A_710 : vector<16xf32>
        %mul3A_726 = arith.mulf %add3A_724, %sub3A_695 : vector<16xf32>
        %mul3A_727 = arith.mulf %get3A_268, %mul3A_726 : vector<16xf32>
        %mul3A_728 = arith.mulf %broadcast_in_dim3A_238, %get3A_280 : vector<16xf32>
        %add3A_729 = arith.addf %mul3A_728, %get3A_292 : vector<16xf32>
        %add3A_730 = arith.constant 0x4B400000 : f32
        %add3A_731 = vector.broadcast %add3A_730 : f32 to vector<16xf32>
        %add3A_732 = arith.addf %add3A_729, %add3A_731 : vector<16xf32>
        %sub3A_733 = arith.constant 0x4B400000 : f32
        %sub3A_734 = vector.broadcast %sub3A_733 : f32 to vector<16xf32>
        %sub3A_735 = arith.subf %add3A_732, %sub3A_734 : vector<16xf32>
        %sub3A_736 = arith.subf %add3A_729, %sub3A_735 : vector<16xf32>
        %mul3A_737 = arith.mulf %sub3A_736, %sub3A_736 : vector<16xf32>
        %mul3A_738 = arith.constant -61.0896912 : f32
        %mul3A_739 = vector.broadcast %mul3A_738 : f32 to vector<16xf32>
        %mul3A_740 = arith.mulf %mul3A_739, %mul3A_737 : vector<16xf32>
        %add3A_741 = arith.constant 61.5973052 : f32
        %add3A_742 = vector.broadcast %add3A_741 : f32 to vector<16xf32>
        %add3A_743 = arith.addf %mul3A_740, %add3A_742 : vector<16xf32>
        %mul3A_744 = arith.mulf %add3A_743, %mul3A_737 : vector<16xf32>
        %add3A_745 = arith.constant -19.5911102 : f32
        %add3A_746 = vector.broadcast %add3A_745 : f32 to vector<16xf32>
        %add3A_747 = arith.addf %mul3A_744, %add3A_746 : vector<16xf32>
        %mul3A_748 = arith.mulf %add3A_747, %mul3A_737 : vector<16xf32>
        %add3A_749 = arith.constant 0.998987138 : f32
        %add3A_750 = vector.broadcast %add3A_749 : f32 to vector<16xf32>
        %add3A_751 = arith.addf %mul3A_748, %add3A_750 : vector<16xf32>
        %mul3A_752 = arith.constant -59.2468109 : f32
        %mul3A_753 = vector.broadcast %mul3A_752 : f32 to vector<16xf32>
        %mul3A_754 = arith.mulf %mul3A_753, %mul3A_737 : vector<16xf32>
        %add3A_755 = arith.constant 79.1875687 : f32
        %add3A_756 = vector.broadcast %add3A_755 : f32 to vector<16xf32>
        %add3A_757 = arith.addf %mul3A_754, %add3A_756 : vector<16xf32>
        %mul3A_758 = arith.mulf %add3A_757, %mul3A_737 : vector<16xf32>
        %add3A_759 = arith.constant -41.2340393 : f32
        %add3A_760 = vector.broadcast %add3A_759 : f32 to vector<16xf32>
        %add3A_761 = arith.addf %mul3A_758, %add3A_760 : vector<16xf32>
        %mul3A_762 = arith.mulf %add3A_761, %mul3A_737 : vector<16xf32>
        %add3A_763 = arith.constant 6.28244686 : f32
        %add3A_764 = vector.broadcast %add3A_763 : f32 to vector<16xf32>
        %add3A_765 = arith.addf %mul3A_762, %add3A_764 : vector<16xf32>
        %mul3A_766 = arith.mulf %get3A_286, %add3A_751 : vector<16xf32>
        %mul3A_767 = arith.mulf %add3A_765, %sub3A_736 : vector<16xf32>
        %mul3A_768 = arith.mulf %get3A_286, %mul3A_767 : vector<16xf32>
        %mul3A_769 = arith.mulf %broadcast_in_dim3A_238, %get3A_298 : vector<16xf32>
        %add3A_770 = arith.addf %mul3A_769, %get3A_310 : vector<16xf32>
        %add3A_771 = arith.constant 0x4B400000 : f32
        %add3A_772 = vector.broadcast %add3A_771 : f32 to vector<16xf32>
        %add3A_773 = arith.addf %add3A_770, %add3A_772 : vector<16xf32>
        %sub3A_774 = arith.constant 0x4B400000 : f32
        %sub3A_775 = vector.broadcast %sub3A_774 : f32 to vector<16xf32>
        %sub3A_776 = arith.subf %add3A_773, %sub3A_775 : vector<16xf32>
        %sub3A_777 = arith.subf %add3A_770, %sub3A_776 : vector<16xf32>
        %mul3A_778 = arith.mulf %sub3A_777, %sub3A_777 : vector<16xf32>
        %mul3A_779 = arith.constant -61.0896912 : f32
        %mul3A_780 = vector.broadcast %mul3A_779 : f32 to vector<16xf32>
        %mul3A_781 = arith.mulf %mul3A_780, %mul3A_778 : vector<16xf32>
        %add3A_782 = arith.constant 61.5973052 : f32
        %add3A_783 = vector.broadcast %add3A_782 : f32 to vector<16xf32>
        %add3A_784 = arith.addf %mul3A_781, %add3A_783 : vector<16xf32>
        %mul3A_785 = arith.mulf %add3A_784, %mul3A_778 : vector<16xf32>
        %add3A_786 = arith.constant -19.5911102 : f32
        %add3A_787 = vector.broadcast %add3A_786 : f32 to vector<16xf32>
        %add3A_788 = arith.addf %mul3A_785, %add3A_787 : vector<16xf32>
        %mul3A_789 = arith.mulf %add3A_788, %mul3A_778 : vector<16xf32>
        %add3A_790 = arith.constant 0.998987138 : f32
        %add3A_791 = vector.broadcast %add3A_790 : f32 to vector<16xf32>
        %add3A_792 = arith.addf %mul3A_789, %add3A_791 : vector<16xf32>
        %mul3A_793 = arith.constant -59.2468109 : f32
        %mul3A_794 = vector.broadcast %mul3A_793 : f32 to vector<16xf32>
        %mul3A_795 = arith.mulf %mul3A_794, %mul3A_778 : vector<16xf32>
        %add3A_796 = arith.constant 79.1875687 : f32
        %add3A_797 = vector.broadcast %add3A_796 : f32 to vector<16xf32>
        %add3A_798 = arith.addf %mul3A_795, %add3A_797 : vector<16xf32>
        %mul3A_799 = arith.mulf %add3A_798, %mul3A_778 : vector<16xf32>
        %add3A_800 = arith.constant -41.2340393 : f32
        %add3A_801 = vector.broadcast %add3A_800 : f32 to vector<16xf32>
        %add3A_802 = arith.addf %mul3A_799, %add3A_801 : vector<16xf32>
        %mul3A_803 = arith.mulf %add3A_802, %mul3A_778 : vector<16xf32>
        %add3A_804 = arith.constant 6.28244686 : f32
        %add3A_805 = vector.broadcast %add3A_804 : f32 to vector<16xf32>
        %add3A_806 = arith.addf %mul3A_803, %add3A_805 : vector<16xf32>
        %mul3A_807 = arith.mulf %get3A_304, %add3A_792 : vector<16xf32>
        %mul3A_808 = arith.mulf %add3A_806, %sub3A_777 : vector<16xf32>
        %mul3A_809 = arith.mulf %get3A_304, %mul3A_808 : vector<16xf32>
        %mul3A_810 = arith.mulf %broadcast_in_dim3A_324, %get3A_330 : vector<16xf32>
        %add3A_811 = arith.addf %mul3A_810, %get3A_342 : vector<16xf32>
        %add3A_812 = arith.constant 0x4B400000 : f32
        %add3A_813 = vector.broadcast %add3A_812 : f32 to vector<16xf32>
        %add3A_814 = arith.addf %add3A_811, %add3A_813 : vector<16xf32>
        %sub3A_815 = arith.constant 0x4B400000 : f32
        %sub3A_816 = vector.broadcast %sub3A_815 : f32 to vector<16xf32>
        %sub3A_817 = arith.subf %add3A_814, %sub3A_816 : vector<16xf32>
        %sub3A_818 = arith.subf %add3A_811, %sub3A_817 : vector<16xf32>
        %mul3A_819 = arith.mulf %sub3A_818, %sub3A_818 : vector<16xf32>
        %mul3A_820 = arith.constant -61.0896912 : f32
        %mul3A_821 = vector.broadcast %mul3A_820 : f32 to vector<16xf32>
        %mul3A_822 = arith.mulf %mul3A_821, %mul3A_819 : vector<16xf32>
        %add3A_823 = arith.constant 61.5973052 : f32
        %add3A_824 = vector.broadcast %add3A_823 : f32 to vector<16xf32>
        %add3A_825 = arith.addf %mul3A_822, %add3A_824 : vector<16xf32>
        %mul3A_826 = arith.mulf %add3A_825, %mul3A_819 : vector<16xf32>
        %add3A_827 = arith.constant -19.5911102 : f32
        %add3A_828 = vector.broadcast %add3A_827 : f32 to vector<16xf32>
        %add3A_829 = arith.addf %mul3A_826, %add3A_828 : vector<16xf32>
        %mul3A_830 = arith.mulf %add3A_829, %mul3A_819 : vector<16xf32>
        %add3A_831 = arith.constant 0.998987138 : f32
        %add3A_832 = vector.broadcast %add3A_831 : f32 to vector<16xf32>
        %add3A_833 = arith.addf %mul3A_830, %add3A_832 : vector<16xf32>
        %mul3A_834 = arith.constant -59.2468109 : f32
        %mul3A_835 = vector.broadcast %mul3A_834 : f32 to vector<16xf32>
        %mul3A_836 = arith.mulf %mul3A_835, %mul3A_819 : vector<16xf32>
        %add3A_837 = arith.constant 79.1875687 : f32
        %add3A_838 = vector.broadcast %add3A_837 : f32 to vector<16xf32>
        %add3A_839 = arith.addf %mul3A_836, %add3A_838 : vector<16xf32>
        %mul3A_840 = arith.mulf %add3A_839, %mul3A_819 : vector<16xf32>
        %add3A_841 = arith.constant -41.2340393 : f32
        %add3A_842 = vector.broadcast %add3A_841 : f32 to vector<16xf32>
        %add3A_843 = arith.addf %mul3A_840, %add3A_842 : vector<16xf32>
        %mul3A_844 = arith.mulf %add3A_843, %mul3A_819 : vector<16xf32>
        %add3A_845 = arith.constant 6.28244686 : f32
        %add3A_846 = vector.broadcast %add3A_845 : f32 to vector<16xf32>
        %add3A_847 = arith.addf %mul3A_844, %add3A_846 : vector<16xf32>
        %mul3A_848 = arith.mulf %get3A_336, %add3A_833 : vector<16xf32>
        %mul3A_849 = arith.mulf %add3A_847, %sub3A_818 : vector<16xf32>
        %mul3A_850 = arith.mulf %get3A_336, %mul3A_849 : vector<16xf32>
        %mul3A_851 = arith.mulf %broadcast_in_dim3A_324, %get3A_348 : vector<16xf32>
        %add3A_852 = arith.addf %mul3A_851, %get3A_360 : vector<16xf32>
        %add3A_853 = arith.constant 0x4B400000 : f32
        %add3A_854 = vector.broadcast %add3A_853 : f32 to vector<16xf32>
        %add3A_855 = arith.addf %add3A_852, %add3A_854 : vector<16xf32>
        %sub3A_856 = arith.constant 0x4B400000 : f32
        %sub3A_857 = vector.broadcast %sub3A_856 : f32 to vector<16xf32>
        %sub3A_858 = arith.subf %add3A_855, %sub3A_857 : vector<16xf32>
        %sub3A_859 = arith.subf %add3A_852, %sub3A_858 : vector<16xf32>
        %mul3A_860 = arith.mulf %sub3A_859, %sub3A_859 : vector<16xf32>
        %mul3A_861 = arith.constant -61.0896912 : f32
        %mul3A_862 = vector.broadcast %mul3A_861 : f32 to vector<16xf32>
        %mul3A_863 = arith.mulf %mul3A_862, %mul3A_860 : vector<16xf32>
        %add3A_864 = arith.constant 61.5973052 : f32
        %add3A_865 = vector.broadcast %add3A_864 : f32 to vector<16xf32>
        %add3A_866 = arith.addf %mul3A_863, %add3A_865 : vector<16xf32>
        %mul3A_867 = arith.mulf %add3A_866, %mul3A_860 : vector<16xf32>
        %add3A_868 = arith.constant -19.5911102 : f32
        %add3A_869 = vector.broadcast %add3A_868 : f32 to vector<16xf32>
        %add3A_870 = arith.addf %mul3A_867, %add3A_869 : vector<16xf32>
        %mul3A_871 = arith.mulf %add3A_870, %mul3A_860 : vector<16xf32>
        %add3A_872 = arith.constant 0.998987138 : f32
        %add3A_873 = vector.broadcast %add3A_872 : f32 to vector<16xf32>
        %add3A_874 = arith.addf %mul3A_871, %add3A_873 : vector<16xf32>
        %mul3A_875 = arith.constant -59.2468109 : f32
        %mul3A_876 = vector.broadcast %mul3A_875 : f32 to vector<16xf32>
        %mul3A_877 = arith.mulf %mul3A_876, %mul3A_860 : vector<16xf32>
        %add3A_878 = arith.constant 79.1875687 : f32
        %add3A_879 = vector.broadcast %add3A_878 : f32 to vector<16xf32>
        %add3A_880 = arith.addf %mul3A_877, %add3A_879 : vector<16xf32>
        %mul3A_881 = arith.mulf %add3A_880, %mul3A_860 : vector<16xf32>
        %add3A_882 = arith.constant -41.2340393 : f32
        %add3A_883 = vector.broadcast %add3A_882 : f32 to vector<16xf32>
        %add3A_884 = arith.addf %mul3A_881, %add3A_883 : vector<16xf32>
        %mul3A_885 = arith.mulf %add3A_884, %mul3A_860 : vector<16xf32>
        %add3A_886 = arith.constant 6.28244686 : f32
        %add3A_887 = vector.broadcast %add3A_886 : f32 to vector<16xf32>
        %add3A_888 = arith.addf %mul3A_885, %add3A_887 : vector<16xf32>
        %mul3A_889 = arith.mulf %get3A_354, %add3A_874 : vector<16xf32>
        %mul3A_890 = arith.mulf %add3A_888, %sub3A_859 : vector<16xf32>
        %mul3A_891 = arith.mulf %get3A_354, %mul3A_890 : vector<16xf32>
        %mul3A_892 = arith.mulf %broadcast_in_dim3A_324, %get3A_366 : vector<16xf32>
        %add3A_893 = arith.addf %mul3A_892, %get3A_378 : vector<16xf32>
        %add3A_894 = arith.constant 0x4B400000 : f32
        %add3A_895 = vector.broadcast %add3A_894 : f32 to vector<16xf32>
        %add3A_896 = arith.addf %add3A_893, %add3A_895 : vector<16xf32>
        %sub3A_897 = arith.constant 0x4B400000 : f32
        %sub3A_898 = vector.broadcast %sub3A_897 : f32 to vector<16xf32>
        %sub3A_899 = arith.subf %add3A_896, %sub3A_898 : vector<16xf32>
        %sub3A_900 = arith.subf %add3A_893, %sub3A_899 : vector<16xf32>
        %mul3A_901 = arith.mulf %sub3A_900, %sub3A_900 : vector<16xf32>
        %mul3A_902 = arith.constant -61.0896912 : f32
        %mul3A_903 = vector.broadcast %mul3A_902 : f32 to vector<16xf32>
        %mul3A_904 = arith.mulf %mul3A_903, %mul3A_901 : vector<16xf32>
        %add3A_905 = arith.constant 61.5973052 : f32
        %add3A_906 = vector.broadcast %add3A_905 : f32 to vector<16xf32>
        %add3A_907 = arith.addf %mul3A_904, %add3A_906 : vector<16xf32>
        %mul3A_908 = arith.mulf %add3A_907, %mul3A_901 : vector<16xf32>
        %add3A_909 = arith.constant -19.5911102 : f32
        %add3A_910 = vector.broadcast %add3A_909 : f32 to vector<16xf32>
        %add3A_911 = arith.addf %mul3A_908, %add3A_910 : vector<16xf32>
        %mul3A_912 = arith.mulf %add3A_911, %mul3A_901 : vector<16xf32>
        %add3A_913 = arith.constant 0.998987138 : f32
        %add3A_914 = vector.broadcast %add3A_913 : f32 to vector<16xf32>
        %add3A_915 = arith.addf %mul3A_912, %add3A_914 : vector<16xf32>
        %mul3A_916 = arith.constant -59.2468109 : f32
        %mul3A_917 = vector.broadcast %mul3A_916 : f32 to vector<16xf32>
        %mul3A_918 = arith.mulf %mul3A_917, %mul3A_901 : vector<16xf32>
        %add3A_919 = arith.constant 79.1875687 : f32
        %add3A_920 = vector.broadcast %add3A_919 : f32 to vector<16xf32>
        %add3A_921 = arith.addf %mul3A_918, %add3A_920 : vector<16xf32>
        %mul3A_922 = arith.mulf %add3A_921, %mul3A_901 : vector<16xf32>
        %add3A_923 = arith.constant -41.2340393 : f32
        %add3A_924 = vector.broadcast %add3A_923 : f32 to vector<16xf32>
        %add3A_925 = arith.addf %mul3A_922, %add3A_924 : vector<16xf32>
        %mul3A_926 = arith.mulf %add3A_925, %mul3A_901 : vector<16xf32>
        %add3A_927 = arith.constant 6.28244686 : f32
        %add3A_928 = vector.broadcast %add3A_927 : f32 to vector<16xf32>
        %add3A_929 = arith.addf %mul3A_926, %add3A_928 : vector<16xf32>
        %mul3A_930 = arith.mulf %get3A_372, %add3A_915 : vector<16xf32>
        %mul3A_931 = arith.mulf %add3A_929, %sub3A_900 : vector<16xf32>
        %mul3A_932 = arith.mulf %get3A_372, %mul3A_931 : vector<16xf32>
        %mul3A_933 = arith.mulf %broadcast_in_dim3A_324, %get3A_384 : vector<16xf32>
        %add3A_934 = arith.addf %mul3A_933, %get3A_396 : vector<16xf32>
        %add3A_935 = arith.constant 0x4B400000 : f32
        %add3A_936 = vector.broadcast %add3A_935 : f32 to vector<16xf32>
        %add3A_937 = arith.addf %add3A_934, %add3A_936 : vector<16xf32>
        %sub3A_938 = arith.constant 0x4B400000 : f32
        %sub3A_939 = vector.broadcast %sub3A_938 : f32 to vector<16xf32>
        %sub3A_940 = arith.subf %add3A_937, %sub3A_939 : vector<16xf32>
        %sub3A_941 = arith.subf %add3A_934, %sub3A_940 : vector<16xf32>
        %mul3A_942 = arith.mulf %sub3A_941, %sub3A_941 : vector<16xf32>
        %mul3A_943 = arith.constant -61.0896912 : f32
        %mul3A_944 = vector.broadcast %mul3A_943 : f32 to vector<16xf32>
        %mul3A_945 = arith.mulf %mul3A_944, %mul3A_942 : vector<16xf32>
        %add3A_946 = arith.constant 61.5973052 : f32
        %add3A_947 = vector.broadcast %add3A_946 : f32 to vector<16xf32>
        %add3A_948 = arith.addf %mul3A_945, %add3A_947 : vector<16xf32>
        %mul3A_949 = arith.mulf %add3A_948, %mul3A_942 : vector<16xf32>
        %add3A_950 = arith.constant -19.5911102 : f32
        %add3A_951 = vector.broadcast %add3A_950 : f32 to vector<16xf32>
        %add3A_952 = arith.addf %mul3A_949, %add3A_951 : vector<16xf32>
        %mul3A_953 = arith.mulf %add3A_952, %mul3A_942 : vector<16xf32>
        %add3A_954 = arith.constant 0.998987138 : f32
        %add3A_955 = vector.broadcast %add3A_954 : f32 to vector<16xf32>
        %add3A_956 = arith.addf %mul3A_953, %add3A_955 : vector<16xf32>
        %mul3A_957 = arith.constant -59.2468109 : f32
        %mul3A_958 = vector.broadcast %mul3A_957 : f32 to vector<16xf32>
        %mul3A_959 = arith.mulf %mul3A_958, %mul3A_942 : vector<16xf32>
        %add3A_960 = arith.constant 79.1875687 : f32
        %add3A_961 = vector.broadcast %add3A_960 : f32 to vector<16xf32>
        %add3A_962 = arith.addf %mul3A_959, %add3A_961 : vector<16xf32>
        %mul3A_963 = arith.mulf %add3A_962, %mul3A_942 : vector<16xf32>
        %add3A_964 = arith.constant -41.2340393 : f32
        %add3A_965 = vector.broadcast %add3A_964 : f32 to vector<16xf32>
        %add3A_966 = arith.addf %mul3A_963, %add3A_965 : vector<16xf32>
        %mul3A_967 = arith.mulf %add3A_966, %mul3A_942 : vector<16xf32>
        %add3A_968 = arith.constant 6.28244686 : f32
        %add3A_969 = vector.broadcast %add3A_968 : f32 to vector<16xf32>
        %add3A_970 = arith.addf %mul3A_967, %add3A_969 : vector<16xf32>
        %mul3A_971 = arith.mulf %get3A_390, %add3A_956 : vector<16xf32>
        %mul3A_972 = arith.mulf %add3A_970, %sub3A_941 : vector<16xf32>
        %mul3A_973 = arith.mulf %get3A_390, %mul3A_972 : vector<16xf32>
        %mul3A_974 = arith.mulf %broadcast_in_dim3A_410, %get3A_416 : vector<16xf32>
        %add3A_975 = arith.addf %mul3A_974, %get3A_428 : vector<16xf32>
        %add3A_976 = arith.constant 0x4B400000 : f32
        %add3A_977 = vector.broadcast %add3A_976 : f32 to vector<16xf32>
        %add3A_978 = arith.addf %add3A_975, %add3A_977 : vector<16xf32>
        %sub3A_979 = arith.constant 0x4B400000 : f32
        %sub3A_980 = vector.broadcast %sub3A_979 : f32 to vector<16xf32>
        %sub3A_981 = arith.subf %add3A_978, %sub3A_980 : vector<16xf32>
        %sub3A_982 = arith.subf %add3A_975, %sub3A_981 : vector<16xf32>
        %mul3A_983 = arith.mulf %sub3A_982, %sub3A_982 : vector<16xf32>
        %mul3A_984 = arith.constant -61.0896912 : f32
        %mul3A_985 = vector.broadcast %mul3A_984 : f32 to vector<16xf32>
        %mul3A_986 = arith.mulf %mul3A_985, %mul3A_983 : vector<16xf32>
        %add3A_987 = arith.constant 61.5973052 : f32
        %add3A_988 = vector.broadcast %add3A_987 : f32 to vector<16xf32>
        %add3A_989 = arith.addf %mul3A_986, %add3A_988 : vector<16xf32>
        %mul3A_990 = arith.mulf %add3A_989, %mul3A_983 : vector<16xf32>
        %add3A_991 = arith.constant -19.5911102 : f32
        %add3A_992 = vector.broadcast %add3A_991 : f32 to vector<16xf32>
        %add3A_993 = arith.addf %mul3A_990, %add3A_992 : vector<16xf32>
        %mul3A_994 = arith.mulf %add3A_993, %mul3A_983 : vector<16xf32>
        %add3A_995 = arith.constant 0.998987138 : f32
        %add3A_996 = vector.broadcast %add3A_995 : f32 to vector<16xf32>
        %add3A_997 = arith.addf %mul3A_994, %add3A_996 : vector<16xf32>
        %mul3A_998 = arith.constant -59.2468109 : f32
        %mul3A_999 = vector.broadcast %mul3A_998 : f32 to vector<16xf32>
        %mul3A_1000 = arith.mulf %mul3A_999, %mul3A_983 : vector<16xf32>
        %add3A_1001 = arith.constant 79.1875687 : f32
        %add3A_1002 = vector.broadcast %add3A_1001 : f32 to vector<16xf32>
        %add3A_1003 = arith.addf %mul3A_1000, %add3A_1002 : vector<16xf32>
        %mul3A_1004 = arith.mulf %add3A_1003, %mul3A_983 : vector<16xf32>
        %add3A_1005 = arith.constant -41.2340393 : f32
        %add3A_1006 = vector.broadcast %add3A_1005 : f32 to vector<16xf32>
        %add3A_1007 = arith.addf %mul3A_1004, %add3A_1006 : vector<16xf32>
        %mul3A_1008 = arith.mulf %add3A_1007, %mul3A_983 : vector<16xf32>
        %add3A_1009 = arith.constant 6.28244686 : f32
        %add3A_1010 = vector.broadcast %add3A_1009 : f32 to vector<16xf32>
        %add3A_1011 = arith.addf %mul3A_1008, %add3A_1010 : vector<16xf32>
        %mul3A_1012 = arith.mulf %get3A_422, %add3A_997 : vector<16xf32>
        %mul3A_1013 = arith.mulf %add3A_1011, %sub3A_982 : vector<16xf32>
        %mul3A_1014 = arith.mulf %get3A_422, %mul3A_1013 : vector<16xf32>
        %mul3A_1015 = arith.mulf %broadcast_in_dim3A_410, %get3A_434 : vector<16xf32>
        %add3A_1016 = arith.addf %mul3A_1015, %get3A_446 : vector<16xf32>
        %add3A_1017 = arith.constant 0x4B400000 : f32
        %add3A_1018 = vector.broadcast %add3A_1017 : f32 to vector<16xf32>
        %add3A_1019 = arith.addf %add3A_1016, %add3A_1018 : vector<16xf32>
        %sub3A_1020 = arith.constant 0x4B400000 : f32
        %sub3A_1021 = vector.broadcast %sub3A_1020 : f32 to vector<16xf32>
        %sub3A_1022 = arith.subf %add3A_1019, %sub3A_1021 : vector<16xf32>
        %sub3A_1023 = arith.subf %add3A_1016, %sub3A_1022 : vector<16xf32>
        %mul3A_1024 = arith.mulf %sub3A_1023, %sub3A_1023 : vector<16xf32>
        %mul3A_1025 = arith.constant -61.0896912 : f32
        %mul3A_1026 = vector.broadcast %mul3A_1025 : f32 to vector<16xf32>
        %mul3A_1027 = arith.mulf %mul3A_1026, %mul3A_1024 : vector<16xf32>
        %add3A_1028 = arith.constant 61.5973052 : f32
        %add3A_1029 = vector.broadcast %add3A_1028 : f32 to vector<16xf32>
        %add3A_1030 = arith.addf %mul3A_1027, %add3A_1029 : vector<16xf32>
        %mul3A_1031 = arith.mulf %add3A_1030, %mul3A_1024 : vector<16xf32>
        %add3A_1032 = arith.constant -19.5911102 : f32
        %add3A_1033 = vector.broadcast %add3A_1032 : f32 to vector<16xf32>
        %add3A_1034 = arith.addf %mul3A_1031, %add3A_1033 : vector<16xf32>
        %mul3A_1035 = arith.mulf %add3A_1034, %mul3A_1024 : vector<16xf32>
        %add3A_1036 = arith.constant 0.998987138 : f32
        %add3A_1037 = vector.broadcast %add3A_1036 : f32 to vector<16xf32>
        %add3A_1038 = arith.addf %mul3A_1035, %add3A_1037 : vector<16xf32>
        %mul3A_1039 = arith.constant -59.2468109 : f32
        %mul3A_1040 = vector.broadcast %mul3A_1039 : f32 to vector<16xf32>
        %mul3A_1041 = arith.mulf %mul3A_1040, %mul3A_1024 : vector<16xf32>
        %add3A_1042 = arith.constant 79.1875687 : f32
        %add3A_1043 = vector.broadcast %add3A_1042 : f32 to vector<16xf32>
        %add3A_1044 = arith.addf %mul3A_1041, %add3A_1043 : vector<16xf32>
        %mul3A_1045 = arith.mulf %add3A_1044, %mul3A_1024 : vector<16xf32>
        %add3A_1046 = arith.constant -41.2340393 : f32
        %add3A_1047 = vector.broadcast %add3A_1046 : f32 to vector<16xf32>
        %add3A_1048 = arith.addf %mul3A_1045, %add3A_1047 : vector<16xf32>
        %mul3A_1049 = arith.mulf %add3A_1048, %mul3A_1024 : vector<16xf32>
        %add3A_1050 = arith.constant 6.28244686 : f32
        %add3A_1051 = vector.broadcast %add3A_1050 : f32 to vector<16xf32>
        %add3A_1052 = arith.addf %mul3A_1049, %add3A_1051 : vector<16xf32>
        %mul3A_1053 = arith.mulf %get3A_440, %add3A_1038 : vector<16xf32>
        %mul3A_1054 = arith.mulf %add3A_1052, %sub3A_1023 : vector<16xf32>
        %mul3A_1055 = arith.mulf %get3A_440, %mul3A_1054 : vector<16xf32>
        %mul3A_1056 = arith.mulf %broadcast_in_dim3A_410, %get3A_452 : vector<16xf32>
        %add3A_1057 = arith.addf %mul3A_1056, %get3A_464 : vector<16xf32>
        %add3A_1058 = arith.constant 0x4B400000 : f32
        %add3A_1059 = vector.broadcast %add3A_1058 : f32 to vector<16xf32>
        %add3A_1060 = arith.addf %add3A_1057, %add3A_1059 : vector<16xf32>
        %sub3A_1061 = arith.constant 0x4B400000 : f32
        %sub3A_1062 = vector.broadcast %sub3A_1061 : f32 to vector<16xf32>
        %sub3A_1063 = arith.subf %add3A_1060, %sub3A_1062 : vector<16xf32>
        %sub3A_1064 = arith.subf %add3A_1057, %sub3A_1063 : vector<16xf32>
        %mul3A_1065 = arith.mulf %sub3A_1064, %sub3A_1064 : vector<16xf32>
        %mul3A_1066 = arith.constant -61.0896912 : f32
        %mul3A_1067 = vector.broadcast %mul3A_1066 : f32 to vector<16xf32>
        %mul3A_1068 = arith.mulf %mul3A_1067, %mul3A_1065 : vector<16xf32>
        %add3A_1069 = arith.constant 61.5973052 : f32
        %add3A_1070 = vector.broadcast %add3A_1069 : f32 to vector<16xf32>
        %add3A_1071 = arith.addf %mul3A_1068, %add3A_1070 : vector<16xf32>
        %mul3A_1072 = arith.mulf %add3A_1071, %mul3A_1065 : vector<16xf32>
        %add3A_1073 = arith.constant -19.5911102 : f32
        %add3A_1074 = vector.broadcast %add3A_1073 : f32 to vector<16xf32>
        %add3A_1075 = arith.addf %mul3A_1072, %add3A_1074 : vector<16xf32>
        %mul3A_1076 = arith.mulf %add3A_1075, %mul3A_1065 : vector<16xf32>
        %add3A_1077 = arith.constant 0.998987138 : f32
        %add3A_1078 = vector.broadcast %add3A_1077 : f32 to vector<16xf32>
        %add3A_1079 = arith.addf %mul3A_1076, %add3A_1078 : vector<16xf32>
        %mul3A_1080 = arith.constant -59.2468109 : f32
        %mul3A_1081 = vector.broadcast %mul3A_1080 : f32 to vector<16xf32>
        %mul3A_1082 = arith.mulf %mul3A_1081, %mul3A_1065 : vector<16xf32>
        %add3A_1083 = arith.constant 79.1875687 : f32
        %add3A_1084 = vector.broadcast %add3A_1083 : f32 to vector<16xf32>
        %add3A_1085 = arith.addf %mul3A_1082, %add3A_1084 : vector<16xf32>
        %mul3A_1086 = arith.mulf %add3A_1085, %mul3A_1065 : vector<16xf32>
        %add3A_1087 = arith.constant -41.2340393 : f32
        %add3A_1088 = vector.broadcast %add3A_1087 : f32 to vector<16xf32>
        %add3A_1089 = arith.addf %mul3A_1086, %add3A_1088 : vector<16xf32>
        %mul3A_1090 = arith.mulf %add3A_1089, %mul3A_1065 : vector<16xf32>
        %add3A_1091 = arith.constant 6.28244686 : f32
        %add3A_1092 = vector.broadcast %add3A_1091 : f32 to vector<16xf32>
        %add3A_1093 = arith.addf %mul3A_1090, %add3A_1092 : vector<16xf32>
        %mul3A_1094 = arith.mulf %get3A_458, %add3A_1079 : vector<16xf32>
        %mul3A_1095 = arith.mulf %add3A_1093, %sub3A_1064 : vector<16xf32>
        %mul3A_1096 = arith.mulf %get3A_458, %mul3A_1095 : vector<16xf32>
        %mul3A_1097 = arith.mulf %broadcast_in_dim3A_410, %get3A_470 : vector<16xf32>
        %add3A_1098 = arith.addf %mul3A_1097, %get3A_482 : vector<16xf32>
        %add3A_1099 = arith.constant 0x4B400000 : f32
        %add3A_1100 = vector.broadcast %add3A_1099 : f32 to vector<16xf32>
        %add3A_1101 = arith.addf %add3A_1098, %add3A_1100 : vector<16xf32>
        %sub3A_1102 = arith.constant 0x4B400000 : f32
        %sub3A_1103 = vector.broadcast %sub3A_1102 : f32 to vector<16xf32>
        %sub3A_1104 = arith.subf %add3A_1101, %sub3A_1103 : vector<16xf32>
        %sub3A_1105 = arith.subf %add3A_1098, %sub3A_1104 : vector<16xf32>
        %mul3A_1106 = arith.mulf %sub3A_1105, %sub3A_1105 : vector<16xf32>
        %mul3A_1107 = arith.constant -61.0896912 : f32
        %mul3A_1108 = vector.broadcast %mul3A_1107 : f32 to vector<16xf32>
        %mul3A_1109 = arith.mulf %mul3A_1108, %mul3A_1106 : vector<16xf32>
        %add3A_1110 = arith.constant 61.5973052 : f32
        %add3A_1111 = vector.broadcast %add3A_1110 : f32 to vector<16xf32>
        %add3A_1112 = arith.addf %mul3A_1109, %add3A_1111 : vector<16xf32>
        %mul3A_1113 = arith.mulf %add3A_1112, %mul3A_1106 : vector<16xf32>
        %add3A_1114 = arith.constant -19.5911102 : f32
        %add3A_1115 = vector.broadcast %add3A_1114 : f32 to vector<16xf32>
        %add3A_1116 = arith.addf %mul3A_1113, %add3A_1115 : vector<16xf32>
        %mul3A_1117 = arith.mulf %add3A_1116, %mul3A_1106 : vector<16xf32>
        %add3A_1118 = arith.constant 0.998987138 : f32
        %add3A_1119 = vector.broadcast %add3A_1118 : f32 to vector<16xf32>
        %add3A_1120 = arith.addf %mul3A_1117, %add3A_1119 : vector<16xf32>
        %mul3A_1121 = arith.constant -59.2468109 : f32
        %mul3A_1122 = vector.broadcast %mul3A_1121 : f32 to vector<16xf32>
        %mul3A_1123 = arith.mulf %mul3A_1122, %mul3A_1106 : vector<16xf32>
        %add3A_1124 = arith.constant 79.1875687 : f32
        %add3A_1125 = vector.broadcast %add3A_1124 : f32 to vector<16xf32>
        %add3A_1126 = arith.addf %mul3A_1123, %add3A_1125 : vector<16xf32>
        %mul3A_1127 = arith.mulf %add3A_1126, %mul3A_1106 : vector<16xf32>
        %add3A_1128 = arith.constant -41.2340393 : f32
        %add3A_1129 = vector.broadcast %add3A_1128 : f32 to vector<16xf32>
        %add3A_1130 = arith.addf %mul3A_1127, %add3A_1129 : vector<16xf32>
        %mul3A_1131 = arith.mulf %add3A_1130, %mul3A_1106 : vector<16xf32>
        %add3A_1132 = arith.constant 6.28244686 : f32
        %add3A_1133 = vector.broadcast %add3A_1132 : f32 to vector<16xf32>
        %add3A_1134 = arith.addf %mul3A_1131, %add3A_1133 : vector<16xf32>
        %mul3A_1135 = arith.mulf %get3A_476, %add3A_1120 : vector<16xf32>
        %mul3A_1136 = arith.mulf %add3A_1134, %sub3A_1105 : vector<16xf32>
        %mul3A_1137 = arith.mulf %get3A_476, %mul3A_1136 : vector<16xf32>
        %swap3A = arith.constant 0 : i32
        %swap3A_1138 = arith.index_cast %swap3A : i32 to index
        %swap3A_1139 = arith.index_cast %add3A_145 : i32 to index
        %swap3A_1140 = arith.constant 0 : index
        %swap3A_1141 = tpu.vector_load %arg7[%swap3A_1138, %swap3A_1139, %swap3A_1140] {strides = array<i32>} : memref<2x128x128xf32, #tpu.memory_space<vmem>>, vector<1x1x16xf32>,
        %swap3A_1142 = vector.shape_cast %swap3A_1141 : vector<1x1x16xf32> to vector<16xf32>
        %swap3A_1143 = vector.shape_cast %mul3A_520 : vector<16xf32> to vector<1x1x16xf32>
        tpu.vector_store %arg7[%swap3A_1138, %swap3A_1139, %swap3A_1140], %swap3A_1143 {strides = array<i32>} : memref<2x128x128xf32, #tpu.memory_space<vmem>>, vector<1x1x16xf32>,
        %swap3A_1144 = arith.constant 0 : i32
        %swap3A_1145 = arith.index_cast %swap3A_1144 : i32 to index
        %swap3A_1146 = arith.index_cast %add3A_145 : i32 to index
        %swap3A_1147 = arith.constant 64 : index
        %swap3A_1148 = tpu.vector_load %arg7[%swap3A_1145, %swap3A_1146, %swap3A_1147] {strides = array<i32>} : memref<2x128x128xf32, #tpu.memory_space<vmem>>, vector<1x1x16xf32>,
        %swap3A_1149 = vector.shape_cast %swap3A_1148 : vector<1x1x16xf32> to vector<16xf32>
        %swap3A_1150 = vector.shape_cast %mul3A_522 : vector<16xf32> to vector<1x1x16xf32>
        tpu.vector_store %arg7[%swap3A_1145, %swap3A_1146, %swap3A_1147], %swap3A_1150 {strides = array<i32>} : memref<2x128x128xf32, #tpu.memory_space<vmem>>, vector<1x1x16xf32>,
        %swap3A_1151 = arith.constant 0 : i32
        %swap3A_1152 = arith.index_cast %swap3A_1151 : i32 to index
        %swap3A_1153 = arith.index_cast %add3A_145 : i32 to index
        %swap3A_1154 = arith.constant 16 : index
        %swap3A_1155 = tpu.vector_load %arg7[%swap3A_1152, %swap3A_1153, %swap3A_1154] {strides = array<i32>} : memref<2x128x128xf32, #tpu.memory_space<vmem>>, vector<1x1x16xf32>,
        %swap3A_1156 = vector.shape_cast %swap3A_1155 : vector<1x1x16xf32> to vector<16xf32>
        %swap3A_1157 = vector.shape_cast %mul3A_561 : vector<16xf32> to vector<1x1x16xf32>
        tpu.vector_store %arg7[%swap3A_1152, %swap3A_1153, %swap3A_1154], %swap3A_1157 {strides = array<i32>} : memref<2x128x128xf32, #tpu.memory_space<vmem>>, vector<1x1x16xf32>,
        %swap3A_1158 = arith.constant 0 : i32
        %swap3A_1159 = arith.index_cast %swap3A_1158 : i32 to index
        %swap3A_1160 = arith.index_cast %add3A_145 : i32 to index
        %swap3A_1161 = arith.constant 80 : index
        %swap3A_1162 = tpu.vector_load %arg7[%swap3A_1159, %swap3A_1160, %swap3A_1161] {strides = array<i32>} : memref<2x128x128xf32, #tpu.memory_space<vmem>>, vector<1x1x16xf32>,
        %swap3A_1163 = vector.shape_cast %swap3A_1162 : vector<1x1x16xf32> to vector<16xf32>
        %swap3A_1164 = vector.shape_cast %mul3A_563 : vector<16xf32> to vector<1x1x16xf32>
        tpu.vector_store %arg7[%swap3A_1159, %swap3A_1160, %swap3A_1161], %swap3A_1164 {strides = array<i32>} : memref<2x128x128xf32, #tpu.memory_space<vmem>>, vector<1x1x16xf32>,
        %swap3A_1165 = arith.constant 0 : i32
        %swap3A_1166 = arith.index_cast %swap3A_1165 : i32 to index
        %swap3A_1167 = arith.index_cast %add3A_145 : i32 to index
        %swap3A_1168 = arith.constant 32 : index
        %swap3A_1169 = tpu.vector_load %arg7[%swap3A_1166, %swap3A_1167, %swap3A_1168] {strides = array<i32>} : memref<2x128x128xf32, #tpu.memory_space<vmem>>, vector<1x1x16xf32>,
        %swap3A_1170 = vector.shape_cast %swap3A_1169 : vector<1x1x16xf32> to vector<16xf32>
        %swap3A_1171 = vector.shape_cast %mul3A_602 : vector<16xf32> to vector<1x1x16xf32>
        tpu.vector_store %arg7[%swap3A_1166, %swap3A_1167, %swap3A_1168], %swap3A_1171 {strides = array<i32>} : memref<2x128x128xf32, #tpu.memory_space<vmem>>, vector<1x1x16xf32>,
        %swap3A_1172 = arith.constant 0 : i32
        %swap3A_1173 = arith.index_cast %swap3A_1172 : i32 to index
        %swap3A_1174 = arith.index_cast %add3A_145 : i32 to index
        %swap3A_1175 = arith.constant 96 : index
        %swap3A_1176 = tpu.vector_load %arg7[%swap3A_1173, %swap3A_1174, %swap3A_1175] {strides = array<i32>} : memref<2x128x128xf32, #tpu.memory_space<vmem>>, vector<1x1x16xf32>,
        %swap3A_1177 = vector.shape_cast %swap3A_1176 : vector<1x1x16xf32> to vector<16xf32>
        %swap3A_1178 = vector.shape_cast %mul3A_604 : vector<16xf32> to vector<1x1x16xf32>
        tpu.vector_store %arg7[%swap3A_1173, %swap3A_1174, %swap3A_1175], %swap3A_1178 {strides = array<i32>} : memref<2x128x128xf32, #tpu.memory_space<vmem>>, vector<1x1x16xf32>,
        %swap3A_1179 = arith.constant 0 : i32
        %swap3A_1180 = arith.index_cast %swap3A_1179 : i32 to index
        %swap3A_1181 = arith.index_cast %add3A_145 : i32 to index
        %swap3A_1182 = arith.constant 48 : index
        %swap3A_1183 = tpu.vector_load %arg7[%swap3A_1180, %swap3A_1181, %swap3A_1182] {strides = array<i32>} : memref<2x128x128xf32, #tpu.memory_space<vmem>>, vector<1x1x16xf32>,
        %swap3A_1184 = vector.shape_cast %swap3A_1183 : vector<1x1x16xf32> to vector<16xf32>
        %swap3A_1185 = vector.shape_cast %mul3A_643 : vector<16xf32> to vector<1x1x16xf32>
        tpu.vector_store %arg7[%swap3A_1180, %swap3A_1181, %swap3A_1182], %swap3A_1185 {strides = array<i32>} : memref<2x128x128xf32, #tpu.memory_space<vmem>>, vector<1x1x16xf32>,
        %swap3A_1186 = arith.constant 0 : i32
        %swap3A_1187 = arith.index_cast %swap3A_1186 : i32 to index
        %swap3A_1188 = arith.index_cast %add3A_145 : i32 to index
        %swap3A_1189 = arith.constant 112 : index
        %swap3A_1190 = tpu.vector_load %arg7[%swap3A_1187, %swap3A_1188, %swap3A_1189] {strides = array<i32>} : memref<2x128x128xf32, #tpu.memory_space<vmem>>, vector<1x1x16xf32>,
        %swap3A_1191 = vector.shape_cast %swap3A_1190 : vector<1x1x16xf32> to vector<16xf32>
        %swap3A_1192 = vector.shape_cast %mul3A_645 : vector<16xf32> to vector<1x1x16xf32>
        tpu.vector_store %arg7[%swap3A_1187, %swap3A_1188, %swap3A_1189], %swap3A_1192 {strides = array<i32>} : memref<2x128x128xf32, #tpu.memory_space<vmem>>, vector<1x1x16xf32>,
        %swap3A_1193 = arith.constant 0 : i32
        %swap3A_1194 = arith.index_cast %swap3A_1193 : i32 to index
        %swap3A_1195 = arith.index_cast %add3A_228 : i32 to index
        %swap3A_1196 = arith.constant 0 : index
        %swap3A_1197 = tpu.vector_load %arg7[%swap3A_1194, %swap3A_1195, %swap3A_1196] {strides = array<i32>} : memref<2x128x128xf32, #tpu.memory_space<vmem>>, vector<1x1x16xf32>,
        %swap3A_1198 = vector.shape_cast %swap3A_1197 : vector<1x1x16xf32> to vector<16xf32>
        %swap3A_1199 = vector.shape_cast %mul3A_684 : vector<16xf32> to vector<1x1x16xf32>
        tpu.vector_store %arg7[%swap3A_1194, %swap3A_1195, %swap3A_1196], %swap3A_1199 {strides = array<i32>} : memref<2x128x128xf32, #tpu.memory_space<vmem>>, vector<1x1x16xf32>,
        %swap3A_1200 = arith.constant 0 : i32
        %swap3A_1201 = arith.index_cast %swap3A_1200 : i32 to index
        %swap3A_1202 = arith.index_cast %add3A_228 : i32 to index
        %swap3A_1203 = arith.constant 64 : index
        %swap3A_1204 = tpu.vector_load %arg7[%swap3A_1201, %swap3A_1202, %swap3A_1203] {strides = array<i32>} : memref<2x128x128xf32, #tpu.memory_space<vmem>>, vector<1x1x16xf32>,
        %swap3A_1205 = vector.shape_cast %swap3A_1204 : vector<1x1x16xf32> to vector<16xf32>
        %swap3A_1206 = vector.shape_cast %mul3A_686 : vector<16xf32> to vector<1x1x16xf32>
        tpu.vector_store %arg7[%swap3A_1201, %swap3A_1202, %swap3A_1203], %swap3A_1206 {strides = array<i32>} : memref<2x128x128xf32, #tpu.memory_space<vmem>>, vector<1x1x16xf32>,
        %swap3A_1207 = arith.constant 0 : i32
        %swap3A_1208 = arith.index_cast %swap3A_1207 : i32 to index
        %swap3A_1209 = arith.index_cast %add3A_228 : i32 to index
        %swap3A_1210 = arith.constant 16 : index
        %swap3A_1211 = tpu.vector_load %arg7[%swap3A_1208, %swap3A_1209, %swap3A_1210] {strides = array<i32>} : memref<2x128x128xf32, #tpu.memory_space<vmem>>, vector<1x1x16xf32>,
        %swap3A_1212 = vector.shape_cast %swap3A_1211 : vector<1x1x16xf32> to vector<16xf32>
        %swap3A_1213 = vector.shape_cast %mul3A_725 : vector<16xf32> to vector<1x1x16xf32>
        tpu.vector_store %arg7[%swap3A_1208, %swap3A_1209, %swap3A_1210], %swap3A_1213 {strides = array<i32>} : memref<2x128x128xf32, #tpu.memory_space<vmem>>, vector<1x1x16xf32>,
        %swap3A_1214 = arith.constant 0 : i32
        %swap3A_1215 = arith.index_cast %swap3A_1214 : i32 to index
        %swap3A_1216 = arith.index_cast %add3A_228 : i32 to index
        %swap3A_1217 = arith.constant 80 : index
        %swap3A_1218 = tpu.vector_load %arg7[%swap3A_1215, %swap3A_1216, %swap3A_1217] {strides = array<i32>} : memref<2x128x128xf32, #tpu.memory_space<vmem>>, vector<1x1x16xf32>,
        %swap3A_1219 = vector.shape_cast %swap3A_1218 : vector<1x1x16xf32> to vector<16xf32>
        %swap3A_1220 = vector.shape_cast %mul3A_727 : vector<16xf32> to vector<1x1x16xf32>
        tpu.vector_store %arg7[%swap3A_1215, %swap3A_1216, %swap3A_1217], %swap3A_1220 {strides = array<i32>} : memref<2x128x128xf32, #tpu.memory_space<vmem>>, vector<1x1x16xf32>,
        %swap3A_1221 = arith.constant 0 : i32
        %swap3A_1222 = arith.index_cast %swap3A_1221 : i32 to index
        %swap3A_1223 = arith.index_cast %add3A_228 : i32 to index
        %swap3A_1224 = arith.constant 32 : index
        %swap3A_1225 = tpu.vector_load %arg7[%swap3A_1222, %swap3A_1223, %swap3A_1224] {strides = array<i32>} : memref<2x128x128xf32, #tpu.memory_space<vmem>>, vector<1x1x16xf32>,
        %swap3A_1226 = vector.shape_cast %swap3A_1225 : vector<1x1x16xf32> to vector<16xf32>
        %swap3A_1227 = vector.shape_cast %mul3A_766 : vector<16xf32> to vector<1x1x16xf32>
        tpu.vector_store %arg7[%swap3A_1222, %swap3A_1223, %swap3A_1224], %swap3A_1227 {strides = array<i32>} : memref<2x128x128xf32, #tpu.memory_space<vmem>>, vector<1x1x16xf32>,
        %swap3A_1228 = arith.constant 0 : i32
        %swap3A_1229 = arith.index_cast %swap3A_1228 : i32 to index
        %swap3A_1230 = arith.index_cast %add3A_228 : i32 to index
        %swap3A_1231 = arith.constant 96 : index
        %swap3A_1232 = tpu.vector_load %arg7[%swap3A_1229, %swap3A_1230, %swap3A_1231] {strides = array<i32>} : memref<2x128x128xf32, #tpu.memory_space<vmem>>, vector<1x1x16xf32>,
        %swap3A_1233 = vector.shape_cast %swap3A_1232 : vector<1x1x16xf32> to vector<16xf32>
        %swap3A_1234 = vector.shape_cast %mul3A_768 : vector<16xf32> to vector<1x1x16xf32>
        tpu.vector_store %arg7[%swap3A_1229, %swap3A_1230, %swap3A_1231], %swap3A_1234 {strides = array<i32>} : memref<2x128x128xf32, #tpu.memory_space<vmem>>, vector<1x1x16xf32>,
        %swap3A_1235 = arith.constant 0 : i32
        %swap3A_1236 = arith.index_cast %swap3A_1235 : i32 to index
        %swap3A_1237 = arith.index_cast %add3A_228 : i32 to index
        %swap3A_1238 = arith.constant 48 : index
        %swap3A_1239 = tpu.vector_load %arg7[%swap3A_1236, %swap3A_1237, %swap3A_1238] {strides = array<i32>} : memref<2x128x128xf32, #tpu.memory_space<vmem>>, vector<1x1x16xf32>,
        %swap3A_1240 = vector.shape_cast %swap3A_1239 : vector<1x1x16xf32> to vector<16xf32>
        %swap3A_1241 = vector.shape_cast %mul3A_807 : vector<16xf32> to vector<1x1x16xf32>
        tpu.vector_store %arg7[%swap3A_1236, %swap3A_1237, %swap3A_1238], %swap3A_1241 {strides = array<i32>} : memref<2x128x128xf32, #tpu.memory_space<vmem>>, vector<1x1x16xf32>,
        %swap3A_1242 = arith.constant 0 : i32
        %swap3A_1243 = arith.index_cast %swap3A_1242 : i32 to index
        %swap3A_1244 = arith.index_cast %add3A_228 : i32 to index
        %swap3A_1245 = arith.constant 112 : index
        %swap3A_1246 = tpu.vector_load %arg7[%swap3A_1243, %swap3A_1244, %swap3A_1245] {strides = array<i32>} : memref<2x128x128xf32, #tpu.memory_space<vmem>>, vector<1x1x16xf32>,
        %swap3A_1247 = vector.shape_cast %swap3A_1246 : vector<1x1x16xf32> to vector<16xf32>
        %swap3A_1248 = vector.shape_cast %mul3A_809 : vector<16xf32> to vector<1x1x16xf32>
        tpu.vector_store %arg7[%swap3A_1243, %swap3A_1244, %swap3A_1245], %swap3A_1248 {strides = array<i32>} : memref<2x128x128xf32, #tpu.memory_space<vmem>>, vector<1x1x16xf32>,
        %swap3A_1249 = arith.constant 0 : i32
        %swap3A_1250 = arith.index_cast %swap3A_1249 : i32 to index
        %swap3A_1251 = arith.index_cast %add3A_314 : i32 to index
        %swap3A_1252 = arith.constant 0 : index
        %swap3A_1253 = tpu.vector_load %arg7[%swap3A_1250, %swap3A_1251, %swap3A_1252] {strides = array<i32>} : memref<2x128x128xf32, #tpu.memory_space<vmem>>, vector<1x1x16xf32>,
        %swap3A_1254 = vector.shape_cast %swap3A_1253 : vector<1x1x16xf32> to vector<16xf32>
        %swap3A_1255 = vector.shape_cast %mul3A_848 : vector<16xf32> to vector<1x1x16xf32>
        tpu.vector_store %arg7[%swap3A_1250, %swap3A_1251, %swap3A_1252], %swap3A_1255 {strides = array<i32>} : memref<2x128x128xf32, #tpu.memory_space<vmem>>, vector<1x1x16xf32>,
        %swap3A_1256 = arith.constant 0 : i32
        %swap3A_1257 = arith.index_cast %swap3A_1256 : i32 to index
        %swap3A_1258 = arith.index_cast %add3A_314 : i32 to index
        %swap3A_1259 = arith.constant 64 : index
        %swap3A_1260 = tpu.vector_load %arg7[%swap3A_1257, %swap3A_1258, %swap3A_1259] {strides = array<i32>} : memref<2x128x128xf32, #tpu.memory_space<vmem>>, vector<1x1x16xf32>,
        %swap3A_1261 = vector.shape_cast %swap3A_1260 : vector<1x1x16xf32> to vector<16xf32>
        %swap3A_1262 = vector.shape_cast %mul3A_850 : vector<16xf32> to vector<1x1x16xf32>
        tpu.vector_store %arg7[%swap3A_1257, %swap3A_1258, %swap3A_1259], %swap3A_1262 {strides = array<i32>} : memref<2x128x128xf32, #tpu.memory_space<vmem>>, vector<1x1x16xf32>,
        %swap3A_1263 = arith.constant 0 : i32
        %swap3A_1264 = arith.index_cast %swap3A_1263 : i32 to index
        %swap3A_1265 = arith.index_cast %add3A_314 : i32 to index
        %swap3A_1266 = arith.constant 16 : index
        %swap3A_1267 = tpu.vector_load %arg7[%swap3A_1264, %swap3A_1265, %swap3A_1266] {strides = array<i32>} : memref<2x128x128xf32, #tpu.memory_space<vmem>>, vector<1x1x16xf32>,
        %swap3A_1268 = vector.shape_cast %swap3A_1267 : vector<1x1x16xf32> to vector<16xf32>
        %swap3A_1269 = vector.shape_cast %mul3A_889 : vector<16xf32> to vector<1x1x16xf32>
        tpu.vector_store %arg7[%swap3A_1264, %swap3A_1265, %swap3A_1266], %swap3A_1269 {strides = array<i32>} : memref<2x128x128xf32, #tpu.memory_space<vmem>>, vector<1x1x16xf32>,
        %swap3A_1270 = arith.constant 0 : i32
        %swap3A_1271 = arith.index_cast %swap3A_1270 : i32 to index
        %swap3A_1272 = arith.index_cast %add3A_314 : i32 to index
        %swap3A_1273 = arith.constant 80 : index
        %swap3A_1274 = tpu.vector_load %arg7[%swap3A_1271, %swap3A_1272, %swap3A_1273] {strides = array<i32>} : memref<2x128x128xf32, #tpu.memory_space<vmem>>, vector<1x1x16xf32>,
        %swap3A_1275 = vector.shape_cast %swap3A_1274 : vector<1x1x16xf32> to vector<16xf32>
        %swap3A_1276 = vector.shape_cast %mul3A_891 : vector<16xf32> to vector<1x1x16xf32>
        tpu.vector_store %arg7[%swap3A_1271, %swap3A_1272, %swap3A_1273], %swap3A_1276 {strides = array<i32>} : memref<2x128x128xf32, #tpu.memory_space<vmem>>, vector<1x1x16xf32>,
        %swap3A_1277 = arith.constant 0 : i32
        %swap3A_1278 = arith.index_cast %swap3A_1277 : i32 to index
        %swap3A_1279 = arith.index_cast %add3A_314 : i32 to index
        %swap3A_1280 = arith.constant 32 : index
        %swap3A_1281 = tpu.vector_load %arg7[%swap3A_1278, %swap3A_1279, %swap3A_1280] {strides = array<i32>} : memref<2x128x128xf32, #tpu.memory_space<vmem>>, vector<1x1x16xf32>,
        %swap3A_1282 = vector.shape_cast %swap3A_1281 : vector<1x1x16xf32> to vector<16xf32>
        %swap3A_1283 = vector.shape_cast %mul3A_930 : vector<16xf32> to vector<1x1x16xf32>
        tpu.vector_store %arg7[%swap3A_1278, %swap3A_1279, %swap3A_1280], %swap3A_1283 {strides = array<i32>} : memref<2x128x128xf32, #tpu.memory_space<vmem>>, vector<1x1x16xf32>,
        %swap3A_1284 = arith.constant 0 : i32
        %swap3A_1285 = arith.index_cast %swap3A_1284 : i32 to index
        %swap3A_1286 = arith.index_cast %add3A_314 : i32 to index
        %swap3A_1287 = arith.constant 96 : index
        %swap3A_1288 = tpu.vector_load %arg7[%swap3A_1285, %swap3A_1286, %swap3A_1287] {strides = array<i32>} : memref<2x128x128xf32, #tpu.memory_space<vmem>>, vector<1x1x16xf32>,
        %swap3A_1289 = vector.shape_cast %swap3A_1288 : vector<1x1x16xf32> to vector<16xf32>
        %swap3A_1290 = vector.shape_cast %mul3A_932 : vector<16xf32> to vector<1x1x16xf32>
        tpu.vector_store %arg7[%swap3A_1285, %swap3A_1286, %swap3A_1287], %swap3A_1290 {strides = array<i32>} : memref<2x128x128xf32, #tpu.memory_space<vmem>>, vector<1x1x16xf32>,
        %swap3A_1291 = arith.constant 0 : i32
        %swap3A_1292 = arith.index_cast %swap3A_1291 : i32 to index
        %swap3A_1293 = arith.index_cast %add3A_314 : i32 to index
        %swap3A_1294 = arith.constant 48 : index
        %swap3A_1295 = tpu.vector_load %arg7[%swap3A_1292, %swap3A_1293, %swap3A_1294] {strides = array<i32>} : memref<2x128x128xf32, #tpu.memory_space<vmem>>, vector<1x1x16xf32>,
        %swap3A_1296 = vector.shape_cast %swap3A_1295 : vector<1x1x16xf32> to vector<16xf32>
        %swap3A_1297 = vector.shape_cast %mul3A_971 : vector<16xf32> to vector<1x1x16xf32>
        tpu.vector_store %arg7[%swap3A_1292, %swap3A_1293, %swap3A_1294], %swap3A_1297 {strides = array<i32>} : memref<2x128x128xf32, #tpu.memory_space<vmem>>, vector<1x1x16xf32>,
        %swap3A_1298 = arith.constant 0 : i32
        %swap3A_1299 = arith.index_cast %swap3A_1298 : i32 to index
        %swap3A_1300 = arith.index_cast %add3A_314 : i32 to index
        %swap3A_1301 = arith.constant 112 : index
        %swap3A_1302 = tpu.vector_load %arg7[%swap3A_1299, %swap3A_1300, %swap3A_1301] {strides = array<i32>} : memref<2x128x128xf32, #tpu.memory_space<vmem>>, vector<1x1x16xf32>,
        %swap3A_1303 = vector.shape_cast %swap3A_1302 : vector<1x1x16xf32> to vector<16xf32>
        %swap3A_1304 = vector.shape_cast %mul3A_973 : vector<16xf32> to vector<1x1x16xf32>
        tpu.vector_store %arg7[%swap3A_1299, %swap3A_1300, %swap3A_1301], %swap3A_1304 {strides = array<i32>} : memref<2x128x128xf32, #tpu.memory_space<vmem>>, vector<1x1x16xf32>,
        %swap3A_1305 = arith.constant 0 : i32
        %swap3A_1306 = arith.index_cast %swap3A_1305 : i32 to index
        %swap3A_1307 = arith.index_cast %add3A_400 : i32 to index
        %swap3A_1308 = arith.constant 0 : index
        %swap3A_1309 = tpu.vector_load %arg7[%swap3A_1306, %swap3A_1307, %swap3A_1308] {strides = array<i32>} : memref<2x128x128xf32, #tpu.memory_space<vmem>>, vector<1x1x16xf32>,
        %swap3A_1310 = vector.shape_cast %swap3A_1309 : vector<1x1x16xf32> to vector<16xf32>
        %swap3A_1311 = vector.shape_cast %mul3A_1012 : vector<16xf32> to vector<1x1x16xf32>
        tpu.vector_store %arg7[%swap3A_1306, %swap3A_1307, %swap3A_1308], %swap3A_1311 {strides = array<i32>} : memref<2x128x128xf32, #tpu.memory_space<vmem>>, vector<1x1x16xf32>,
        %swap3A_1312 = arith.constant 0 : i32
        %swap3A_1313 = arith.index_cast %swap3A_1312 : i32 to index
        %swap3A_1314 = arith.index_cast %add3A_400 : i32 to index
        %swap3A_1315 = arith.constant 64 : index
        %swap3A_1316 = tpu.vector_load %arg7[%swap3A_1313, %swap3A_1314, %swap3A_1315] {strides = array<i32>} : memref<2x128x128xf32, #tpu.memory_space<vmem>>, vector<1x1x16xf32>,
        %swap3A_1317 = vector.shape_cast %swap3A_1316 : vector<1x1x16xf32> to vector<16xf32>
        %swap3A_1318 = vector.shape_cast %mul3A_1014 : vector<16xf32> to vector<1x1x16xf32>
        tpu.vector_store %arg7[%swap3A_1313, %swap3A_1314, %swap3A_1315], %swap3A_1318 {strides = array<i32>} : memref<2x128x128xf32, #tpu.memory_space<vmem>>, vector<1x1x16xf32>,
        %swap3A_1319 = arith.constant 0 : i32
        %swap3A_1320 = arith.index_cast %swap3A_1319 : i32 to index
        %swap3A_1321 = arith.index_cast %add3A_400 : i32 to index
        %swap3A_1322 = arith.constant 16 : index
        %swap3A_1323 = tpu.vector_load %arg7[%swap3A_1320, %swap3A_1321, %swap3A_1322] {strides = array<i32>} : memref<2x128x128xf32, #tpu.memory_space<vmem>>, vector<1x1x16xf32>,
        %swap3A_1324 = vector.shape_cast %swap3A_1323 : vector<1x1x16xf32> to vector<16xf32>
        %swap3A_1325 = vector.shape_cast %mul3A_1053 : vector<16xf32> to vector<1x1x16xf32>
        tpu.vector_store %arg7[%swap3A_1320, %swap3A_1321, %swap3A_1322], %swap3A_1325 {strides = array<i32>} : memref<2x128x128xf32, #tpu.memory_space<vmem>>, vector<1x1x16xf32>,
        %swap3A_1326 = arith.constant 0 : i32
        %swap3A_1327 = arith.index_cast %swap3A_1326 : i32 to index
        %swap3A_1328 = arith.index_cast %add3A_400 : i32 to index
        %swap3A_1329 = arith.constant 80 : index
        %swap3A_1330 = tpu.vector_load %arg7[%swap3A_1327, %swap3A_1328, %swap3A_1329] {strides = array<i32>} : memref<2x128x128xf32, #tpu.memory_space<vmem>>, vector<1x1x16xf32>,
        %swap3A_1331 = vector.shape_cast %swap3A_1330 : vector<1x1x16xf32> to vector<16xf32>
        %swap3A_1332 = vector.shape_cast %mul3A_1055 : vector<16xf32> to vector<1x1x16xf32>
        tpu.vector_store %arg7[%swap3A_1327, %swap3A_1328, %swap3A_1329], %swap3A_1332 {strides = array<i32>} : memref<2x128x128xf32, #tpu.memory_space<vmem>>, vector<1x1x16xf32>,
        %swap3A_1333 = arith.constant 0 : i32
        %swap3A_1334 = arith.index_cast %swap3A_1333 : i32 to index
        %swap3A_1335 = arith.index_cast %add3A_400 : i32 to index
        %swap3A_1336 = arith.constant 32 : index
        %swap3A_1337 = tpu.vector_load %arg7[%swap3A_1334, %swap3A_1335, %swap3A_1336] {strides = array<i32>} : memref<2x128x128xf32, #tpu.memory_space<vmem>>, vector<1x1x16xf32>,
        %swap3A_1338 = vector.shape_cast %swap3A_1337 : vector<1x1x16xf32> to vector<16xf32>
        %swap3A_1339 = vector.shape_cast %mul3A_1094 : vector<16xf32> to vector<1x1x16xf32>
        tpu.vector_store %arg7[%swap3A_1334, %swap3A_1335, %swap3A_1336], %swap3A_1339 {strides = array<i32>} : memref<2x128x128xf32, #tpu.memory_space<vmem>>, vector<1x1x16xf32>,
        %swap3A_1340 = arith.constant 0 : i32
        %swap3A_1341 = arith.index_cast %swap3A_1340 : i32 to index
        %swap3A_1342 = arith.index_cast %add3A_400 : i32 to index
        %swap3A_1343 = arith.constant 96 : index
        %swap3A_1344 = tpu.vector_load %arg7[%swap3A_1341, %swap3A_1342, %swap3A_1343] {strides = array<i32>} : memref<2x128x128xf32, #tpu.memory_space<vmem>>, vector<1x1x16xf32>,
        %swap3A_1345 = vector.shape_cast %swap3A_1344 : vector<1x1x16xf32> to vector<16xf32>
        %swap3A_1346 = vector.shape_cast %mul3A_1096 : vector<16xf32> to vector<1x1x16xf32>
        tpu.vector_store %arg7[%swap3A_1341, %swap3A_1342, %swap3A_1343], %swap3A_1346 {strides = array<i32>} : memref<2x128x128xf32, #tpu.memory_space<vmem>>, vector<1x1x16xf32>,
        %swap3A_1347 = arith.constant 0 : i32
        %swap3A_1348 = arith.index_cast %swap3A_1347 : i32 to index
        %swap3A_1349 = arith.index_cast %add3A_400 : i32 to index
        %swap3A_1350 = arith.constant 48 : index
        %swap3A_1351 = tpu.vector_load %arg7[%swap3A_1348, %swap3A_1349, %swap3A_1350] {strides = array<i32>} : memref<2x128x128xf32, #tpu.memory_space<vmem>>, vector<1x1x16xf32>,
        %swap3A_1352 = vector.shape_cast %swap3A_1351 : vector<1x1x16xf32> to vector<16xf32>
        %swap3A_1353 = vector.shape_cast %mul3A_1135 : vector<16xf32> to vector<1x1x16xf32>
        tpu.vector_store %arg7[%swap3A_1348, %swap3A_1349, %swap3A_1350], %swap3A_1353 {strides = array<i32>} : memref<2x128x128xf32, #tpu.memory_space<vmem>>, vector<1x1x16xf32>,
        %swap3A_1354 = arith.constant 0 : i32
        %swap3A_1355 = arith.index_cast %swap3A_1354 : i32 to index
        %swap3A_1356 = arith.index_cast %add3A_400 : i32 to index
        %swap3A_1357 = arith.constant 112 : index
        %swap3A_1358 = tpu.vector_load %arg7[%swap3A_1355, %swap3A_1356, %swap3A_1357] {strides = array<i32>} : memref<2x128x128xf32, #tpu.memory_space<vmem>>, vector<1x1x16xf32>,
        %swap3A_1359 = vector.shape_cast %swap3A_1358 : vector<1x1x16xf32> to vector<16xf32>
        %swap3A_1360 = vector.shape_cast %mul3A_1137 : vector<16xf32> to vector<1x1x16xf32>
        tpu.vector_store %arg7[%swap3A_1355, %swap3A_1356, %swap3A_1357], %swap3A_1360 {strides = array<i32>} : memref<2x128x128xf32, #tpu.memory_space<vmem>>, vector<1x1x16xf32>,
      }
      %scan3A_75 = arith.constant 32 : i32
      %mul3A_76 = arith.constant 128 : i32
      %mul3A_77 = arith.muli %add3A_50, %mul3A_76 : i32
      %add3A_78 = arith.addi %mul3A_2, %mul3A_77 : i32
      %dma_start3A_79 = arith.constant 0 : i32
      %dma_start3A_80 = arith.constant 0 : i32
      %dma_start3A_81 = arith.constant 0 : i32
      %dma_start3A_82 = tpu.memref_slice %arg7[%dma_start3A_79, %dma_start3A_80, %dma_start3A_81] : memref<2x128x128xf32, #tpu.memory_space<vmem>> -> memref<1x128x128xf32, #tpu.memory_space<vmem>>
      %dma_start3A_83 = tpu.memref_squeeze %dma_start3A_82 : memref<1x128x128xf32, #tpu.memory_space<vmem>> -> memref<128x128xf32, #tpu.memory_space<vmem>>
      %dma_start3A_84 = arith.constant 0 : i32
      %dma_start3A_85 = tpu.memref_slice %arg4[%add3A_78, %dma_start3A_84] : memref<819200x128xf32, #tpu.memory_space<hbm>> -> memref<128x128xf32, #tpu.memory_space<hbm>>
      %dma_start3A_86 = arith.constant 0 : i32
      %dma_start3A_87 = tpu.memref_slice %arg4[%add3A_78, %dma_start3A_86] : memref<819200x128xf32, #tpu.memory_space<hbm>> -> memref<128x128xf32, #tpu.memory_space<hbm>>
      %dma_start3A_88 = arith.constant 0 : i32
      %dma_start3A_89 = arith.constant 0 : i32
      %dma_start3A_90 = tpu.memref_slice %arg7[%dma_start3A_79, %dma_start3A_88, %dma_start3A_89] : memref<2x128x128xf32, #tpu.memory_space<vmem>> -> memref<1x128x128xf32, #tpu.memory_space<vmem>>
      %dma_start3A_91 = tpu.memref_squeeze %dma_start3A_90 : memref<1x128x128xf32, #tpu.memory_space<vmem>> -> memref<128x128xf32, #tpu.memory_space<vmem>>
      tpu.enqueue_dma source(%dma_start3A_91 : memref<128x128xf32, #tpu.memory_space<vmem>>) target(%dma_start3A_87 : memref<128x128xf32, #tpu.memory_space<hbm>>) target_semaphore(%arg10 : memref<!tpu.dma_semaphore, #tpu.memory_space<semaphore_mem>>)
      %mul3A_92 = arith.constant 2 : i32
      %mul3A_93 = arith.muli %scan3A_46, %mul3A_92 : i32
      %add3A_94 = arith.constant 1 : i32
      %add3A_95 = arith.addi %mul3A_93, %add3A_94 : i32
      %add3A_96 = arith.constant 1 : i32
      %add3A_97 = arith.addi %add3A_95, %add3A_96 : i32
      %lt3A_98 = arith.constant 200 : i32
      %lt3A_99 = arith.cmpi slt, %add3A_97, %lt3A_98 : i32
      %convert_element_type3A_100 = arith.extui %lt3A_99 : i1 to i32
      %cond3A_101 = arith.constant 0 : i32
      %cond3A_102 = arith.cmpi ne, %convert_element_type3A_100, %cond3A_101 : i32
      scf.if %cond3A_102 {
        %add3A_141 = arith.constant 1 : i32
        %add3A_142 = arith.addi %add3A_95, %add3A_141 : i32
        %mul3A_143 = arith.constant 128 : i32
        %mul3A_144 = arith.muli %add3A_142, %mul3A_143 : i32
        %dma_start3A_145 = arith.constant 0 : i32
        %dma_start3A_146 = arith.constant 0 : i32
        %dma_start3A_147 = arith.constant 0 : i32
        %dma_start3A_148 = tpu.memref_slice %arg6[%dma_start3A_145, %dma_start3A_146, %dma_start3A_147] : memref<2x128x192xf32, #tpu.memory_space<vmem>> -> memref<1x128x192xf32, #tpu.memory_space<vmem>>
        %dma_start3A_149 = tpu.memref_squeeze %dma_start3A_148 : memref<1x128x192xf32, #tpu.memory_space<vmem>> -> memref<128x192xf32, #tpu.memory_space<vmem>>
        %dma_start3A_150 = tpu.memref_slice %arg5[%mul3A_144] : memref<25600xi32, #tpu.memory_space<vmem>> -> memref<128xi32, #tpu.memory_space<vmem>>
        %dma_start3A_151 = arith.constant 0 : i32
        %dma_start3A_152 = arith.constant 0 : i32
        %dma_start3A_153 = tpu.memref_slice %arg3[%dma_start3A_151, %dma_start3A_152] : memref<100000x192xf32, #tpu.memory_space<hbm>> -> memref<100000x192xf32, #tpu.memory_space<hbm>>
        tpu.enqueue_indirect_dma source(%dma_start3A_153 : memref<100000x192xf32, #tpu.memory_space<hbm>>) target(%dma_start3A_149 : memref<128x192xf32, #tpu.memory_space<vmem>>) offsets(%dma_start3A_150 : memref<128xi32, #tpu.memory_space<vmem>>) semaphore(%arg8 : memref<!tpu.dma_semaphore, #tpu.memory_space<semaphore_mem>>)
      } else {
      }
      %ge3A_103 = arith.constant 2 : i32
      %ge3A_104 = arith.cmpi sge, %add3A_95, %ge3A_103 : i32
      %convert_element_type3A_105 = arith.extui %ge3A_104 : i1 to i32
      %cond3A_106 = arith.constant 0 : i32
      %cond3A_107 = arith.cmpi ne, %convert_element_type3A_105, %cond3A_106 : i32
      scf.if %cond3A_107 {
        %sub3A = arith.constant 2 : i32
        %sub3A_141 = arith.subi %add3A_95, %sub3A : i32
        %mul3A_142 = arith.constant 128 : i32
        %mul3A_143 = arith.muli %sub3A_141, %mul3A_142 : i32
        %add3A_144 = arith.addi %mul3A_2, %mul3A_143 : i32
        %dma_wait3A_145 = arith.constant 1 : i32
        %dma_wait3A_146 = arith.constant 0 : i32
        %dma_wait3A_147 = arith.constant 0 : i32
        %dma_wait3A_148 = tpu.memref_slice %arg7[%dma_wait3A_145, %dma_wait3A_146, %dma_wait3A_147] : memref<2x128x128xf32, #tpu.memory_space<vmem>> -> memref<1x128x128xf32, #tpu.memory_space<vmem>>
        %dma_wait3A_149 = tpu.memref_squeeze %dma_wait3A_148 : memref<1x128x128xf32, #tpu.memory_space<vmem>> -> memref<128x128xf32, #tpu.memory_space<vmem>>
        %dma_wait3A_150 = arith.constant 0 : i32
        %dma_wait3A_151 = tpu.memref_slice %arg4[%add3A_144, %dma_wait3A_150] : memref<819200x128xf32, #tpu.memory_space<hbm>> -> memref<128x128xf32, #tpu.memory_space<hbm>>
        %dma_wait3A_152 = arith.constant 0 : i32
        %dma_wait3A_153 = tpu.memref_slice %arg4[%add3A_144, %dma_wait3A_152] : memref<819200x128xf32, #tpu.memory_space<hbm>> -> memref<128x128xf32, #tpu.memory_space<hbm>>
        %dma_wait3A_154 = arith.constant 0 : i32
        %dma_wait3A_155 = arith.constant 0 : i32
        %dma_wait3A_156 = tpu.memref_slice %arg7[%dma_wait3A_145, %dma_wait3A_154, %dma_wait3A_155] : memref<2x128x128xf32, #tpu.memory_space<vmem>> -> memref<1x128x128xf32, #tpu.memory_space<vmem>>
        %dma_wait3A_157 = tpu.memref_squeeze %dma_wait3A_156 : memref<1x128x128xf32, #tpu.memory_space<vmem>> -> memref<128x128xf32, #tpu.memory_space<vmem>>
        tpu.wait_dma2 semaphore(%arg11 : memref<!tpu.dma_semaphore, #tpu.memory_space<semaphore_mem>>) src(%dma_wait3A_157 : memref<128x128xf32, #tpu.memory_space<vmem>>) dst(%dma_wait3A_153 : memref<128x128xf32, #tpu.memory_space<hbm>>)
      } else {
      }
      %mul3A_108 = arith.constant 128 : i32
      %mul3A_109 = arith.muli %add3A_95, %mul3A_108 : i32
      %dma_wait3A_110 = arith.constant 1 : i32
      %dma_wait3A_111 = arith.constant 0 : i32
      %dma_wait3A_112 = arith.constant 0 : i32
      %dma_wait3A_113 = tpu.memref_slice %arg6[%dma_wait3A_110, %dma_wait3A_111, %dma_wait3A_112] : memref<2x128x192xf32, #tpu.memory_space<vmem>> -> memref<1x128x192xf32, #tpu.memory_space<vmem>>
      %dma_wait3A_114 = tpu.memref_squeeze %dma_wait3A_113 : memref<1x128x192xf32, #tpu.memory_space<vmem>> -> memref<128x192xf32, #tpu.memory_space<vmem>>
      %dma_wait3A_115 = tpu.memref_slice %arg5[%mul3A_109] : memref<25600xi32, #tpu.memory_space<vmem>> -> memref<128xi32, #tpu.memory_space<vmem>>
      %dma_wait3A_116 = arith.constant 0 : i32
      %dma_wait3A_117 = arith.constant 0 : i32
      %dma_wait3A_118 = tpu.memref_slice %arg3[%dma_wait3A_116, %dma_wait3A_117] : memref<100000x192xf32, #tpu.memory_space<hbm>> -> memref<100000x192xf32, #tpu.memory_space<hbm>>
      tpu.wait_indirect_dma semaphore(%arg9 : memref<!tpu.dma_semaphore, #tpu.memory_space<semaphore_mem>>) src(%dma_wait3A_118 : memref<100000x192xf32, #tpu.memory_space<hbm>>) dst(%dma_wait3A_114 : memref<128x192xf32, #tpu.memory_space<vmem>>)
      %scan3A_119 = arith.constant 0 : i32
      %scan3A_120 = arith.constant 0 : i32
      %scan3A_121 = arith.constant 32 : i32
      %scan3A_122 = arith.addi %scan3A_120, %scan3A_121 : i32
      %scan3A_123 = arith.constant 1 : i32
      scf.for %scan3A_141 = %scan3A_120 to %scan3A_122 step %scan3A_123  : i32 {
        %mul3A_142 = arith.constant 4 : i32
        %mul3A_143 = arith.muli %scan3A_141, %mul3A_142 : i32
        %add3A_144 = arith.constant 0 : i32
        %add3A_145 = arith.addi %mul3A_143, %add3A_144 : i32
        %mul3A_146 = arith.constant 128 : i32
        %mul3A_147 = arith.muli %add3A_95, %mul3A_146 : i32
        %add3A_148 = arith.addi %mul3A_2, %mul3A_147 : i32
        %add3A_149 = arith.addi %add3A_148, %add3A_145 : i32
        %rem3A = arith.constant 200 : i32
        %rem3A_150 = arith.remsi %add3A_149, %rem3A : i32
        %add3A_151 = arith.constant 1 : i32
        %add3A_152 = arith.addi %rem3A_150, %add3A_151 : i32
        %convert_element_type3A_153 = arith.sitofp %add3A_152 : i32 to f32
        %broadcast_in_dim3A = vector.broadcast %convert_element_type3A_153 : f32 to vector<16xf32>
        %get3A = arith.constant 1 : i32
        %get3A_154 = arith.index_cast %get3A : i32 to index
        %get3A_155 = arith.index_cast %add3A_145 : i32 to index
        %get3A_156 = arith.constant 0 : index
        %get3A_157 = tpu.vector_load %arg6[%get3A_154, %get3A_155, %get3A_156] {strides = array<i32>} : memref<2x128x192xf32, #tpu.memory_space<vmem>>, vector<1x1x16xf32>,
        %get3A_158 = vector.shape_cast %get3A_157 : vector<1x1x16xf32> to vector<16xf32>
        %get3A_159 = arith.constant 1 : i32
        %get3A_160 = arith.index_cast %get3A_159 : i32 to index
        %get3A_161 = arith.index_cast %add3A_145 : i32 to index
        %get3A_162 = arith.constant 64 : index
        %get3A_163 = tpu.vector_load %arg6[%get3A_160, %get3A_161, %get3A_162] {strides = array<i32>} : memref<2x128x192xf32, #tpu.memory_space<vmem>>, vector<1x1x16xf32>,
        %get3A_164 = vector.shape_cast %get3A_163 : vector<1x1x16xf32> to vector<16xf32>
        %get3A_165 = arith.constant 1 : i32
        %get3A_166 = arith.index_cast %get3A_165 : i32 to index
        %get3A_167 = arith.index_cast %add3A_145 : i32 to index
        %get3A_168 = arith.constant 128 : index
        %get3A_169 = tpu.vector_load %arg6[%get3A_166, %get3A_167, %get3A_168] {strides = array<i32>} : memref<2x128x192xf32, #tpu.memory_space<vmem>>, vector<1x1x16xf32>,
        %get3A_170 = vector.shape_cast %get3A_169 : vector<1x1x16xf32> to vector<16xf32>
        %get3A_171 = arith.constant 1 : i32
        %get3A_172 = arith.index_cast %get3A_171 : i32 to index
        %get3A_173 = arith.index_cast %add3A_145 : i32 to index
        %get3A_174 = arith.constant 16 : index
        %get3A_175 = tpu.vector_load %arg6[%get3A_172, %get3A_173, %get3A_174] {strides = array<i32>} : memref<2x128x192xf32, #tpu.memory_space<vmem>>, vector<1x1x16xf32>,
        %get3A_176 = vector.shape_cast %get3A_175 : vector<1x1x16xf32> to vector<16xf32>
        %get3A_177 = arith.constant 1 : i32
        %get3A_178 = arith.index_cast %get3A_177 : i32 to index
        %get3A_179 = arith.index_cast %add3A_145 : i32 to index
        %get3A_180 = arith.constant 80 : index
        %get3A_181 = tpu.vector_load %arg6[%get3A_178, %get3A_179, %get3A_180] {strides = array<i32>} : memref<2x128x192xf32, #tpu.memory_space<vmem>>, vector<1x1x16xf32>,
        %get3A_182 = vector.shape_cast %get3A_181 : vector<1x1x16xf32> to vector<16xf32>
        %get3A_183 = arith.constant 1 : i32
        %get3A_184 = arith.index_cast %get3A_183 : i32 to index
        %get3A_185 = arith.index_cast %add3A_145 : i32 to index
        %get3A_186 = arith.constant 144 : index
        %get3A_187 = tpu.vector_load %arg6[%get3A_184, %get3A_185, %get3A_186] {strides = array<i32>} : memref<2x128x192xf32, #tpu.memory_space<vmem>>, vector<1x1x16xf32>,
        %get3A_188 = vector.shape_cast %get3A_187 : vector<1x1x16xf32> to vector<16xf32>
        %get3A_189 = arith.constant 1 : i32
        %get3A_190 = arith.index_cast %get3A_189 : i32 to index
        %get3A_191 = arith.index_cast %add3A_145 : i32 to index
        %get3A_192 = arith.constant 32 : index
        %get3A_193 = tpu.vector_load %arg6[%get3A_190, %get3A_191, %get3A_192] {strides = array<i32>} : memref<2x128x192xf32, #tpu.memory_space<vmem>>, vector<1x1x16xf32>,
        %get3A_194 = vector.shape_cast %get3A_193 : vector<1x1x16xf32> to vector<16xf32>
        %get3A_195 = arith.constant 1 : i32
        %get3A_196 = arith.index_cast %get3A_195 : i32 to index
        %get3A_197 = arith.index_cast %add3A_145 : i32 to index
        %get3A_198 = arith.constant 96 : index
        %get3A_199 = tpu.vector_load %arg6[%get3A_196, %get3A_197, %get3A_198] {strides = array<i32>} : memref<2x128x192xf32, #tpu.memory_space<vmem>>, vector<1x1x16xf32>,
        %get3A_200 = vector.shape_cast %get3A_199 : vector<1x1x16xf32> to vector<16xf32>
        %get3A_201 = arith.constant 1 : i32
        %get3A_202 = arith.index_cast %get3A_201 : i32 to index
        %get3A_203 = arith.index_cast %add3A_145 : i32 to index
        %get3A_204 = arith.constant 160 : index
        %get3A_205 = tpu.vector_load %arg6[%get3A_202, %get3A_203, %get3A_204] {strides = array<i32>} : memref<2x128x192xf32, #tpu.memory_space<vmem>>, vector<1x1x16xf32>,
        %get3A_206 = vector.shape_cast %get3A_205 : vector<1x1x16xf32> to vector<16xf32>
        %get3A_207 = arith.constant 1 : i32
        %get3A_208 = arith.index_cast %get3A_207 : i32 to index
        %get3A_209 = arith.index_cast %add3A_145 : i32 to index
        %get3A_210 = arith.constant 48 : index
        %get3A_211 = tpu.vector_load %arg6[%get3A_208, %get3A_209, %get3A_210] {strides = array<i32>} : memref<2x128x192xf32, #tpu.memory_space<vmem>>, vector<1x1x16xf32>,
        %get3A_212 = vector.shape_cast %get3A_211 : vector<1x1x16xf32> to vector<16xf32>
        %get3A_213 = arith.constant 1 : i32
        %get3A_214 = arith.index_cast %get3A_213 : i32 to index
        %get3A_215 = arith.index_cast %add3A_145 : i32 to index
        %get3A_216 = arith.constant 112 : index
        %get3A_217 = tpu.vector_load %arg6[%get3A_214, %get3A_215, %get3A_216] {strides = array<i32>} : memref<2x128x192xf32, #tpu.memory_space<vmem>>, vector<1x1x16xf32>,
        %get3A_218 = vector.shape_cast %get3A_217 : vector<1x1x16xf32> to vector<16xf32>
        %get3A_219 = arith.constant 1 : i32
        %get3A_220 = arith.index_cast %get3A_219 : i32 to index
        %get3A_221 = arith.index_cast %add3A_145 : i32 to index
        %get3A_222 = arith.constant 176 : index
        %get3A_223 = tpu.vector_load %arg6[%get3A_220, %get3A_221, %get3A_222] {strides = array<i32>} : memref<2x128x192xf32, #tpu.memory_space<vmem>>, vector<1x1x16xf32>,
        %get3A_224 = vector.shape_cast %get3A_223 : vector<1x1x16xf32> to vector<16xf32>
        %mul3A_225 = arith.constant 4 : i32
        %mul3A_226 = arith.muli %scan3A_141, %mul3A_225 : i32
        %add3A_227 = arith.constant 1 : i32
        %add3A_228 = arith.addi %mul3A_226, %add3A_227 : i32
        %mul3A_229 = arith.constant 128 : i32
        %mul3A_230 = arith.muli %add3A_95, %mul3A_229 : i32
        %add3A_231 = arith.addi %mul3A_2, %mul3A_230 : i32
        %add3A_232 = arith.addi %add3A_231, %add3A_228 : i32
        %rem3A_233 = arith.constant 200 : i32
        %rem3A_234 = arith.remsi %add3A_232, %rem3A_233 : i32
        %add3A_235 = arith.constant 1 : i32
        %add3A_236 = arith.addi %rem3A_234, %add3A_235 : i32
        %convert_element_type3A_237 = arith.sitofp %add3A_236 : i32 to f32
        %broadcast_in_dim3A_238 = vector.broadcast %convert_element_type3A_237 : f32 to vector<16xf32>
        %get3A_239 = arith.constant 1 : i32
        %get3A_240 = arith.index_cast %get3A_239 : i32 to index
        %get3A_241 = arith.index_cast %add3A_228 : i32 to index
        %get3A_242 = arith.constant 0 : index
        %get3A_243 = tpu.vector_load %arg6[%get3A_240, %get3A_241, %get3A_242] {strides = array<i32>} : memref<2x128x192xf32, #tpu.memory_space<vmem>>, vector<1x1x16xf32>,
        %get3A_244 = vector.shape_cast %get3A_243 : vector<1x1x16xf32> to vector<16xf32>
        %get3A_245 = arith.constant 1 : i32
        %get3A_246 = arith.index_cast %get3A_245 : i32 to index
        %get3A_247 = arith.index_cast %add3A_228 : i32 to index
        %get3A_248 = arith.constant 64 : index
        %get3A_249 = tpu.vector_load %arg6[%get3A_246, %get3A_247, %get3A_248] {strides = array<i32>} : memref<2x128x192xf32, #tpu.memory_space<vmem>>, vector<1x1x16xf32>,
        %get3A_250 = vector.shape_cast %get3A_249 : vector<1x1x16xf32> to vector<16xf32>
        %get3A_251 = arith.constant 1 : i32
        %get3A_252 = arith.index_cast %get3A_251 : i32 to index
        %get3A_253 = arith.index_cast %add3A_228 : i32 to index
        %get3A_254 = arith.constant 128 : index
        %get3A_255 = tpu.vector_load %arg6[%get3A_252, %get3A_253, %get3A_254] {strides = array<i32>} : memref<2x128x192xf32, #tpu.memory_space<vmem>>, vector<1x1x16xf32>,
        %get3A_256 = vector.shape_cast %get3A_255 : vector<1x1x16xf32> to vector<16xf32>
        %get3A_257 = arith.constant 1 : i32
        %get3A_258 = arith.index_cast %get3A_257 : i32 to index
        %get3A_259 = arith.index_cast %add3A_228 : i32 to index
        %get3A_260 = arith.constant 16 : index
        %get3A_261 = tpu.vector_load %arg6[%get3A_258, %get3A_259, %get3A_260] {strides = array<i32>} : memref<2x128x192xf32, #tpu.memory_space<vmem>>, vector<1x1x16xf32>,
        %get3A_262 = vector.shape_cast %get3A_261 : vector<1x1x16xf32> to vector<16xf32>
        %get3A_263 = arith.constant 1 : i32
        %get3A_264 = arith.index_cast %get3A_263 : i32 to index
        %get3A_265 = arith.index_cast %add3A_228 : i32 to index
        %get3A_266 = arith.constant 80 : index
        %get3A_267 = tpu.vector_load %arg6[%get3A_264, %get3A_265, %get3A_266] {strides = array<i32>} : memref<2x128x192xf32, #tpu.memory_space<vmem>>, vector<1x1x16xf32>,
        %get3A_268 = vector.shape_cast %get3A_267 : vector<1x1x16xf32> to vector<16xf32>
        %get3A_269 = arith.constant 1 : i32
        %get3A_270 = arith.index_cast %get3A_269 : i32 to index
        %get3A_271 = arith.index_cast %add3A_228 : i32 to index
        %get3A_272 = arith.constant 144 : index
        %get3A_273 = tpu.vector_load %arg6[%get3A_270, %get3A_271, %get3A_272] {strides = array<i32>} : memref<2x128x192xf32, #tpu.memory_space<vmem>>, vector<1x1x16xf32>,
        %get3A_274 = vector.shape_cast %get3A_273 : vector<1x1x16xf32> to vector<16xf32>
        %get3A_275 = arith.constant 1 : i32
        %get3A_276 = arith.index_cast %get3A_275 : i32 to index
        %get3A_277 = arith.index_cast %add3A_228 : i32 to index
        %get3A_278 = arith.constant 32 : index
        %get3A_279 = tpu.vector_load %arg6[%get3A_276, %get3A_277, %get3A_278] {strides = array<i32>} : memref<2x128x192xf32, #tpu.memory_space<vmem>>, vector<1x1x16xf32>,
        %get3A_280 = vector.shape_cast %get3A_279 : vector<1x1x16xf32> to vector<16xf32>
        %get3A_281 = arith.constant 1 : i32
        %get3A_282 = arith.index_cast %get3A_281 : i32 to index
        %get3A_283 = arith.index_cast %add3A_228 : i32 to index
        %get3A_284 = arith.constant 96 : index
        %get3A_285 = tpu.vector_load %arg6[%get3A_282, %get3A_283, %get3A_284] {strides = array<i32>} : memref<2x128x192xf32, #tpu.memory_space<vmem>>, vector<1x1x16xf32>,
        %get3A_286 = vector.shape_cast %get3A_285 : vector<1x1x16xf32> to vector<16xf32>
        %get3A_287 = arith.constant 1 : i32
        %get3A_288 = arith.index_cast %get3A_287 : i32 to index
        %get3A_289 = arith.index_cast %add3A_228 : i32 to index
        %get3A_290 = arith.constant 160 : index
        %get3A_291 = tpu.vector_load %arg6[%get3A_288, %get3A_289, %get3A_290] {strides = array<i32>} : memref<2x128x192xf32, #tpu.memory_space<vmem>>, vector<1x1x16xf32>,
        %get3A_292 = vector.shape_cast %get3A_291 : vector<1x1x16xf32> to vector<16xf32>
        %get3A_293 = arith.constant 1 : i32
        %get3A_294 = arith.index_cast %get3A_293 : i32 to index
        %get3A_295 = arith.index_cast %add3A_228 : i32 to index
        %get3A_296 = arith.constant 48 : index
        %get3A_297 = tpu.vector_load %arg6[%get3A_294, %get3A_295, %get3A_296] {strides = array<i32>} : memref<2x128x192xf32, #tpu.memory_space<vmem>>, vector<1x1x16xf32>,
        %get3A_298 = vector.shape_cast %get3A_297 : vector<1x1x16xf32> to vector<16xf32>
        %get3A_299 = arith.constant 1 : i32
        %get3A_300 = arith.index_cast %get3A_299 : i32 to index
        %get3A_301 = arith.index_cast %add3A_228 : i32 to index
        %get3A_302 = arith.constant 112 : index
        %get3A_303 = tpu.vector_load %arg6[%get3A_300, %get3A_301, %get3A_302] {strides = array<i32>} : memref<2x128x192xf32, #tpu.memory_space<vmem>>, vector<1x1x16xf32>,
        %get3A_304 = vector.shape_cast %get3A_303 : vector<1x1x16xf32> to vector<16xf32>
        %get3A_305 = arith.constant 1 : i32
        %get3A_306 = arith.index_cast %get3A_305 : i32 to index
        %get3A_307 = arith.index_cast %add3A_228 : i32 to index
        %get3A_308 = arith.constant 176 : index
        %get3A_309 = tpu.vector_load %arg6[%get3A_306, %get3A_307, %get3A_308] {strides = array<i32>} : memref<2x128x192xf32, #tpu.memory_space<vmem>>, vector<1x1x16xf32>,
        %get3A_310 = vector.shape_cast %get3A_309 : vector<1x1x16xf32> to vector<16xf32>
        %mul3A_311 = arith.constant 4 : i32
        %mul3A_312 = arith.muli %scan3A_141, %mul3A_311 : i32
        %add3A_313 = arith.constant 2 : i32
        %add3A_314 = arith.addi %mul3A_312, %add3A_313 : i32
        %mul3A_315 = arith.constant 128 : i32
        %mul3A_316 = arith.muli %add3A_95, %mul3A_315 : i32
        %add3A_317 = arith.addi %mul3A_2, %mul3A_316 : i32
        %add3A_318 = arith.addi %add3A_317, %add3A_314 : i32
        %rem3A_319 = arith.constant 200 : i32
        %rem3A_320 = arith.remsi %add3A_318, %rem3A_319 : i32
        %add3A_321 = arith.constant 1 : i32
        %add3A_322 = arith.addi %rem3A_320, %add3A_321 : i32
        %convert_element_type3A_323 = arith.sitofp %add3A_322 : i32 to f32
        %broadcast_in_dim3A_324 = vector.broadcast %convert_element_type3A_323 : f32 to vector<16xf32>
        %get3A_325 = arith.constant 1 : i32
        %get3A_326 = arith.index_cast %get3A_325 : i32 to index
        %get3A_327 = arith.index_cast %add3A_314 : i32 to index
        %get3A_328 = arith.constant 0 : index
        %get3A_329 = tpu.vector_load %arg6[%get3A_326, %get3A_327, %get3A_328] {strides = array<i32>} : memref<2x128x192xf32, #tpu.memory_space<vmem>>, vector<1x1x16xf32>,
        %get3A_330 = vector.shape_cast %get3A_329 : vector<1x1x16xf32> to vector<16xf32>
        %get3A_331 = arith.constant 1 : i32
        %get3A_332 = arith.index_cast %get3A_331 : i32 to index
        %get3A_333 = arith.index_cast %add3A_314 : i32 to index
        %get3A_334 = arith.constant 64 : index
        %get3A_335 = tpu.vector_load %arg6[%get3A_332, %get3A_333, %get3A_334] {strides = array<i32>} : memref<2x128x192xf32, #tpu.memory_space<vmem>>, vector<1x1x16xf32>,
        %get3A_336 = vector.shape_cast %get3A_335 : vector<1x1x16xf32> to vector<16xf32>
        %get3A_337 = arith.constant 1 : i32
        %get3A_338 = arith.index_cast %get3A_337 : i32 to index
        %get3A_339 = arith.index_cast %add3A_314 : i32 to index
        %get3A_340 = arith.constant 128 : index
        %get3A_341 = tpu.vector_load %arg6[%get3A_338, %get3A_339, %get3A_340] {strides = array<i32>} : memref<2x128x192xf32, #tpu.memory_space<vmem>>, vector<1x1x16xf32>,
        %get3A_342 = vector.shape_cast %get3A_341 : vector<1x1x16xf32> to vector<16xf32>
        %get3A_343 = arith.constant 1 : i32
        %get3A_344 = arith.index_cast %get3A_343 : i32 to index
        %get3A_345 = arith.index_cast %add3A_314 : i32 to index
        %get3A_346 = arith.constant 16 : index
        %get3A_347 = tpu.vector_load %arg6[%get3A_344, %get3A_345, %get3A_346] {strides = array<i32>} : memref<2x128x192xf32, #tpu.memory_space<vmem>>, vector<1x1x16xf32>,
        %get3A_348 = vector.shape_cast %get3A_347 : vector<1x1x16xf32> to vector<16xf32>
        %get3A_349 = arith.constant 1 : i32
        %get3A_350 = arith.index_cast %get3A_349 : i32 to index
        %get3A_351 = arith.index_cast %add3A_314 : i32 to index
        %get3A_352 = arith.constant 80 : index
        %get3A_353 = tpu.vector_load %arg6[%get3A_350, %get3A_351, %get3A_352] {strides = array<i32>} : memref<2x128x192xf32, #tpu.memory_space<vmem>>, vector<1x1x16xf32>,
        %get3A_354 = vector.shape_cast %get3A_353 : vector<1x1x16xf32> to vector<16xf32>
        %get3A_355 = arith.constant 1 : i32
        %get3A_356 = arith.index_cast %get3A_355 : i32 to index
        %get3A_357 = arith.index_cast %add3A_314 : i32 to index
        %get3A_358 = arith.constant 144 : index
        %get3A_359 = tpu.vector_load %arg6[%get3A_356, %get3A_357, %get3A_358] {strides = array<i32>} : memref<2x128x192xf32, #tpu.memory_space<vmem>>, vector<1x1x16xf32>,
        %get3A_360 = vector.shape_cast %get3A_359 : vector<1x1x16xf32> to vector<16xf32>
        %get3A_361 = arith.constant 1 : i32
        %get3A_362 = arith.index_cast %get3A_361 : i32 to index
        %get3A_363 = arith.index_cast %add3A_314 : i32 to index
        %get3A_364 = arith.constant 32 : index
        %get3A_365 = tpu.vector_load %arg6[%get3A_362, %get3A_363, %get3A_364] {strides = array<i32>} : memref<2x128x192xf32, #tpu.memory_space<vmem>>, vector<1x1x16xf32>,
        %get3A_366 = vector.shape_cast %get3A_365 : vector<1x1x16xf32> to vector<16xf32>
        %get3A_367 = arith.constant 1 : i32
        %get3A_368 = arith.index_cast %get3A_367 : i32 to index
        %get3A_369 = arith.index_cast %add3A_314 : i32 to index
        %get3A_370 = arith.constant 96 : index
        %get3A_371 = tpu.vector_load %arg6[%get3A_368, %get3A_369, %get3A_370] {strides = array<i32>} : memref<2x128x192xf32, #tpu.memory_space<vmem>>, vector<1x1x16xf32>,
        %get3A_372 = vector.shape_cast %get3A_371 : vector<1x1x16xf32> to vector<16xf32>
        %get3A_373 = arith.constant 1 : i32
        %get3A_374 = arith.index_cast %get3A_373 : i32 to index
        %get3A_375 = arith.index_cast %add3A_314 : i32 to index
        %get3A_376 = arith.constant 160 : index
        %get3A_377 = tpu.vector_load %arg6[%get3A_374, %get3A_375, %get3A_376] {strides = array<i32>} : memref<2x128x192xf32, #tpu.memory_space<vmem>>, vector<1x1x16xf32>,
        %get3A_378 = vector.shape_cast %get3A_377 : vector<1x1x16xf32> to vector<16xf32>
        %get3A_379 = arith.constant 1 : i32
        %get3A_380 = arith.index_cast %get3A_379 : i32 to index
        %get3A_381 = arith.index_cast %add3A_314 : i32 to index
        %get3A_382 = arith.constant 48 : index
        %get3A_383 = tpu.vector_load %arg6[%get3A_380, %get3A_381, %get3A_382] {strides = array<i32>} : memref<2x128x192xf32, #tpu.memory_space<vmem>>, vector<1x1x16xf32>,
        %get3A_384 = vector.shape_cast %get3A_383 : vector<1x1x16xf32> to vector<16xf32>
        %get3A_385 = arith.constant 1 : i32
        %get3A_386 = arith.index_cast %get3A_385 : i32 to index
        %get3A_387 = arith.index_cast %add3A_314 : i32 to index
        %get3A_388 = arith.constant 112 : index
        %get3A_389 = tpu.vector_load %arg6[%get3A_386, %get3A_387, %get3A_388] {strides = array<i32>} : memref<2x128x192xf32, #tpu.memory_space<vmem>>, vector<1x1x16xf32>,
        %get3A_390 = vector.shape_cast %get3A_389 : vector<1x1x16xf32> to vector<16xf32>
        %get3A_391 = arith.constant 1 : i32
        %get3A_392 = arith.index_cast %get3A_391 : i32 to index
        %get3A_393 = arith.index_cast %add3A_314 : i32 to index
        %get3A_394 = arith.constant 176 : index
        %get3A_395 = tpu.vector_load %arg6[%get3A_392, %get3A_393, %get3A_394] {strides = array<i32>} : memref<2x128x192xf32, #tpu.memory_space<vmem>>, vector<1x1x16xf32>,
        %get3A_396 = vector.shape_cast %get3A_395 : vector<1x1x16xf32> to vector<16xf32>
        %mul3A_397 = arith.constant 4 : i32
        %mul3A_398 = arith.muli %scan3A_141, %mul3A_397 : i32
        %add3A_399 = arith.constant 3 : i32
        %add3A_400 = arith.addi %mul3A_398, %add3A_399 : i32
        %mul3A_401 = arith.constant 128 : i32
        %mul3A_402 = arith.muli %add3A_95, %mul3A_401 : i32
        %add3A_403 = arith.addi %mul3A_2, %mul3A_402 : i32
        %add3A_404 = arith.addi %add3A_403, %add3A_400 : i32
        %rem3A_405 = arith.constant 200 : i32
        %rem3A_406 = arith.remsi %add3A_404, %rem3A_405 : i32
        %add3A_407 = arith.constant 1 : i32
        %add3A_408 = arith.addi %rem3A_406, %add3A_407 : i32
        %convert_element_type3A_409 = arith.sitofp %add3A_408 : i32 to f32
        %broadcast_in_dim3A_410 = vector.broadcast %convert_element_type3A_409 : f32 to vector<16xf32>
        %get3A_411 = arith.constant 1 : i32
        %get3A_412 = arith.index_cast %get3A_411 : i32 to index
        %get3A_413 = arith.index_cast %add3A_400 : i32 to index
        %get3A_414 = arith.constant 0 : index
        %get3A_415 = tpu.vector_load %arg6[%get3A_412, %get3A_413, %get3A_414] {strides = array<i32>} : memref<2x128x192xf32, #tpu.memory_space<vmem>>, vector<1x1x16xf32>,
        %get3A_416 = vector.shape_cast %get3A_415 : vector<1x1x16xf32> to vector<16xf32>
        %get3A_417 = arith.constant 1 : i32
        %get3A_418 = arith.index_cast %get3A_417 : i32 to index
        %get3A_419 = arith.index_cast %add3A_400 : i32 to index
        %get3A_420 = arith.constant 64 : index
        %get3A_421 = tpu.vector_load %arg6[%get3A_418, %get3A_419, %get3A_420] {strides = array<i32>} : memref<2x128x192xf32, #tpu.memory_space<vmem>>, vector<1x1x16xf32>,
        %get3A_422 = vector.shape_cast %get3A_421 : vector<1x1x16xf32> to vector<16xf32>
        %get3A_423 = arith.constant 1 : i32
        %get3A_424 = arith.index_cast %get3A_423 : i32 to index
        %get3A_425 = arith.index_cast %add3A_400 : i32 to index
        %get3A_426 = arith.constant 128 : index
        %get3A_427 = tpu.vector_load %arg6[%get3A_424, %get3A_425, %get3A_426] {strides = array<i32>} : memref<2x128x192xf32, #tpu.memory_space<vmem>>, vector<1x1x16xf32>,
        %get3A_428 = vector.shape_cast %get3A_427 : vector<1x1x16xf32> to vector<16xf32>
        %get3A_429 = arith.constant 1 : i32
        %get3A_430 = arith.index_cast %get3A_429 : i32 to index
        %get3A_431 = arith.index_cast %add3A_400 : i32 to index
        %get3A_432 = arith.constant 16 : index
        %get3A_433 = tpu.vector_load %arg6[%get3A_430, %get3A_431, %get3A_432] {strides = array<i32>} : memref<2x128x192xf32, #tpu.memory_space<vmem>>, vector<1x1x16xf32>,
        %get3A_434 = vector.shape_cast %get3A_433 : vector<1x1x16xf32> to vector<16xf32>
        %get3A_435 = arith.constant 1 : i32
        %get3A_436 = arith.index_cast %get3A_435 : i32 to index
        %get3A_437 = arith.index_cast %add3A_400 : i32 to index
        %get3A_438 = arith.constant 80 : index
        %get3A_439 = tpu.vector_load %arg6[%get3A_436, %get3A_437, %get3A_438] {strides = array<i32>} : memref<2x128x192xf32, #tpu.memory_space<vmem>>, vector<1x1x16xf32>,
        %get3A_440 = vector.shape_cast %get3A_439 : vector<1x1x16xf32> to vector<16xf32>
        %get3A_441 = arith.constant 1 : i32
        %get3A_442 = arith.index_cast %get3A_441 : i32 to index
        %get3A_443 = arith.index_cast %add3A_400 : i32 to index
        %get3A_444 = arith.constant 144 : index
        %get3A_445 = tpu.vector_load %arg6[%get3A_442, %get3A_443, %get3A_444] {strides = array<i32>} : memref<2x128x192xf32, #tpu.memory_space<vmem>>, vector<1x1x16xf32>,
        %get3A_446 = vector.shape_cast %get3A_445 : vector<1x1x16xf32> to vector<16xf32>
        %get3A_447 = arith.constant 1 : i32
        %get3A_448 = arith.index_cast %get3A_447 : i32 to index
        %get3A_449 = arith.index_cast %add3A_400 : i32 to index
        %get3A_450 = arith.constant 32 : index
        %get3A_451 = tpu.vector_load %arg6[%get3A_448, %get3A_449, %get3A_450] {strides = array<i32>} : memref<2x128x192xf32, #tpu.memory_space<vmem>>, vector<1x1x16xf32>,
        %get3A_452 = vector.shape_cast %get3A_451 : vector<1x1x16xf32> to vector<16xf32>
        %get3A_453 = arith.constant 1 : i32
        %get3A_454 = arith.index_cast %get3A_453 : i32 to index
        %get3A_455 = arith.index_cast %add3A_400 : i32 to index
        %get3A_456 = arith.constant 96 : index
        %get3A_457 = tpu.vector_load %arg6[%get3A_454, %get3A_455, %get3A_456] {strides = array<i32>} : memref<2x128x192xf32, #tpu.memory_space<vmem>>, vector<1x1x16xf32>,
        %get3A_458 = vector.shape_cast %get3A_457 : vector<1x1x16xf32> to vector<16xf32>
        %get3A_459 = arith.constant 1 : i32
        %get3A_460 = arith.index_cast %get3A_459 : i32 to index
        %get3A_461 = arith.index_cast %add3A_400 : i32 to index
        %get3A_462 = arith.constant 160 : index
        %get3A_463 = tpu.vector_load %arg6[%get3A_460, %get3A_461, %get3A_462] {strides = array<i32>} : memref<2x128x192xf32, #tpu.memory_space<vmem>>, vector<1x1x16xf32>,
        %get3A_464 = vector.shape_cast %get3A_463 : vector<1x1x16xf32> to vector<16xf32>
        %get3A_465 = arith.constant 1 : i32
        %get3A_466 = arith.index_cast %get3A_465 : i32 to index
        %get3A_467 = arith.index_cast %add3A_400 : i32 to index
        %get3A_468 = arith.constant 48 : index
        %get3A_469 = tpu.vector_load %arg6[%get3A_466, %get3A_467, %get3A_468] {strides = array<i32>} : memref<2x128x192xf32, #tpu.memory_space<vmem>>, vector<1x1x16xf32>,
        %get3A_470 = vector.shape_cast %get3A_469 : vector<1x1x16xf32> to vector<16xf32>
        %get3A_471 = arith.constant 1 : i32
        %get3A_472 = arith.index_cast %get3A_471 : i32 to index
        %get3A_473 = arith.index_cast %add3A_400 : i32 to index
        %get3A_474 = arith.constant 112 : index
        %get3A_475 = tpu.vector_load %arg6[%get3A_472, %get3A_473, %get3A_474] {strides = array<i32>} : memref<2x128x192xf32, #tpu.memory_space<vmem>>, vector<1x1x16xf32>,
        %get3A_476 = vector.shape_cast %get3A_475 : vector<1x1x16xf32> to vector<16xf32>
        %get3A_477 = arith.constant 1 : i32
        %get3A_478 = arith.index_cast %get3A_477 : i32 to index
        %get3A_479 = arith.index_cast %add3A_400 : i32 to index
        %get3A_480 = arith.constant 176 : index
        %get3A_481 = tpu.vector_load %arg6[%get3A_478, %get3A_479, %get3A_480] {strides = array<i32>} : memref<2x128x192xf32, #tpu.memory_space<vmem>>, vector<1x1x16xf32>,
        %get3A_482 = vector.shape_cast %get3A_481 : vector<1x1x16xf32> to vector<16xf32>
        %mul3A_483 = arith.mulf %broadcast_in_dim3A, %get3A_158 : vector<16xf32>
        %add3A_484 = arith.addf %mul3A_483, %get3A_170 : vector<16xf32>
        %add3A_485 = arith.constant 0x4B400000 : f32
        %add3A_486 = vector.broadcast %add3A_485 : f32 to vector<16xf32>
        %add3A_487 = arith.addf %add3A_484, %add3A_486 : vector<16xf32>
        %sub3A = arith.constant 0x4B400000 : f32
        %sub3A_488 = vector.broadcast %sub3A : f32 to vector<16xf32>
        %sub3A_489 = arith.subf %add3A_487, %sub3A_488 : vector<16xf32>
        %sub3A_490 = arith.subf %add3A_484, %sub3A_489 : vector<16xf32>
        %mul3A_491 = arith.mulf %sub3A_490, %sub3A_490 : vector<16xf32>
        %mul3A_492 = arith.constant -61.0896912 : f32
        %mul3A_493 = vector.broadcast %mul3A_492 : f32 to vector<16xf32>
        %mul3A_494 = arith.mulf %mul3A_493, %mul3A_491 : vector<16xf32>
        %add3A_495 = arith.constant 61.5973052 : f32
        %add3A_496 = vector.broadcast %add3A_495 : f32 to vector<16xf32>
        %add3A_497 = arith.addf %mul3A_494, %add3A_496 : vector<16xf32>
        %mul3A_498 = arith.mulf %add3A_497, %mul3A_491 : vector<16xf32>
        %add3A_499 = arith.constant -19.5911102 : f32
        %add3A_500 = vector.broadcast %add3A_499 : f32 to vector<16xf32>
        %add3A_501 = arith.addf %mul3A_498, %add3A_500 : vector<16xf32>
        %mul3A_502 = arith.mulf %add3A_501, %mul3A_491 : vector<16xf32>
        %add3A_503 = arith.constant 0.998987138 : f32
        %add3A_504 = vector.broadcast %add3A_503 : f32 to vector<16xf32>
        %add3A_505 = arith.addf %mul3A_502, %add3A_504 : vector<16xf32>
        %mul3A_506 = arith.constant -59.2468109 : f32
        %mul3A_507 = vector.broadcast %mul3A_506 : f32 to vector<16xf32>
        %mul3A_508 = arith.mulf %mul3A_507, %mul3A_491 : vector<16xf32>
        %add3A_509 = arith.constant 79.1875687 : f32
        %add3A_510 = vector.broadcast %add3A_509 : f32 to vector<16xf32>
        %add3A_511 = arith.addf %mul3A_508, %add3A_510 : vector<16xf32>
        %mul3A_512 = arith.mulf %add3A_511, %mul3A_491 : vector<16xf32>
        %add3A_513 = arith.constant -41.2340393 : f32
        %add3A_514 = vector.broadcast %add3A_513 : f32 to vector<16xf32>
        %add3A_515 = arith.addf %mul3A_512, %add3A_514 : vector<16xf32>
        %mul3A_516 = arith.mulf %add3A_515, %mul3A_491 : vector<16xf32>
        %add3A_517 = arith.constant 6.28244686 : f32
        %add3A_518 = vector.broadcast %add3A_517 : f32 to vector<16xf32>
        %add3A_519 = arith.addf %mul3A_516, %add3A_518 : vector<16xf32>
        %mul3A_520 = arith.mulf %get3A_164, %add3A_505 : vector<16xf32>
        %mul3A_521 = arith.mulf %add3A_519, %sub3A_490 : vector<16xf32>
        %mul3A_522 = arith.mulf %get3A_164, %mul3A_521 : vector<16xf32>
        %mul3A_523 = arith.mulf %broadcast_in_dim3A, %get3A_176 : vector<16xf32>
        %add3A_524 = arith.addf %mul3A_523, %get3A_188 : vector<16xf32>
        %add3A_525 = arith.constant 0x4B400000 : f32
        %add3A_526 = vector.broadcast %add3A_525 : f32 to vector<16xf32>
        %add3A_527 = arith.addf %add3A_524, %add3A_526 : vector<16xf32>
        %sub3A_528 = arith.constant 0x4B400000 : f32
        %sub3A_529 = vector.broadcast %sub3A_528 : f32 to vector<16xf32>
        %sub3A_530 = arith.subf %add3A_527, %sub3A_529 : vector<16xf32>
        %sub3A_531 = arith.subf %add3A_524, %sub3A_530 : vector<16xf32>
        %mul3A_532 = arith.mulf %sub3A_531, %sub3A_531 : vector<16xf32>
        %mul3A_533 = arith.constant -61.0896912 : f32
        %mul3A_534 = vector.broadcast %mul3A_533 : f32 to vector<16xf32>
        %mul3A_535 = arith.mulf %mul3A_534, %mul3A_532 : vector<16xf32>
        %add3A_536 = arith.constant 61.5973052 : f32
        %add3A_537 = vector.broadcast %add3A_536 : f32 to vector<16xf32>
        %add3A_538 = arith.addf %mul3A_535, %add3A_537 : vector<16xf32>
        %mul3A_539 = arith.mulf %add3A_538, %mul3A_532 : vector<16xf32>
        %add3A_540 = arith.constant -19.5911102 : f32
        %add3A_541 = vector.broadcast %add3A_540 : f32 to vector<16xf32>
        %add3A_542 = arith.addf %mul3A_539, %add3A_541 : vector<16xf32>
        %mul3A_543 = arith.mulf %add3A_542, %mul3A_532 : vector<16xf32>
        %add3A_544 = arith.constant 0.998987138 : f32
        %add3A_545 = vector.broadcast %add3A_544 : f32 to vector<16xf32>
        %add3A_546 = arith.addf %mul3A_543, %add3A_545 : vector<16xf32>
        %mul3A_547 = arith.constant -59.2468109 : f32
        %mul3A_548 = vector.broadcast %mul3A_547 : f32 to vector<16xf32>
        %mul3A_549 = arith.mulf %mul3A_548, %mul3A_532 : vector<16xf32>
        %add3A_550 = arith.constant 79.1875687 : f32
        %add3A_551 = vector.broadcast %add3A_550 : f32 to vector<16xf32>
        %add3A_552 = arith.addf %mul3A_549, %add3A_551 : vector<16xf32>
        %mul3A_553 = arith.mulf %add3A_552, %mul3A_532 : vector<16xf32>
        %add3A_554 = arith.constant -41.2340393 : f32
        %add3A_555 = vector.broadcast %add3A_554 : f32 to vector<16xf32>
        %add3A_556 = arith.addf %mul3A_553, %add3A_555 : vector<16xf32>
        %mul3A_557 = arith.mulf %add3A_556, %mul3A_532 : vector<16xf32>
        %add3A_558 = arith.constant 6.28244686 : f32
        %add3A_559 = vector.broadcast %add3A_558 : f32 to vector<16xf32>
        %add3A_560 = arith.addf %mul3A_557, %add3A_559 : vector<16xf32>
        %mul3A_561 = arith.mulf %get3A_182, %add3A_546 : vector<16xf32>
        %mul3A_562 = arith.mulf %add3A_560, %sub3A_531 : vector<16xf32>
        %mul3A_563 = arith.mulf %get3A_182, %mul3A_562 : vector<16xf32>
        %mul3A_564 = arith.mulf %broadcast_in_dim3A, %get3A_194 : vector<16xf32>
        %add3A_565 = arith.addf %mul3A_564, %get3A_206 : vector<16xf32>
        %add3A_566 = arith.constant 0x4B400000 : f32
        %add3A_567 = vector.broadcast %add3A_566 : f32 to vector<16xf32>
        %add3A_568 = arith.addf %add3A_565, %add3A_567 : vector<16xf32>
        %sub3A_569 = arith.constant 0x4B400000 : f32
        %sub3A_570 = vector.broadcast %sub3A_569 : f32 to vector<16xf32>
        %sub3A_571 = arith.subf %add3A_568, %sub3A_570 : vector<16xf32>
        %sub3A_572 = arith.subf %add3A_565, %sub3A_571 : vector<16xf32>
        %mul3A_573 = arith.mulf %sub3A_572, %sub3A_572 : vector<16xf32>
        %mul3A_574 = arith.constant -61.0896912 : f32
        %mul3A_575 = vector.broadcast %mul3A_574 : f32 to vector<16xf32>
        %mul3A_576 = arith.mulf %mul3A_575, %mul3A_573 : vector<16xf32>
        %add3A_577 = arith.constant 61.5973052 : f32
        %add3A_578 = vector.broadcast %add3A_577 : f32 to vector<16xf32>
        %add3A_579 = arith.addf %mul3A_576, %add3A_578 : vector<16xf32>
        %mul3A_580 = arith.mulf %add3A_579, %mul3A_573 : vector<16xf32>
        %add3A_581 = arith.constant -19.5911102 : f32
        %add3A_582 = vector.broadcast %add3A_581 : f32 to vector<16xf32>
        %add3A_583 = arith.addf %mul3A_580, %add3A_582 : vector<16xf32>
        %mul3A_584 = arith.mulf %add3A_583, %mul3A_573 : vector<16xf32>
        %add3A_585 = arith.constant 0.998987138 : f32
        %add3A_586 = vector.broadcast %add3A_585 : f32 to vector<16xf32>
        %add3A_587 = arith.addf %mul3A_584, %add3A_586 : vector<16xf32>
        %mul3A_588 = arith.constant -59.2468109 : f32
        %mul3A_589 = vector.broadcast %mul3A_588 : f32 to vector<16xf32>
        %mul3A_590 = arith.mulf %mul3A_589, %mul3A_573 : vector<16xf32>
        %add3A_591 = arith.constant 79.1875687 : f32
        %add3A_592 = vector.broadcast %add3A_591 : f32 to vector<16xf32>
        %add3A_593 = arith.addf %mul3A_590, %add3A_592 : vector<16xf32>
        %mul3A_594 = arith.mulf %add3A_593, %mul3A_573 : vector<16xf32>
        %add3A_595 = arith.constant -41.2340393 : f32
        %add3A_596 = vector.broadcast %add3A_595 : f32 to vector<16xf32>
        %add3A_597 = arith.addf %mul3A_594, %add3A_596 : vector<16xf32>
        %mul3A_598 = arith.mulf %add3A_597, %mul3A_573 : vector<16xf32>
        %add3A_599 = arith.constant 6.28244686 : f32
        %add3A_600 = vector.broadcast %add3A_599 : f32 to vector<16xf32>
        %add3A_601 = arith.addf %mul3A_598, %add3A_600 : vector<16xf32>
        %mul3A_602 = arith.mulf %get3A_200, %add3A_587 : vector<16xf32>
        %mul3A_603 = arith.mulf %add3A_601, %sub3A_572 : vector<16xf32>
        %mul3A_604 = arith.mulf %get3A_200, %mul3A_603 : vector<16xf32>
        %mul3A_605 = arith.mulf %broadcast_in_dim3A, %get3A_212 : vector<16xf32>
        %add3A_606 = arith.addf %mul3A_605, %get3A_224 : vector<16xf32>
        %add3A_607 = arith.constant 0x4B400000 : f32
        %add3A_608 = vector.broadcast %add3A_607 : f32 to vector<16xf32>
        %add3A_609 = arith.addf %add3A_606, %add3A_608 : vector<16xf32>
        %sub3A_610 = arith.constant 0x4B400000 : f32
        %sub3A_611 = vector.broadcast %sub3A_610 : f32 to vector<16xf32>
        %sub3A_612 = arith.subf %add3A_609, %sub3A_611 : vector<16xf32>
        %sub3A_613 = arith.subf %add3A_606, %sub3A_612 : vector<16xf32>
        %mul3A_614 = arith.mulf %sub3A_613, %sub3A_613 : vector<16xf32>
        %mul3A_615 = arith.constant -61.0896912 : f32
        %mul3A_616 = vector.broadcast %mul3A_615 : f32 to vector<16xf32>
        %mul3A_617 = arith.mulf %mul3A_616, %mul3A_614 : vector<16xf32>
        %add3A_618 = arith.constant 61.5973052 : f32
        %add3A_619 = vector.broadcast %add3A_618 : f32 to vector<16xf32>
        %add3A_620 = arith.addf %mul3A_617, %add3A_619 : vector<16xf32>
        %mul3A_621 = arith.mulf %add3A_620, %mul3A_614 : vector<16xf32>
        %add3A_622 = arith.constant -19.5911102 : f32
        %add3A_623 = vector.broadcast %add3A_622 : f32 to vector<16xf32>
        %add3A_624 = arith.addf %mul3A_621, %add3A_623 : vector<16xf32>
        %mul3A_625 = arith.mulf %add3A_624, %mul3A_614 : vector<16xf32>
        %add3A_626 = arith.constant 0.998987138 : f32
        %add3A_627 = vector.broadcast %add3A_626 : f32 to vector<16xf32>
        %add3A_628 = arith.addf %mul3A_625, %add3A_627 : vector<16xf32>
        %mul3A_629 = arith.constant -59.2468109 : f32
        %mul3A_630 = vector.broadcast %mul3A_629 : f32 to vector<16xf32>
        %mul3A_631 = arith.mulf %mul3A_630, %mul3A_614 : vector<16xf32>
        %add3A_632 = arith.constant 79.1875687 : f32
        %add3A_633 = vector.broadcast %add3A_632 : f32 to vector<16xf32>
        %add3A_634 = arith.addf %mul3A_631, %add3A_633 : vector<16xf32>
        %mul3A_635 = arith.mulf %add3A_634, %mul3A_614 : vector<16xf32>
        %add3A_636 = arith.constant -41.2340393 : f32
        %add3A_637 = vector.broadcast %add3A_636 : f32 to vector<16xf32>
        %add3A_638 = arith.addf %mul3A_635, %add3A_637 : vector<16xf32>
        %mul3A_639 = arith.mulf %add3A_638, %mul3A_614 : vector<16xf32>
        %add3A_640 = arith.constant 6.28244686 : f32
        %add3A_641 = vector.broadcast %add3A_640 : f32 to vector<16xf32>
        %add3A_642 = arith.addf %mul3A_639, %add3A_641 : vector<16xf32>
        %mul3A_643 = arith.mulf %get3A_218, %add3A_628 : vector<16xf32>
        %mul3A_644 = arith.mulf %add3A_642, %sub3A_613 : vector<16xf32>
        %mul3A_645 = arith.mulf %get3A_218, %mul3A_644 : vector<16xf32>
        %mul3A_646 = arith.mulf %broadcast_in_dim3A_238, %get3A_244 : vector<16xf32>
        %add3A_647 = arith.addf %mul3A_646, %get3A_256 : vector<16xf32>
        %add3A_648 = arith.constant 0x4B400000 : f32
        %add3A_649 = vector.broadcast %add3A_648 : f32 to vector<16xf32>
        %add3A_650 = arith.addf %add3A_647, %add3A_649 : vector<16xf32>
        %sub3A_651 = arith.constant 0x4B400000 : f32
        %sub3A_652 = vector.broadcast %sub3A_651 : f32 to vector<16xf32>
        %sub3A_653 = arith.subf %add3A_650, %sub3A_652 : vector<16xf32>
        %sub3A_654 = arith.subf %add3A_647, %sub3A_653 : vector<16xf32>
        %mul3A_655 = arith.mulf %sub3A_654, %sub3A_654 : vector<16xf32>
        %mul3A_656 = arith.constant -61.0896912 : f32
        %mul3A_657 = vector.broadcast %mul3A_656 : f32 to vector<16xf32>
        %mul3A_658 = arith.mulf %mul3A_657, %mul3A_655 : vector<16xf32>
        %add3A_659 = arith.constant 61.5973052 : f32
        %add3A_660 = vector.broadcast %add3A_659 : f32 to vector<16xf32>
        %add3A_661 = arith.addf %mul3A_658, %add3A_660 : vector<16xf32>
        %mul3A_662 = arith.mulf %add3A_661, %mul3A_655 : vector<16xf32>
        %add3A_663 = arith.constant -19.5911102 : f32
        %add3A_664 = vector.broadcast %add3A_663 : f32 to vector<16xf32>
        %add3A_665 = arith.addf %mul3A_662, %add3A_664 : vector<16xf32>
        %mul3A_666 = arith.mulf %add3A_665, %mul3A_655 : vector<16xf32>
        %add3A_667 = arith.constant 0.998987138 : f32
        %add3A_668 = vector.broadcast %add3A_667 : f32 to vector<16xf32>
        %add3A_669 = arith.addf %mul3A_666, %add3A_668 : vector<16xf32>
        %mul3A_670 = arith.constant -59.2468109 : f32
        %mul3A_671 = vector.broadcast %mul3A_670 : f32 to vector<16xf32>
        %mul3A_672 = arith.mulf %mul3A_671, %mul3A_655 : vector<16xf32>
        %add3A_673 = arith.constant 79.1875687 : f32
        %add3A_674 = vector.broadcast %add3A_673 : f32 to vector<16xf32>
        %add3A_675 = arith.addf %mul3A_672, %add3A_674 : vector<16xf32>
        %mul3A_676 = arith.mulf %add3A_675, %mul3A_655 : vector<16xf32>
        %add3A_677 = arith.constant -41.2340393 : f32
        %add3A_678 = vector.broadcast %add3A_677 : f32 to vector<16xf32>
        %add3A_679 = arith.addf %mul3A_676, %add3A_678 : vector<16xf32>
        %mul3A_680 = arith.mulf %add3A_679, %mul3A_655 : vector<16xf32>
        %add3A_681 = arith.constant 6.28244686 : f32
        %add3A_682 = vector.broadcast %add3A_681 : f32 to vector<16xf32>
        %add3A_683 = arith.addf %mul3A_680, %add3A_682 : vector<16xf32>
        %mul3A_684 = arith.mulf %get3A_250, %add3A_669 : vector<16xf32>
        %mul3A_685 = arith.mulf %add3A_683, %sub3A_654 : vector<16xf32>
        %mul3A_686 = arith.mulf %get3A_250, %mul3A_685 : vector<16xf32>
        %mul3A_687 = arith.mulf %broadcast_in_dim3A_238, %get3A_262 : vector<16xf32>
        %add3A_688 = arith.addf %mul3A_687, %get3A_274 : vector<16xf32>
        %add3A_689 = arith.constant 0x4B400000 : f32
        %add3A_690 = vector.broadcast %add3A_689 : f32 to vector<16xf32>
        %add3A_691 = arith.addf %add3A_688, %add3A_690 : vector<16xf32>
        %sub3A_692 = arith.constant 0x4B400000 : f32
        %sub3A_693 = vector.broadcast %sub3A_692 : f32 to vector<16xf32>
        %sub3A_694 = arith.subf %add3A_691, %sub3A_693 : vector<16xf32>
        %sub3A_695 = arith.subf %add3A_688, %sub3A_694 : vector<16xf32>
        %mul3A_696 = arith.mulf %sub3A_695, %sub3A_695 : vector<16xf32>
        %mul3A_697 = arith.constant -61.0896912 : f32
        %mul3A_698 = vector.broadcast %mul3A_697 : f32 to vector<16xf32>
        %mul3A_699 = arith.mulf %mul3A_698, %mul3A_696 : vector<16xf32>
        %add3A_700 = arith.constant 61.5973052 : f32
        %add3A_701 = vector.broadcast %add3A_700 : f32 to vector<16xf32>
        %add3A_702 = arith.addf %mul3A_699, %add3A_701 : vector<16xf32>
        %mul3A_703 = arith.mulf %add3A_702, %mul3A_696 : vector<16xf32>
        %add3A_704 = arith.constant -19.5911102 : f32
        %add3A_705 = vector.broadcast %add3A_704 : f32 to vector<16xf32>
        %add3A_706 = arith.addf %mul3A_703, %add3A_705 : vector<16xf32>
        %mul3A_707 = arith.mulf %add3A_706, %mul3A_696 : vector<16xf32>
        %add3A_708 = arith.constant 0.998987138 : f32
        %add3A_709 = vector.broadcast %add3A_708 : f32 to vector<16xf32>
        %add3A_710 = arith.addf %mul3A_707, %add3A_709 : vector<16xf32>
        %mul3A_711 = arith.constant -59.2468109 : f32
        %mul3A_712 = vector.broadcast %mul3A_711 : f32 to vector<16xf32>
        %mul3A_713 = arith.mulf %mul3A_712, %mul3A_696 : vector<16xf32>
        %add3A_714 = arith.constant 79.1875687 : f32
        %add3A_715 = vector.broadcast %add3A_714 : f32 to vector<16xf32>
        %add3A_716 = arith.addf %mul3A_713, %add3A_715 : vector<16xf32>
        %mul3A_717 = arith.mulf %add3A_716, %mul3A_696 : vector<16xf32>
        %add3A_718 = arith.constant -41.2340393 : f32
        %add3A_719 = vector.broadcast %add3A_718 : f32 to vector<16xf32>
        %add3A_720 = arith.addf %mul3A_717, %add3A_719 : vector<16xf32>
        %mul3A_721 = arith.mulf %add3A_720, %mul3A_696 : vector<16xf32>
        %add3A_722 = arith.constant 6.28244686 : f32
        %add3A_723 = vector.broadcast %add3A_722 : f32 to vector<16xf32>
        %add3A_724 = arith.addf %mul3A_721, %add3A_723 : vector<16xf32>
        %mul3A_725 = arith.mulf %get3A_268, %add3A_710 : vector<16xf32>
        %mul3A_726 = arith.mulf %add3A_724, %sub3A_695 : vector<16xf32>
        %mul3A_727 = arith.mulf %get3A_268, %mul3A_726 : vector<16xf32>
        %mul3A_728 = arith.mulf %broadcast_in_dim3A_238, %get3A_280 : vector<16xf32>
        %add3A_729 = arith.addf %mul3A_728, %get3A_292 : vector<16xf32>
        %add3A_730 = arith.constant 0x4B400000 : f32
        %add3A_731 = vector.broadcast %add3A_730 : f32 to vector<16xf32>
        %add3A_732 = arith.addf %add3A_729, %add3A_731 : vector<16xf32>
        %sub3A_733 = arith.constant 0x4B400000 : f32
        %sub3A_734 = vector.broadcast %sub3A_733 : f32 to vector<16xf32>
        %sub3A_735 = arith.subf %add3A_732, %sub3A_734 : vector<16xf32>
        %sub3A_736 = arith.subf %add3A_729, %sub3A_735 : vector<16xf32>
        %mul3A_737 = arith.mulf %sub3A_736, %sub3A_736 : vector<16xf32>
        %mul3A_738 = arith.constant -61.0896912 : f32
        %mul3A_739 = vector.broadcast %mul3A_738 : f32 to vector<16xf32>
        %mul3A_740 = arith.mulf %mul3A_739, %mul3A_737 : vector<16xf32>
        %add3A_741 = arith.constant 61.5973052 : f32
        %add3A_742 = vector.broadcast %add3A_741 : f32 to vector<16xf32>
        %add3A_743 = arith.addf %mul3A_740, %add3A_742 : vector<16xf32>
        %mul3A_744 = arith.mulf %add3A_743, %mul3A_737 : vector<16xf32>
        %add3A_745 = arith.constant -19.5911102 : f32
        %add3A_746 = vector.broadcast %add3A_745 : f32 to vector<16xf32>
        %add3A_747 = arith.addf %mul3A_744, %add3A_746 : vector<16xf32>
        %mul3A_748 = arith.mulf %add3A_747, %mul3A_737 : vector<16xf32>
        %add3A_749 = arith.constant 0.998987138 : f32
        %add3A_750 = vector.broadcast %add3A_749 : f32 to vector<16xf32>
        %add3A_751 = arith.addf %mul3A_748, %add3A_750 : vector<16xf32>
        %mul3A_752 = arith.constant -59.2468109 : f32
        %mul3A_753 = vector.broadcast %mul3A_752 : f32 to vector<16xf32>
        %mul3A_754 = arith.mulf %mul3A_753, %mul3A_737 : vector<16xf32>
        %add3A_755 = arith.constant 79.1875687 : f32
        %add3A_756 = vector.broadcast %add3A_755 : f32 to vector<16xf32>
        %add3A_757 = arith.addf %mul3A_754, %add3A_756 : vector<16xf32>
        %mul3A_758 = arith.mulf %add3A_757, %mul3A_737 : vector<16xf32>
        %add3A_759 = arith.constant -41.2340393 : f32
        %add3A_760 = vector.broadcast %add3A_759 : f32 to vector<16xf32>
        %add3A_761 = arith.addf %mul3A_758, %add3A_760 : vector<16xf32>
        %mul3A_762 = arith.mulf %add3A_761, %mul3A_737 : vector<16xf32>
        %add3A_763 = arith.constant 6.28244686 : f32
        %add3A_764 = vector.broadcast %add3A_763 : f32 to vector<16xf32>
        %add3A_765 = arith.addf %mul3A_762, %add3A_764 : vector<16xf32>
        %mul3A_766 = arith.mulf %get3A_286, %add3A_751 : vector<16xf32>
        %mul3A_767 = arith.mulf %add3A_765, %sub3A_736 : vector<16xf32>
        %mul3A_768 = arith.mulf %get3A_286, %mul3A_767 : vector<16xf32>
        %mul3A_769 = arith.mulf %broadcast_in_dim3A_238, %get3A_298 : vector<16xf32>
        %add3A_770 = arith.addf %mul3A_769, %get3A_310 : vector<16xf32>
        %add3A_771 = arith.constant 0x4B400000 : f32
        %add3A_772 = vector.broadcast %add3A_771 : f32 to vector<16xf32>
        %add3A_773 = arith.addf %add3A_770, %add3A_772 : vector<16xf32>
        %sub3A_774 = arith.constant 0x4B400000 : f32
        %sub3A_775 = vector.broadcast %sub3A_774 : f32 to vector<16xf32>
        %sub3A_776 = arith.subf %add3A_773, %sub3A_775 : vector<16xf32>
        %sub3A_777 = arith.subf %add3A_770, %sub3A_776 : vector<16xf32>
        %mul3A_778 = arith.mulf %sub3A_777, %sub3A_777 : vector<16xf32>
        %mul3A_779 = arith.constant -61.0896912 : f32
        %mul3A_780 = vector.broadcast %mul3A_779 : f32 to vector<16xf32>
        %mul3A_781 = arith.mulf %mul3A_780, %mul3A_778 : vector<16xf32>
        %add3A_782 = arith.constant 61.5973052 : f32
        %add3A_783 = vector.broadcast %add3A_782 : f32 to vector<16xf32>
        %add3A_784 = arith.addf %mul3A_781, %add3A_783 : vector<16xf32>
        %mul3A_785 = arith.mulf %add3A_784, %mul3A_778 : vector<16xf32>
        %add3A_786 = arith.constant -19.5911102 : f32
        %add3A_787 = vector.broadcast %add3A_786 : f32 to vector<16xf32>
        %add3A_788 = arith.addf %mul3A_785, %add3A_787 : vector<16xf32>
        %mul3A_789 = arith.mulf %add3A_788, %mul3A_778 : vector<16xf32>
        %add3A_790 = arith.constant 0.998987138 : f32
        %add3A_791 = vector.broadcast %add3A_790 : f32 to vector<16xf32>
        %add3A_792 = arith.addf %mul3A_789, %add3A_791 : vector<16xf32>
        %mul3A_793 = arith.constant -59.2468109 : f32
        %mul3A_794 = vector.broadcast %mul3A_793 : f32 to vector<16xf32>
        %mul3A_795 = arith.mulf %mul3A_794, %mul3A_778 : vector<16xf32>
        %add3A_796 = arith.constant 79.1875687 : f32
        %add3A_797 = vector.broadcast %add3A_796 : f32 to vector<16xf32>
        %add3A_798 = arith.addf %mul3A_795, %add3A_797 : vector<16xf32>
        %mul3A_799 = arith.mulf %add3A_798, %mul3A_778 : vector<16xf32>
        %add3A_800 = arith.constant -41.2340393 : f32
        %add3A_801 = vector.broadcast %add3A_800 : f32 to vector<16xf32>
        %add3A_802 = arith.addf %mul3A_799, %add3A_801 : vector<16xf32>
        %mul3A_803 = arith.mulf %add3A_802, %mul3A_778 : vector<16xf32>
        %add3A_804 = arith.constant 6.28244686 : f32
        %add3A_805 = vector.broadcast %add3A_804 : f32 to vector<16xf32>
        %add3A_806 = arith.addf %mul3A_803, %add3A_805 : vector<16xf32>
        %mul3A_807 = arith.mulf %get3A_304, %add3A_792 : vector<16xf32>
        %mul3A_808 = arith.mulf %add3A_806, %sub3A_777 : vector<16xf32>
        %mul3A_809 = arith.mulf %get3A_304, %mul3A_808 : vector<16xf32>
        %mul3A_810 = arith.mulf %broadcast_in_dim3A_324, %get3A_330 : vector<16xf32>
        %add3A_811 = arith.addf %mul3A_810, %get3A_342 : vector<16xf32>
        %add3A_812 = arith.constant 0x4B400000 : f32
        %add3A_813 = vector.broadcast %add3A_812 : f32 to vector<16xf32>
        %add3A_814 = arith.addf %add3A_811, %add3A_813 : vector<16xf32>
        %sub3A_815 = arith.constant 0x4B400000 : f32
        %sub3A_816 = vector.broadcast %sub3A_815 : f32 to vector<16xf32>
        %sub3A_817 = arith.subf %add3A_814, %sub3A_816 : vector<16xf32>
        %sub3A_818 = arith.subf %add3A_811, %sub3A_817 : vector<16xf32>
        %mul3A_819 = arith.mulf %sub3A_818, %sub3A_818 : vector<16xf32>
        %mul3A_820 = arith.constant -61.0896912 : f32
        %mul3A_821 = vector.broadcast %mul3A_820 : f32 to vector<16xf32>
        %mul3A_822 = arith.mulf %mul3A_821, %mul3A_819 : vector<16xf32>
        %add3A_823 = arith.constant 61.5973052 : f32
        %add3A_824 = vector.broadcast %add3A_823 : f32 to vector<16xf32>
        %add3A_825 = arith.addf %mul3A_822, %add3A_824 : vector<16xf32>
        %mul3A_826 = arith.mulf %add3A_825, %mul3A_819 : vector<16xf32>
        %add3A_827 = arith.constant -19.5911102 : f32
        %add3A_828 = vector.broadcast %add3A_827 : f32 to vector<16xf32>
        %add3A_829 = arith.addf %mul3A_826, %add3A_828 : vector<16xf32>
        %mul3A_830 = arith.mulf %add3A_829, %mul3A_819 : vector<16xf32>
        %add3A_831 = arith.constant 0.998987138 : f32
        %add3A_832 = vector.broadcast %add3A_831 : f32 to vector<16xf32>
        %add3A_833 = arith.addf %mul3A_830, %add3A_832 : vector<16xf32>
        %mul3A_834 = arith.constant -59.2468109 : f32
        %mul3A_835 = vector.broadcast %mul3A_834 : f32 to vector<16xf32>
        %mul3A_836 = arith.mulf %mul3A_835, %mul3A_819 : vector<16xf32>
        %add3A_837 = arith.constant 79.1875687 : f32
        %add3A_838 = vector.broadcast %add3A_837 : f32 to vector<16xf32>
        %add3A_839 = arith.addf %mul3A_836, %add3A_838 : vector<16xf32>
        %mul3A_840 = arith.mulf %add3A_839, %mul3A_819 : vector<16xf32>
        %add3A_841 = arith.constant -41.2340393 : f32
        %add3A_842 = vector.broadcast %add3A_841 : f32 to vector<16xf32>
        %add3A_843 = arith.addf %mul3A_840, %add3A_842 : vector<16xf32>
        %mul3A_844 = arith.mulf %add3A_843, %mul3A_819 : vector<16xf32>
        %add3A_845 = arith.constant 6.28244686 : f32
        %add3A_846 = vector.broadcast %add3A_845 : f32 to vector<16xf32>
        %add3A_847 = arith.addf %mul3A_844, %add3A_846 : vector<16xf32>
        %mul3A_848 = arith.mulf %get3A_336, %add3A_833 : vector<16xf32>
        %mul3A_849 = arith.mulf %add3A_847, %sub3A_818 : vector<16xf32>
        %mul3A_850 = arith.mulf %get3A_336, %mul3A_849 : vector<16xf32>
        %mul3A_851 = arith.mulf %broadcast_in_dim3A_324, %get3A_348 : vector<16xf32>
        %add3A_852 = arith.addf %mul3A_851, %get3A_360 : vector<16xf32>
        %add3A_853 = arith.constant 0x4B400000 : f32
        %add3A_854 = vector.broadcast %add3A_853 : f32 to vector<16xf32>
        %add3A_855 = arith.addf %add3A_852, %add3A_854 : vector<16xf32>
        %sub3A_856 = arith.constant 0x4B400000 : f32
        %sub3A_857 = vector.broadcast %sub3A_856 : f32 to vector<16xf32>
        %sub3A_858 = arith.subf %add3A_855, %sub3A_857 : vector<16xf32>
        %sub3A_859 = arith.subf %add3A_852, %sub3A_858 : vector<16xf32>
        %mul3A_860 = arith.mulf %sub3A_859, %sub3A_859 : vector<16xf32>
        %mul3A_861 = arith.constant -61.0896912 : f32
        %mul3A_862 = vector.broadcast %mul3A_861 : f32 to vector<16xf32>
        %mul3A_863 = arith.mulf %mul3A_862, %mul3A_860 : vector<16xf32>
        %add3A_864 = arith.constant 61.5973052 : f32
        %add3A_865 = vector.broadcast %add3A_864 : f32 to vector<16xf32>
        %add3A_866 = arith.addf %mul3A_863, %add3A_865 : vector<16xf32>
        %mul3A_867 = arith.mulf %add3A_866, %mul3A_860 : vector<16xf32>
        %add3A_868 = arith.constant -19.5911102 : f32
        %add3A_869 = vector.broadcast %add3A_868 : f32 to vector<16xf32>
        %add3A_870 = arith.addf %mul3A_867, %add3A_869 : vector<16xf32>
        %mul3A_871 = arith.mulf %add3A_870, %mul3A_860 : vector<16xf32>
        %add3A_872 = arith.constant 0.998987138 : f32
        %add3A_873 = vector.broadcast %add3A_872 : f32 to vector<16xf32>
        %add3A_874 = arith.addf %mul3A_871, %add3A_873 : vector<16xf32>
        %mul3A_875 = arith.constant -59.2468109 : f32
        %mul3A_876 = vector.broadcast %mul3A_875 : f32 to vector<16xf32>
        %mul3A_877 = arith.mulf %mul3A_876, %mul3A_860 : vector<16xf32>
        %add3A_878 = arith.constant 79.1875687 : f32
        %add3A_879 = vector.broadcast %add3A_878 : f32 to vector<16xf32>
        %add3A_880 = arith.addf %mul3A_877, %add3A_879 : vector<16xf32>
        %mul3A_881 = arith.mulf %add3A_880, %mul3A_860 : vector<16xf32>
        %add3A_882 = arith.constant -41.2340393 : f32
        %add3A_883 = vector.broadcast %add3A_882 : f32 to vector<16xf32>
        %add3A_884 = arith.addf %mul3A_881, %add3A_883 : vector<16xf32>
        %mul3A_885 = arith.mulf %add3A_884, %mul3A_860 : vector<16xf32>
        %add3A_886 = arith.constant 6.28244686 : f32
        %add3A_887 = vector.broadcast %add3A_886 : f32 to vector<16xf32>
        %add3A_888 = arith.addf %mul3A_885, %add3A_887 : vector<16xf32>
        %mul3A_889 = arith.mulf %get3A_354, %add3A_874 : vector<16xf32>
        %mul3A_890 = arith.mulf %add3A_888, %sub3A_859 : vector<16xf32>
        %mul3A_891 = arith.mulf %get3A_354, %mul3A_890 : vector<16xf32>
        %mul3A_892 = arith.mulf %broadcast_in_dim3A_324, %get3A_366 : vector<16xf32>
        %add3A_893 = arith.addf %mul3A_892, %get3A_378 : vector<16xf32>
        %add3A_894 = arith.constant 0x4B400000 : f32
        %add3A_895 = vector.broadcast %add3A_894 : f32 to vector<16xf32>
        %add3A_896 = arith.addf %add3A_893, %add3A_895 : vector<16xf32>
        %sub3A_897 = arith.constant 0x4B400000 : f32
        %sub3A_898 = vector.broadcast %sub3A_897 : f32 to vector<16xf32>
        %sub3A_899 = arith.subf %add3A_896, %sub3A_898 : vector<16xf32>
        %sub3A_900 = arith.subf %add3A_893, %sub3A_899 : vector<16xf32>
        %mul3A_901 = arith.mulf %sub3A_900, %sub3A_900 : vector<16xf32>
        %mul3A_902 = arith.constant -61.0896912 : f32
        %mul3A_903 = vector.broadcast %mul3A_902 : f32 to vector<16xf32>
        %mul3A_904 = arith.mulf %mul3A_903, %mul3A_901 : vector<16xf32>
        %add3A_905 = arith.constant 61.5973052 : f32
        %add3A_906 = vector.broadcast %add3A_905 : f32 to vector<16xf32>
        %add3A_907 = arith.addf %mul3A_904, %add3A_906 : vector<16xf32>
        %mul3A_908 = arith.mulf %add3A_907, %mul3A_901 : vector<16xf32>
        %add3A_909 = arith.constant -19.5911102 : f32
        %add3A_910 = vector.broadcast %add3A_909 : f32 to vector<16xf32>
        %add3A_911 = arith.addf %mul3A_908, %add3A_910 : vector<16xf32>
        %mul3A_912 = arith.mulf %add3A_911, %mul3A_901 : vector<16xf32>
        %add3A_913 = arith.constant 0.998987138 : f32
        %add3A_914 = vector.broadcast %add3A_913 : f32 to vector<16xf32>
        %add3A_915 = arith.addf %mul3A_912, %add3A_914 : vector<16xf32>
        %mul3A_916 = arith.constant -59.2468109 : f32
        %mul3A_917 = vector.broadcast %mul3A_916 : f32 to vector<16xf32>
        %mul3A_918 = arith.mulf %mul3A_917, %mul3A_901 : vector<16xf32>
        %add3A_919 = arith.constant 79.1875687 : f32
        %add3A_920 = vector.broadcast %add3A_919 : f32 to vector<16xf32>
        %add3A_921 = arith.addf %mul3A_918, %add3A_920 : vector<16xf32>
        %mul3A_922 = arith.mulf %add3A_921, %mul3A_901 : vector<16xf32>
        %add3A_923 = arith.constant -41.2340393 : f32
        %add3A_924 = vector.broadcast %add3A_923 : f32 to vector<16xf32>
        %add3A_925 = arith.addf %mul3A_922, %add3A_924 : vector<16xf32>
        %mul3A_926 = arith.mulf %add3A_925, %mul3A_901 : vector<16xf32>
        %add3A_927 = arith.constant 6.28244686 : f32
        %add3A_928 = vector.broadcast %add3A_927 : f32 to vector<16xf32>
        %add3A_929 = arith.addf %mul3A_926, %add3A_928 : vector<16xf32>
        %mul3A_930 = arith.mulf %get3A_372, %add3A_915 : vector<16xf32>
        %mul3A_931 = arith.mulf %add3A_929, %sub3A_900 : vector<16xf32>
        %mul3A_932 = arith.mulf %get3A_372, %mul3A_931 : vector<16xf32>
        %mul3A_933 = arith.mulf %broadcast_in_dim3A_324, %get3A_384 : vector<16xf32>
        %add3A_934 = arith.addf %mul3A_933, %get3A_396 : vector<16xf32>
        %add3A_935 = arith.constant 0x4B400000 : f32
        %add3A_936 = vector.broadcast %add3A_935 : f32 to vector<16xf32>
        %add3A_937 = arith.addf %add3A_934, %add3A_936 : vector<16xf32>
        %sub3A_938 = arith.constant 0x4B400000 : f32
        %sub3A_939 = vector.broadcast %sub3A_938 : f32 to vector<16xf32>
        %sub3A_940 = arith.subf %add3A_937, %sub3A_939 : vector<16xf32>
        %sub3A_941 = arith.subf %add3A_934, %sub3A_940 : vector<16xf32>
        %mul3A_942 = arith.mulf %sub3A_941, %sub3A_941 : vector<16xf32>
        %mul3A_943 = arith.constant -61.0896912 : f32
        %mul3A_944 = vector.broadcast %mul3A_943 : f32 to vector<16xf32>
        %mul3A_945 = arith.mulf %mul3A_944, %mul3A_942 : vector<16xf32>
        %add3A_946 = arith.constant 61.5973052 : f32
        %add3A_947 = vector.broadcast %add3A_946 : f32 to vector<16xf32>
        %add3A_948 = arith.addf %mul3A_945, %add3A_947 : vector<16xf32>
        %mul3A_949 = arith.mulf %add3A_948, %mul3A_942 : vector<16xf32>
        %add3A_950 = arith.constant -19.5911102 : f32
        %add3A_951 = vector.broadcast %add3A_950 : f32 to vector<16xf32>
        %add3A_952 = arith.addf %mul3A_949, %add3A_951 : vector<16xf32>
        %mul3A_953 = arith.mulf %add3A_952, %mul3A_942 : vector<16xf32>
        %add3A_954 = arith.constant 0.998987138 : f32
        %add3A_955 = vector.broadcast %add3A_954 : f32 to vector<16xf32>
        %add3A_956 = arith.addf %mul3A_953, %add3A_955 : vector<16xf32>
        %mul3A_957 = arith.constant -59.2468109 : f32
        %mul3A_958 = vector.broadcast %mul3A_957 : f32 to vector<16xf32>
        %mul3A_959 = arith.mulf %mul3A_958, %mul3A_942 : vector<16xf32>
        %add3A_960 = arith.constant 79.1875687 : f32
        %add3A_961 = vector.broadcast %add3A_960 : f32 to vector<16xf32>
        %add3A_962 = arith.addf %mul3A_959, %add3A_961 : vector<16xf32>
        %mul3A_963 = arith.mulf %add3A_962, %mul3A_942 : vector<16xf32>
        %add3A_964 = arith.constant -41.2340393 : f32
        %add3A_965 = vector.broadcast %add3A_964 : f32 to vector<16xf32>
        %add3A_966 = arith.addf %mul3A_963, %add3A_965 : vector<16xf32>
        %mul3A_967 = arith.mulf %add3A_966, %mul3A_942 : vector<16xf32>
        %add3A_968 = arith.constant 6.28244686 : f32
        %add3A_969 = vector.broadcast %add3A_968 : f32 to vector<16xf32>
        %add3A_970 = arith.addf %mul3A_967, %add3A_969 : vector<16xf32>
        %mul3A_971 = arith.mulf %get3A_390, %add3A_956 : vector<16xf32>
        %mul3A_972 = arith.mulf %add3A_970, %sub3A_941 : vector<16xf32>
        %mul3A_973 = arith.mulf %get3A_390, %mul3A_972 : vector<16xf32>
        %mul3A_974 = arith.mulf %broadcast_in_dim3A_410, %get3A_416 : vector<16xf32>
        %add3A_975 = arith.addf %mul3A_974, %get3A_428 : vector<16xf32>
        %add3A_976 = arith.constant 0x4B400000 : f32
        %add3A_977 = vector.broadcast %add3A_976 : f32 to vector<16xf32>
        %add3A_978 = arith.addf %add3A_975, %add3A_977 : vector<16xf32>
        %sub3A_979 = arith.constant 0x4B400000 : f32
        %sub3A_980 = vector.broadcast %sub3A_979 : f32 to vector<16xf32>
        %sub3A_981 = arith.subf %add3A_978, %sub3A_980 : vector<16xf32>
        %sub3A_982 = arith.subf %add3A_975, %sub3A_981 : vector<16xf32>
        %mul3A_983 = arith.mulf %sub3A_982, %sub3A_982 : vector<16xf32>
        %mul3A_984 = arith.constant -61.0896912 : f32
        %mul3A_985 = vector.broadcast %mul3A_984 : f32 to vector<16xf32>
        %mul3A_986 = arith.mulf %mul3A_985, %mul3A_983 : vector<16xf32>
        %add3A_987 = arith.constant 61.5973052 : f32
        %add3A_988 = vector.broadcast %add3A_987 : f32 to vector<16xf32>
        %add3A_989 = arith.addf %mul3A_986, %add3A_988 : vector<16xf32>
        %mul3A_990 = arith.mulf %add3A_989, %mul3A_983 : vector<16xf32>
        %add3A_991 = arith.constant -19.5911102 : f32
        %add3A_992 = vector.broadcast %add3A_991 : f32 to vector<16xf32>
        %add3A_993 = arith.addf %mul3A_990, %add3A_992 : vector<16xf32>
        %mul3A_994 = arith.mulf %add3A_993, %mul3A_983 : vector<16xf32>
        %add3A_995 = arith.constant 0.998987138 : f32
        %add3A_996 = vector.broadcast %add3A_995 : f32 to vector<16xf32>
        %add3A_997 = arith.addf %mul3A_994, %add3A_996 : vector<16xf32>
        %mul3A_998 = arith.constant -59.2468109 : f32
        %mul3A_999 = vector.broadcast %mul3A_998 : f32 to vector<16xf32>
        %mul3A_1000 = arith.mulf %mul3A_999, %mul3A_983 : vector<16xf32>
        %add3A_1001 = arith.constant 79.1875687 : f32
        %add3A_1002 = vector.broadcast %add3A_1001 : f32 to vector<16xf32>
        %add3A_1003 = arith.addf %mul3A_1000, %add3A_1002 : vector<16xf32>
        %mul3A_1004 = arith.mulf %add3A_1003, %mul3A_983 : vector<16xf32>
        %add3A_1005 = arith.constant -41.2340393 : f32
        %add3A_1006 = vector.broadcast %add3A_1005 : f32 to vector<16xf32>
        %add3A_1007 = arith.addf %mul3A_1004, %add3A_1006 : vector<16xf32>
        %mul3A_1008 = arith.mulf %add3A_1007, %mul3A_983 : vector<16xf32>
        %add3A_1009 = arith.constant 6.28244686 : f32
        %add3A_1010 = vector.broadcast %add3A_1009 : f32 to vector<16xf32>
        %add3A_1011 = arith.addf %mul3A_1008, %add3A_1010 : vector<16xf32>
        %mul3A_1012 = arith.mulf %get3A_422, %add3A_997 : vector<16xf32>
        %mul3A_1013 = arith.mulf %add3A_1011, %sub3A_982 : vector<16xf32>
        %mul3A_1014 = arith.mulf %get3A_422, %mul3A_1013 : vector<16xf32>
        %mul3A_1015 = arith.mulf %broadcast_in_dim3A_410, %get3A_434 : vector<16xf32>
        %add3A_1016 = arith.addf %mul3A_1015, %get3A_446 : vector<16xf32>
        %add3A_1017 = arith.constant 0x4B400000 : f32
        %add3A_1018 = vector.broadcast %add3A_1017 : f32 to vector<16xf32>
        %add3A_1019 = arith.addf %add3A_1016, %add3A_1018 : vector<16xf32>
        %sub3A_1020 = arith.constant 0x4B400000 : f32
        %sub3A_1021 = vector.broadcast %sub3A_1020 : f32 to vector<16xf32>
        %sub3A_1022 = arith.subf %add3A_1019, %sub3A_1021 : vector<16xf32>
        %sub3A_1023 = arith.subf %add3A_1016, %sub3A_1022 : vector<16xf32>
        %mul3A_1024 = arith.mulf %sub3A_1023, %sub3A_1023 : vector<16xf32>
        %mul3A_1025 = arith.constant -61.0896912 : f32
        %mul3A_1026 = vector.broadcast %mul3A_1025 : f32 to vector<16xf32>
        %mul3A_1027 = arith.mulf %mul3A_1026, %mul3A_1024 : vector<16xf32>
        %add3A_1028 = arith.constant 61.5973052 : f32
        %add3A_1029 = vector.broadcast %add3A_1028 : f32 to vector<16xf32>
        %add3A_1030 = arith.addf %mul3A_1027, %add3A_1029 : vector<16xf32>
        %mul3A_1031 = arith.mulf %add3A_1030, %mul3A_1024 : vector<16xf32>
        %add3A_1032 = arith.constant -19.5911102 : f32
        %add3A_1033 = vector.broadcast %add3A_1032 : f32 to vector<16xf32>
        %add3A_1034 = arith.addf %mul3A_1031, %add3A_1033 : vector<16xf32>
        %mul3A_1035 = arith.mulf %add3A_1034, %mul3A_1024 : vector<16xf32>
        %add3A_1036 = arith.constant 0.998987138 : f32
        %add3A_1037 = vector.broadcast %add3A_1036 : f32 to vector<16xf32>
        %add3A_1038 = arith.addf %mul3A_1035, %add3A_1037 : vector<16xf32>
        %mul3A_1039 = arith.constant -59.2468109 : f32
        %mul3A_1040 = vector.broadcast %mul3A_1039 : f32 to vector<16xf32>
        %mul3A_1041 = arith.mulf %mul3A_1040, %mul3A_1024 : vector<16xf32>
        %add3A_1042 = arith.constant 79.1875687 : f32
        %add3A_1043 = vector.broadcast %add3A_1042 : f32 to vector<16xf32>
        %add3A_1044 = arith.addf %mul3A_1041, %add3A_1043 : vector<16xf32>
        %mul3A_1045 = arith.mulf %add3A_1044, %mul3A_1024 : vector<16xf32>
        %add3A_1046 = arith.constant -41.2340393 : f32
        %add3A_1047 = vector.broadcast %add3A_1046 : f32 to vector<16xf32>
        %add3A_1048 = arith.addf %mul3A_1045, %add3A_1047 : vector<16xf32>
        %mul3A_1049 = arith.mulf %add3A_1048, %mul3A_1024 : vector<16xf32>
        %add3A_1050 = arith.constant 6.28244686 : f32
        %add3A_1051 = vector.broadcast %add3A_1050 : f32 to vector<16xf32>
        %add3A_1052 = arith.addf %mul3A_1049, %add3A_1051 : vector<16xf32>
        %mul3A_1053 = arith.mulf %get3A_440, %add3A_1038 : vector<16xf32>
        %mul3A_1054 = arith.mulf %add3A_1052, %sub3A_1023 : vector<16xf32>
        %mul3A_1055 = arith.mulf %get3A_440, %mul3A_1054 : vector<16xf32>
        %mul3A_1056 = arith.mulf %broadcast_in_dim3A_410, %get3A_452 : vector<16xf32>
        %add3A_1057 = arith.addf %mul3A_1056, %get3A_464 : vector<16xf32>
        %add3A_1058 = arith.constant 0x4B400000 : f32
        %add3A_1059 = vector.broadcast %add3A_1058 : f32 to vector<16xf32>
        %add3A_1060 = arith.addf %add3A_1057, %add3A_1059 : vector<16xf32>
        %sub3A_1061 = arith.constant 0x4B400000 : f32
        %sub3A_1062 = vector.broadcast %sub3A_1061 : f32 to vector<16xf32>
        %sub3A_1063 = arith.subf %add3A_1060, %sub3A_1062 : vector<16xf32>
        %sub3A_1064 = arith.subf %add3A_1057, %sub3A_1063 : vector<16xf32>
        %mul3A_1065 = arith.mulf %sub3A_1064, %sub3A_1064 : vector<16xf32>
        %mul3A_1066 = arith.constant -61.0896912 : f32
        %mul3A_1067 = vector.broadcast %mul3A_1066 : f32 to vector<16xf32>
        %mul3A_1068 = arith.mulf %mul3A_1067, %mul3A_1065 : vector<16xf32>
        %add3A_1069 = arith.constant 61.5973052 : f32
        %add3A_1070 = vector.broadcast %add3A_1069 : f32 to vector<16xf32>
        %add3A_1071 = arith.addf %mul3A_1068, %add3A_1070 : vector<16xf32>
        %mul3A_1072 = arith.mulf %add3A_1071, %mul3A_1065 : vector<16xf32>
        %add3A_1073 = arith.constant -19.5911102 : f32
        %add3A_1074 = vector.broadcast %add3A_1073 : f32 to vector<16xf32>
        %add3A_1075 = arith.addf %mul3A_1072, %add3A_1074 : vector<16xf32>
        %mul3A_1076 = arith.mulf %add3A_1075, %mul3A_1065 : vector<16xf32>
        %add3A_1077 = arith.constant 0.998987138 : f32
        %add3A_1078 = vector.broadcast %add3A_1077 : f32 to vector<16xf32>
        %add3A_1079 = arith.addf %mul3A_1076, %add3A_1078 : vector<16xf32>
        %mul3A_1080 = arith.constant -59.2468109 : f32
        %mul3A_1081 = vector.broadcast %mul3A_1080 : f32 to vector<16xf32>
        %mul3A_1082 = arith.mulf %mul3A_1081, %mul3A_1065 : vector<16xf32>
        %add3A_1083 = arith.constant 79.1875687 : f32
        %add3A_1084 = vector.broadcast %add3A_1083 : f32 to vector<16xf32>
        %add3A_1085 = arith.addf %mul3A_1082, %add3A_1084 : vector<16xf32>
        %mul3A_1086 = arith.mulf %add3A_1085, %mul3A_1065 : vector<16xf32>
        %add3A_1087 = arith.constant -41.2340393 : f32
        %add3A_1088 = vector.broadcast %add3A_1087 : f32 to vector<16xf32>
        %add3A_1089 = arith.addf %mul3A_1086, %add3A_1088 : vector<16xf32>
        %mul3A_1090 = arith.mulf %add3A_1089, %mul3A_1065 : vector<16xf32>
        %add3A_1091 = arith.constant 6.28244686 : f32
        %add3A_1092 = vector.broadcast %add3A_1091 : f32 to vector<16xf32>
        %add3A_1093 = arith.addf %mul3A_1090, %add3A_1092 : vector<16xf32>
        %mul3A_1094 = arith.mulf %get3A_458, %add3A_1079 : vector<16xf32>
        %mul3A_1095 = arith.mulf %add3A_1093, %sub3A_1064 : vector<16xf32>
        %mul3A_1096 = arith.mulf %get3A_458, %mul3A_1095 : vector<16xf32>
        %mul3A_1097 = arith.mulf %broadcast_in_dim3A_410, %get3A_470 : vector<16xf32>
        %add3A_1098 = arith.addf %mul3A_1097, %get3A_482 : vector<16xf32>
        %add3A_1099 = arith.constant 0x4B400000 : f32
        %add3A_1100 = vector.broadcast %add3A_1099 : f32 to vector<16xf32>
        %add3A_1101 = arith.addf %add3A_1098, %add3A_1100 : vector<16xf32>
        %sub3A_1102 = arith.constant 0x4B400000 : f32
        %sub3A_1103 = vector.broadcast %sub3A_1102 : f32 to vector<16xf32>
        %sub3A_1104 = arith.subf %add3A_1101, %sub3A_1103 : vector<16xf32>
        %sub3A_1105 = arith.subf %add3A_1098, %sub3A_1104 : vector<16xf32>
        %mul3A_1106 = arith.mulf %sub3A_1105, %sub3A_1105 : vector<16xf32>
        %mul3A_1107 = arith.constant -61.0896912 : f32
        %mul3A_1108 = vector.broadcast %mul3A_1107 : f32 to vector<16xf32>
        %mul3A_1109 = arith.mulf %mul3A_1108, %mul3A_1106 : vector<16xf32>
        %add3A_1110 = arith.constant 61.5973052 : f32
        %add3A_1111 = vector.broadcast %add3A_1110 : f32 to vector<16xf32>
        %add3A_1112 = arith.addf %mul3A_1109, %add3A_1111 : vector<16xf32>
        %mul3A_1113 = arith.mulf %add3A_1112, %mul3A_1106 : vector<16xf32>
        %add3A_1114 = arith.constant -19.5911102 : f32
        %add3A_1115 = vector.broadcast %add3A_1114 : f32 to vector<16xf32>
        %add3A_1116 = arith.addf %mul3A_1113, %add3A_1115 : vector<16xf32>
        %mul3A_1117 = arith.mulf %add3A_1116, %mul3A_1106 : vector<16xf32>
        %add3A_1118 = arith.constant 0.998987138 : f32
        %add3A_1119 = vector.broadcast %add3A_1118 : f32 to vector<16xf32>
        %add3A_1120 = arith.addf %mul3A_1117, %add3A_1119 : vector<16xf32>
        %mul3A_1121 = arith.constant -59.2468109 : f32
        %mul3A_1122 = vector.broadcast %mul3A_1121 : f32 to vector<16xf32>
        %mul3A_1123 = arith.mulf %mul3A_1122, %mul3A_1106 : vector<16xf32>
        %add3A_1124 = arith.constant 79.1875687 : f32
        %add3A_1125 = vector.broadcast %add3A_1124 : f32 to vector<16xf32>
        %add3A_1126 = arith.addf %mul3A_1123, %add3A_1125 : vector<16xf32>
        %mul3A_1127 = arith.mulf %add3A_1126, %mul3A_1106 : vector<16xf32>
        %add3A_1128 = arith.constant -41.2340393 : f32
        %add3A_1129 = vector.broadcast %add3A_1128 : f32 to vector<16xf32>
        %add3A_1130 = arith.addf %mul3A_1127, %add3A_1129 : vector<16xf32>
        %mul3A_1131 = arith.mulf %add3A_1130, %mul3A_1106 : vector<16xf32>
        %add3A_1132 = arith.constant 6.28244686 : f32
        %add3A_1133 = vector.broadcast %add3A_1132 : f32 to vector<16xf32>
        %add3A_1134 = arith.addf %mul3A_1131, %add3A_1133 : vector<16xf32>
        %mul3A_1135 = arith.mulf %get3A_476, %add3A_1120 : vector<16xf32>
        %mul3A_1136 = arith.mulf %add3A_1134, %sub3A_1105 : vector<16xf32>
        %mul3A_1137 = arith.mulf %get3A_476, %mul3A_1136 : vector<16xf32>
        %swap3A = arith.constant 1 : i32
        %swap3A_1138 = arith.index_cast %swap3A : i32 to index
        %swap3A_1139 = arith.index_cast %add3A_145 : i32 to index
        %swap3A_1140 = arith.constant 0 : index
        %swap3A_1141 = tpu.vector_load %arg7[%swap3A_1138, %swap3A_1139, %swap3A_1140] {strides = array<i32>} : memref<2x128x128xf32, #tpu.memory_space<vmem>>, vector<1x1x16xf32>,
        %swap3A_1142 = vector.shape_cast %swap3A_1141 : vector<1x1x16xf32> to vector<16xf32>
        %swap3A_1143 = vector.shape_cast %mul3A_520 : vector<16xf32> to vector<1x1x16xf32>
        tpu.vector_store %arg7[%swap3A_1138, %swap3A_1139, %swap3A_1140], %swap3A_1143 {strides = array<i32>} : memref<2x128x128xf32, #tpu.memory_space<vmem>>, vector<1x1x16xf32>,
        %swap3A_1144 = arith.constant 1 : i32
        %swap3A_1145 = arith.index_cast %swap3A_1144 : i32 to index
        %swap3A_1146 = arith.index_cast %add3A_145 : i32 to index
        %swap3A_1147 = arith.constant 64 : index
        %swap3A_1148 = tpu.vector_load %arg7[%swap3A_1145, %swap3A_1146, %swap3A_1147] {strides = array<i32>} : memref<2x128x128xf32, #tpu.memory_space<vmem>>, vector<1x1x16xf32>,
        %swap3A_1149 = vector.shape_cast %swap3A_1148 : vector<1x1x16xf32> to vector<16xf32>
        %swap3A_1150 = vector.shape_cast %mul3A_522 : vector<16xf32> to vector<1x1x16xf32>
        tpu.vector_store %arg7[%swap3A_1145, %swap3A_1146, %swap3A_1147], %swap3A_1150 {strides = array<i32>} : memref<2x128x128xf32, #tpu.memory_space<vmem>>, vector<1x1x16xf32>,
        %swap3A_1151 = arith.constant 1 : i32
        %swap3A_1152 = arith.index_cast %swap3A_1151 : i32 to index
        %swap3A_1153 = arith.index_cast %add3A_145 : i32 to index
        %swap3A_1154 = arith.constant 16 : index
        %swap3A_1155 = tpu.vector_load %arg7[%swap3A_1152, %swap3A_1153, %swap3A_1154] {strides = array<i32>} : memref<2x128x128xf32, #tpu.memory_space<vmem>>, vector<1x1x16xf32>,
        %swap3A_1156 = vector.shape_cast %swap3A_1155 : vector<1x1x16xf32> to vector<16xf32>
        %swap3A_1157 = vector.shape_cast %mul3A_561 : vector<16xf32> to vector<1x1x16xf32>
        tpu.vector_store %arg7[%swap3A_1152, %swap3A_1153, %swap3A_1154], %swap3A_1157 {strides = array<i32>} : memref<2x128x128xf32, #tpu.memory_space<vmem>>, vector<1x1x16xf32>,
        %swap3A_1158 = arith.constant 1 : i32
        %swap3A_1159 = arith.index_cast %swap3A_1158 : i32 to index
        %swap3A_1160 = arith.index_cast %add3A_145 : i32 to index
        %swap3A_1161 = arith.constant 80 : index
        %swap3A_1162 = tpu.vector_load %arg7[%swap3A_1159, %swap3A_1160, %swap3A_1161] {strides = array<i32>} : memref<2x128x128xf32, #tpu.memory_space<vmem>>, vector<1x1x16xf32>,
        %swap3A_1163 = vector.shape_cast %swap3A_1162 : vector<1x1x16xf32> to vector<16xf32>
        %swap3A_1164 = vector.shape_cast %mul3A_563 : vector<16xf32> to vector<1x1x16xf32>
        tpu.vector_store %arg7[%swap3A_1159, %swap3A_1160, %swap3A_1161], %swap3A_1164 {strides = array<i32>} : memref<2x128x128xf32, #tpu.memory_space<vmem>>, vector<1x1x16xf32>,
        %swap3A_1165 = arith.constant 1 : i32
        %swap3A_1166 = arith.index_cast %swap3A_1165 : i32 to index
        %swap3A_1167 = arith.index_cast %add3A_145 : i32 to index
        %swap3A_1168 = arith.constant 32 : index
        %swap3A_1169 = tpu.vector_load %arg7[%swap3A_1166, %swap3A_1167, %swap3A_1168] {strides = array<i32>} : memref<2x128x128xf32, #tpu.memory_space<vmem>>, vector<1x1x16xf32>,
        %swap3A_1170 = vector.shape_cast %swap3A_1169 : vector<1x1x16xf32> to vector<16xf32>
        %swap3A_1171 = vector.shape_cast %mul3A_602 : vector<16xf32> to vector<1x1x16xf32>
        tpu.vector_store %arg7[%swap3A_1166, %swap3A_1167, %swap3A_1168], %swap3A_1171 {strides = array<i32>} : memref<2x128x128xf32, #tpu.memory_space<vmem>>, vector<1x1x16xf32>,
        %swap3A_1172 = arith.constant 1 : i32
        %swap3A_1173 = arith.index_cast %swap3A_1172 : i32 to index
        %swap3A_1174 = arith.index_cast %add3A_145 : i32 to index
        %swap3A_1175 = arith.constant 96 : index
        %swap3A_1176 = tpu.vector_load %arg7[%swap3A_1173, %swap3A_1174, %swap3A_1175] {strides = array<i32>} : memref<2x128x128xf32, #tpu.memory_space<vmem>>, vector<1x1x16xf32>,
        %swap3A_1177 = vector.shape_cast %swap3A_1176 : vector<1x1x16xf32> to vector<16xf32>
        %swap3A_1178 = vector.shape_cast %mul3A_604 : vector<16xf32> to vector<1x1x16xf32>
        tpu.vector_store %arg7[%swap3A_1173, %swap3A_1174, %swap3A_1175], %swap3A_1178 {strides = array<i32>} : memref<2x128x128xf32, #tpu.memory_space<vmem>>, vector<1x1x16xf32>,
        %swap3A_1179 = arith.constant 1 : i32
        %swap3A_1180 = arith.index_cast %swap3A_1179 : i32 to index
        %swap3A_1181 = arith.index_cast %add3A_145 : i32 to index
        %swap3A_1182 = arith.constant 48 : index
        %swap3A_1183 = tpu.vector_load %arg7[%swap3A_1180, %swap3A_1181, %swap3A_1182] {strides = array<i32>} : memref<2x128x128xf32, #tpu.memory_space<vmem>>, vector<1x1x16xf32>,
        %swap3A_1184 = vector.shape_cast %swap3A_1183 : vector<1x1x16xf32> to vector<16xf32>
        %swap3A_1185 = vector.shape_cast %mul3A_643 : vector<16xf32> to vector<1x1x16xf32>
        tpu.vector_store %arg7[%swap3A_1180, %swap3A_1181, %swap3A_1182], %swap3A_1185 {strides = array<i32>} : memref<2x128x128xf32, #tpu.memory_space<vmem>>, vector<1x1x16xf32>,
        %swap3A_1186 = arith.constant 1 : i32
        %swap3A_1187 = arith.index_cast %swap3A_1186 : i32 to index
        %swap3A_1188 = arith.index_cast %add3A_145 : i32 to index
        %swap3A_1189 = arith.constant 112 : index
        %swap3A_1190 = tpu.vector_load %arg7[%swap3A_1187, %swap3A_1188, %swap3A_1189] {strides = array<i32>} : memref<2x128x128xf32, #tpu.memory_space<vmem>>, vector<1x1x16xf32>,
        %swap3A_1191 = vector.shape_cast %swap3A_1190 : vector<1x1x16xf32> to vector<16xf32>
        %swap3A_1192 = vector.shape_cast %mul3A_645 : vector<16xf32> to vector<1x1x16xf32>
        tpu.vector_store %arg7[%swap3A_1187, %swap3A_1188, %swap3A_1189], %swap3A_1192 {strides = array<i32>} : memref<2x128x128xf32, #tpu.memory_space<vmem>>, vector<1x1x16xf32>,
        %swap3A_1193 = arith.constant 1 : i32
        %swap3A_1194 = arith.index_cast %swap3A_1193 : i32 to index
        %swap3A_1195 = arith.index_cast %add3A_228 : i32 to index
        %swap3A_1196 = arith.constant 0 : index
        %swap3A_1197 = tpu.vector_load %arg7[%swap3A_1194, %swap3A_1195, %swap3A_1196] {strides = array<i32>} : memref<2x128x128xf32, #tpu.memory_space<vmem>>, vector<1x1x16xf32>,
        %swap3A_1198 = vector.shape_cast %swap3A_1197 : vector<1x1x16xf32> to vector<16xf32>
        %swap3A_1199 = vector.shape_cast %mul3A_684 : vector<16xf32> to vector<1x1x16xf32>
        tpu.vector_store %arg7[%swap3A_1194, %swap3A_1195, %swap3A_1196], %swap3A_1199 {strides = array<i32>} : memref<2x128x128xf32, #tpu.memory_space<vmem>>, vector<1x1x16xf32>,
        %swap3A_1200 = arith.constant 1 : i32
        %swap3A_1201 = arith.index_cast %swap3A_1200 : i32 to index
        %swap3A_1202 = arith.index_cast %add3A_228 : i32 to index
        %swap3A_1203 = arith.constant 64 : index
        %swap3A_1204 = tpu.vector_load %arg7[%swap3A_1201, %swap3A_1202, %swap3A_1203] {strides = array<i32>} : memref<2x128x128xf32, #tpu.memory_space<vmem>>, vector<1x1x16xf32>,
        %swap3A_1205 = vector.shape_cast %swap3A_1204 : vector<1x1x16xf32> to vector<16xf32>
        %swap3A_1206 = vector.shape_cast %mul3A_686 : vector<16xf32> to vector<1x1x16xf32>
        tpu.vector_store %arg7[%swap3A_1201, %swap3A_1202, %swap3A_1203], %swap3A_1206 {strides = array<i32>} : memref<2x128x128xf32, #tpu.memory_space<vmem>>, vector<1x1x16xf32>,
        %swap3A_1207 = arith.constant 1 : i32
        %swap3A_1208 = arith.index_cast %swap3A_1207 : i32 to index
        %swap3A_1209 = arith.index_cast %add3A_228 : i32 to index
        %swap3A_1210 = arith.constant 16 : index
        %swap3A_1211 = tpu.vector_load %arg7[%swap3A_1208, %swap3A_1209, %swap3A_1210] {strides = array<i32>} : memref<2x128x128xf32, #tpu.memory_space<vmem>>, vector<1x1x16xf32>,
        %swap3A_1212 = vector.shape_cast %swap3A_1211 : vector<1x1x16xf32> to vector<16xf32>
        %swap3A_1213 = vector.shape_cast %mul3A_725 : vector<16xf32> to vector<1x1x16xf32>
        tpu.vector_store %arg7[%swap3A_1208, %swap3A_1209, %swap3A_1210], %swap3A_1213 {strides = array<i32>} : memref<2x128x128xf32, #tpu.memory_space<vmem>>, vector<1x1x16xf32>,
        %swap3A_1214 = arith.constant 1 : i32
        %swap3A_1215 = arith.index_cast %swap3A_1214 : i32 to index
        %swap3A_1216 = arith.index_cast %add3A_228 : i32 to index
        %swap3A_1217 = arith.constant 80 : index
        %swap3A_1218 = tpu.vector_load %arg7[%swap3A_1215, %swap3A_1216, %swap3A_1217] {strides = array<i32>} : memref<2x128x128xf32, #tpu.memory_space<vmem>>, vector<1x1x16xf32>,
        %swap3A_1219 = vector.shape_cast %swap3A_1218 : vector<1x1x16xf32> to vector<16xf32>
        %swap3A_1220 = vector.shape_cast %mul3A_727 : vector<16xf32> to vector<1x1x16xf32>
        tpu.vector_store %arg7[%swap3A_1215, %swap3A_1216, %swap3A_1217], %swap3A_1220 {strides = array<i32>} : memref<2x128x128xf32, #tpu.memory_space<vmem>>, vector<1x1x16xf32>,
        %swap3A_1221 = arith.constant 1 : i32
        %swap3A_1222 = arith.index_cast %swap3A_1221 : i32 to index
        %swap3A_1223 = arith.index_cast %add3A_228 : i32 to index
        %swap3A_1224 = arith.constant 32 : index
        %swap3A_1225 = tpu.vector_load %arg7[%swap3A_1222, %swap3A_1223, %swap3A_1224] {strides = array<i32>} : memref<2x128x128xf32, #tpu.memory_space<vmem>>, vector<1x1x16xf32>,
        %swap3A_1226 = vector.shape_cast %swap3A_1225 : vector<1x1x16xf32> to vector<16xf32>
        %swap3A_1227 = vector.shape_cast %mul3A_766 : vector<16xf32> to vector<1x1x16xf32>
        tpu.vector_store %arg7[%swap3A_1222, %swap3A_1223, %swap3A_1224], %swap3A_1227 {strides = array<i32>} : memref<2x128x128xf32, #tpu.memory_space<vmem>>, vector<1x1x16xf32>,
        %swap3A_1228 = arith.constant 1 : i32
        %swap3A_1229 = arith.index_cast %swap3A_1228 : i32 to index
        %swap3A_1230 = arith.index_cast %add3A_228 : i32 to index
        %swap3A_1231 = arith.constant 96 : index
        %swap3A_1232 = tpu.vector_load %arg7[%swap3A_1229, %swap3A_1230, %swap3A_1231] {strides = array<i32>} : memref<2x128x128xf32, #tpu.memory_space<vmem>>, vector<1x1x16xf32>,
        %swap3A_1233 = vector.shape_cast %swap3A_1232 : vector<1x1x16xf32> to vector<16xf32>
        %swap3A_1234 = vector.shape_cast %mul3A_768 : vector<16xf32> to vector<1x1x16xf32>
        tpu.vector_store %arg7[%swap3A_1229, %swap3A_1230, %swap3A_1231], %swap3A_1234 {strides = array<i32>} : memref<2x128x128xf32, #tpu.memory_space<vmem>>, vector<1x1x16xf32>,
        %swap3A_1235 = arith.constant 1 : i32
        %swap3A_1236 = arith.index_cast %swap3A_1235 : i32 to index
        %swap3A_1237 = arith.index_cast %add3A_228 : i32 to index
        %swap3A_1238 = arith.constant 48 : index
        %swap3A_1239 = tpu.vector_load %arg7[%swap3A_1236, %swap3A_1237, %swap3A_1238] {strides = array<i32>} : memref<2x128x128xf32, #tpu.memory_space<vmem>>, vector<1x1x16xf32>,
        %swap3A_1240 = vector.shape_cast %swap3A_1239 : vector<1x1x16xf32> to vector<16xf32>
        %swap3A_1241 = vector.shape_cast %mul3A_807 : vector<16xf32> to vector<1x1x16xf32>
        tpu.vector_store %arg7[%swap3A_1236, %swap3A_1237, %swap3A_1238], %swap3A_1241 {strides = array<i32>} : memref<2x128x128xf32, #tpu.memory_space<vmem>>, vector<1x1x16xf32>,
        %swap3A_1242 = arith.constant 1 : i32
        %swap3A_1243 = arith.index_cast %swap3A_1242 : i32 to index
        %swap3A_1244 = arith.index_cast %add3A_228 : i32 to index
        %swap3A_1245 = arith.constant 112 : index
        %swap3A_1246 = tpu.vector_load %arg7[%swap3A_1243, %swap3A_1244, %swap3A_1245] {strides = array<i32>} : memref<2x128x128xf32, #tpu.memory_space<vmem>>, vector<1x1x16xf32>,
        %swap3A_1247 = vector.shape_cast %swap3A_1246 : vector<1x1x16xf32> to vector<16xf32>
        %swap3A_1248 = vector.shape_cast %mul3A_809 : vector<16xf32> to vector<1x1x16xf32>
        tpu.vector_store %arg7[%swap3A_1243, %swap3A_1244, %swap3A_1245], %swap3A_1248 {strides = array<i32>} : memref<2x128x128xf32, #tpu.memory_space<vmem>>, vector<1x1x16xf32>,
        %swap3A_1249 = arith.constant 1 : i32
        %swap3A_1250 = arith.index_cast %swap3A_1249 : i32 to index
        %swap3A_1251 = arith.index_cast %add3A_314 : i32 to index
        %swap3A_1252 = arith.constant 0 : index
        %swap3A_1253 = tpu.vector_load %arg7[%swap3A_1250, %swap3A_1251, %swap3A_1252] {strides = array<i32>} : memref<2x128x128xf32, #tpu.memory_space<vmem>>, vector<1x1x16xf32>,
        %swap3A_1254 = vector.shape_cast %swap3A_1253 : vector<1x1x16xf32> to vector<16xf32>
        %swap3A_1255 = vector.shape_cast %mul3A_848 : vector<16xf32> to vector<1x1x16xf32>
        tpu.vector_store %arg7[%swap3A_1250, %swap3A_1251, %swap3A_1252], %swap3A_1255 {strides = array<i32>} : memref<2x128x128xf32, #tpu.memory_space<vmem>>, vector<1x1x16xf32>,
        %swap3A_1256 = arith.constant 1 : i32
        %swap3A_1257 = arith.index_cast %swap3A_1256 : i32 to index
        %swap3A_1258 = arith.index_cast %add3A_314 : i32 to index
        %swap3A_1259 = arith.constant 64 : index
        %swap3A_1260 = tpu.vector_load %arg7[%swap3A_1257, %swap3A_1258, %swap3A_1259] {strides = array<i32>} : memref<2x128x128xf32, #tpu.memory_space<vmem>>, vector<1x1x16xf32>,
        %swap3A_1261 = vector.shape_cast %swap3A_1260 : vector<1x1x16xf32> to vector<16xf32>
        %swap3A_1262 = vector.shape_cast %mul3A_850 : vector<16xf32> to vector<1x1x16xf32>
        tpu.vector_store %arg7[%swap3A_1257, %swap3A_1258, %swap3A_1259], %swap3A_1262 {strides = array<i32>} : memref<2x128x128xf32, #tpu.memory_space<vmem>>, vector<1x1x16xf32>,
        %swap3A_1263 = arith.constant 1 : i32
        %swap3A_1264 = arith.index_cast %swap3A_1263 : i32 to index
        %swap3A_1265 = arith.index_cast %add3A_314 : i32 to index
        %swap3A_1266 = arith.constant 16 : index
        %swap3A_1267 = tpu.vector_load %arg7[%swap3A_1264, %swap3A_1265, %swap3A_1266] {strides = array<i32>} : memref<2x128x128xf32, #tpu.memory_space<vmem>>, vector<1x1x16xf32>,
        %swap3A_1268 = vector.shape_cast %swap3A_1267 : vector<1x1x16xf32> to vector<16xf32>
        %swap3A_1269 = vector.shape_cast %mul3A_889 : vector<16xf32> to vector<1x1x16xf32>
        tpu.vector_store %arg7[%swap3A_1264, %swap3A_1265, %swap3A_1266], %swap3A_1269 {strides = array<i32>} : memref<2x128x128xf32, #tpu.memory_space<vmem>>, vector<1x1x16xf32>,
        %swap3A_1270 = arith.constant 1 : i32
        %swap3A_1271 = arith.index_cast %swap3A_1270 : i32 to index
        %swap3A_1272 = arith.index_cast %add3A_314 : i32 to index
        %swap3A_1273 = arith.constant 80 : index
        %swap3A_1274 = tpu.vector_load %arg7[%swap3A_1271, %swap3A_1272, %swap3A_1273] {strides = array<i32>} : memref<2x128x128xf32, #tpu.memory_space<vmem>>, vector<1x1x16xf32>,
        %swap3A_1275 = vector.shape_cast %swap3A_1274 : vector<1x1x16xf32> to vector<16xf32>
        %swap3A_1276 = vector.shape_cast %mul3A_891 : vector<16xf32> to vector<1x1x16xf32>
        tpu.vector_store %arg7[%swap3A_1271, %swap3A_1272, %swap3A_1273], %swap3A_1276 {strides = array<i32>} : memref<2x128x128xf32, #tpu.memory_space<vmem>>, vector<1x1x16xf32>,
        %swap3A_1277 = arith.constant 1 : i32
        %swap3A_1278 = arith.index_cast %swap3A_1277 : i32 to index
        %swap3A_1279 = arith.index_cast %add3A_314 : i32 to index
        %swap3A_1280 = arith.constant 32 : index
        %swap3A_1281 = tpu.vector_load %arg7[%swap3A_1278, %swap3A_1279, %swap3A_1280] {strides = array<i32>} : memref<2x128x128xf32, #tpu.memory_space<vmem>>, vector<1x1x16xf32>,
        %swap3A_1282 = vector.shape_cast %swap3A_1281 : vector<1x1x16xf32> to vector<16xf32>
        %swap3A_1283 = vector.shape_cast %mul3A_930 : vector<16xf32> to vector<1x1x16xf32>
        tpu.vector_store %arg7[%swap3A_1278, %swap3A_1279, %swap3A_1280], %swap3A_1283 {strides = array<i32>} : memref<2x128x128xf32, #tpu.memory_space<vmem>>, vector<1x1x16xf32>,
        %swap3A_1284 = arith.constant 1 : i32
        %swap3A_1285 = arith.index_cast %swap3A_1284 : i32 to index
        %swap3A_1286 = arith.index_cast %add3A_314 : i32 to index
        %swap3A_1287 = arith.constant 96 : index
        %swap3A_1288 = tpu.vector_load %arg7[%swap3A_1285, %swap3A_1286, %swap3A_1287] {strides = array<i32>} : memref<2x128x128xf32, #tpu.memory_space<vmem>>, vector<1x1x16xf32>,
        %swap3A_1289 = vector.shape_cast %swap3A_1288 : vector<1x1x16xf32> to vector<16xf32>
        %swap3A_1290 = vector.shape_cast %mul3A_932 : vector<16xf32> to vector<1x1x16xf32>
        tpu.vector_store %arg7[%swap3A_1285, %swap3A_1286, %swap3A_1287], %swap3A_1290 {strides = array<i32>} : memref<2x128x128xf32, #tpu.memory_space<vmem>>, vector<1x1x16xf32>,
        %swap3A_1291 = arith.constant 1 : i32
        %swap3A_1292 = arith.index_cast %swap3A_1291 : i32 to index
        %swap3A_1293 = arith.index_cast %add3A_314 : i32 to index
        %swap3A_1294 = arith.constant 48 : index
        %swap3A_1295 = tpu.vector_load %arg7[%swap3A_1292, %swap3A_1293, %swap3A_1294] {strides = array<i32>} : memref<2x128x128xf32, #tpu.memory_space<vmem>>, vector<1x1x16xf32>,
        %swap3A_1296 = vector.shape_cast %swap3A_1295 : vector<1x1x16xf32> to vector<16xf32>
        %swap3A_1297 = vector.shape_cast %mul3A_971 : vector<16xf32> to vector<1x1x16xf32>
        tpu.vector_store %arg7[%swap3A_1292, %swap3A_1293, %swap3A_1294], %swap3A_1297 {strides = array<i32>} : memref<2x128x128xf32, #tpu.memory_space<vmem>>, vector<1x1x16xf32>,
        %swap3A_1298 = arith.constant 1 : i32
        %swap3A_1299 = arith.index_cast %swap3A_1298 : i32 to index
        %swap3A_1300 = arith.index_cast %add3A_314 : i32 to index
        %swap3A_1301 = arith.constant 112 : index
        %swap3A_1302 = tpu.vector_load %arg7[%swap3A_1299, %swap3A_1300, %swap3A_1301] {strides = array<i32>} : memref<2x128x128xf32, #tpu.memory_space<vmem>>, vector<1x1x16xf32>,
        %swap3A_1303 = vector.shape_cast %swap3A_1302 : vector<1x1x16xf32> to vector<16xf32>
        %swap3A_1304 = vector.shape_cast %mul3A_973 : vector<16xf32> to vector<1x1x16xf32>
        tpu.vector_store %arg7[%swap3A_1299, %swap3A_1300, %swap3A_1301], %swap3A_1304 {strides = array<i32>} : memref<2x128x128xf32, #tpu.memory_space<vmem>>, vector<1x1x16xf32>,
        %swap3A_1305 = arith.constant 1 : i32
        %swap3A_1306 = arith.index_cast %swap3A_1305 : i32 to index
        %swap3A_1307 = arith.index_cast %add3A_400 : i32 to index
        %swap3A_1308 = arith.constant 0 : index
        %swap3A_1309 = tpu.vector_load %arg7[%swap3A_1306, %swap3A_1307, %swap3A_1308] {strides = array<i32>} : memref<2x128x128xf32, #tpu.memory_space<vmem>>, vector<1x1x16xf32>,
        %swap3A_1310 = vector.shape_cast %swap3A_1309 : vector<1x1x16xf32> to vector<16xf32>
        %swap3A_1311 = vector.shape_cast %mul3A_1012 : vector<16xf32> to vector<1x1x16xf32>
        tpu.vector_store %arg7[%swap3A_1306, %swap3A_1307, %swap3A_1308], %swap3A_1311 {strides = array<i32>} : memref<2x128x128xf32, #tpu.memory_space<vmem>>, vector<1x1x16xf32>,
        %swap3A_1312 = arith.constant 1 : i32
        %swap3A_1313 = arith.index_cast %swap3A_1312 : i32 to index
        %swap3A_1314 = arith.index_cast %add3A_400 : i32 to index
        %swap3A_1315 = arith.constant 64 : index
        %swap3A_1316 = tpu.vector_load %arg7[%swap3A_1313, %swap3A_1314, %swap3A_1315] {strides = array<i32>} : memref<2x128x128xf32, #tpu.memory_space<vmem>>, vector<1x1x16xf32>,
        %swap3A_1317 = vector.shape_cast %swap3A_1316 : vector<1x1x16xf32> to vector<16xf32>
        %swap3A_1318 = vector.shape_cast %mul3A_1014 : vector<16xf32> to vector<1x1x16xf32>
        tpu.vector_store %arg7[%swap3A_1313, %swap3A_1314, %swap3A_1315], %swap3A_1318 {strides = array<i32>} : memref<2x128x128xf32, #tpu.memory_space<vmem>>, vector<1x1x16xf32>,
        %swap3A_1319 = arith.constant 1 : i32
        %swap3A_1320 = arith.index_cast %swap3A_1319 : i32 to index
        %swap3A_1321 = arith.index_cast %add3A_400 : i32 to index
        %swap3A_1322 = arith.constant 16 : index
        %swap3A_1323 = tpu.vector_load %arg7[%swap3A_1320, %swap3A_1321, %swap3A_1322] {strides = array<i32>} : memref<2x128x128xf32, #tpu.memory_space<vmem>>, vector<1x1x16xf32>,
        %swap3A_1324 = vector.shape_cast %swap3A_1323 : vector<1x1x16xf32> to vector<16xf32>
        %swap3A_1325 = vector.shape_cast %mul3A_1053 : vector<16xf32> to vector<1x1x16xf32>
        tpu.vector_store %arg7[%swap3A_1320, %swap3A_1321, %swap3A_1322], %swap3A_1325 {strides = array<i32>} : memref<2x128x128xf32, #tpu.memory_space<vmem>>, vector<1x1x16xf32>,
        %swap3A_1326 = arith.constant 1 : i32
        %swap3A_1327 = arith.index_cast %swap3A_1326 : i32 to index
        %swap3A_1328 = arith.index_cast %add3A_400 : i32 to index
        %swap3A_1329 = arith.constant 80 : index
        %swap3A_1330 = tpu.vector_load %arg7[%swap3A_1327, %swap3A_1328, %swap3A_1329] {strides = array<i32>} : memref<2x128x128xf32, #tpu.memory_space<vmem>>, vector<1x1x16xf32>,
        %swap3A_1331 = vector.shape_cast %swap3A_1330 : vector<1x1x16xf32> to vector<16xf32>
        %swap3A_1332 = vector.shape_cast %mul3A_1055 : vector<16xf32> to vector<1x1x16xf32>
        tpu.vector_store %arg7[%swap3A_1327, %swap3A_1328, %swap3A_1329], %swap3A_1332 {strides = array<i32>} : memref<2x128x128xf32, #tpu.memory_space<vmem>>, vector<1x1x16xf32>,
        %swap3A_1333 = arith.constant 1 : i32
        %swap3A_1334 = arith.index_cast %swap3A_1333 : i32 to index
        %swap3A_1335 = arith.index_cast %add3A_400 : i32 to index
        %swap3A_1336 = arith.constant 32 : index
        %swap3A_1337 = tpu.vector_load %arg7[%swap3A_1334, %swap3A_1335, %swap3A_1336] {strides = array<i32>} : memref<2x128x128xf32, #tpu.memory_space<vmem>>, vector<1x1x16xf32>,
        %swap3A_1338 = vector.shape_cast %swap3A_1337 : vector<1x1x16xf32> to vector<16xf32>
        %swap3A_1339 = vector.shape_cast %mul3A_1094 : vector<16xf32> to vector<1x1x16xf32>
        tpu.vector_store %arg7[%swap3A_1334, %swap3A_1335, %swap3A_1336], %swap3A_1339 {strides = array<i32>} : memref<2x128x128xf32, #tpu.memory_space<vmem>>, vector<1x1x16xf32>,
        %swap3A_1340 = arith.constant 1 : i32
        %swap3A_1341 = arith.index_cast %swap3A_1340 : i32 to index
        %swap3A_1342 = arith.index_cast %add3A_400 : i32 to index
        %swap3A_1343 = arith.constant 96 : index
        %swap3A_1344 = tpu.vector_load %arg7[%swap3A_1341, %swap3A_1342, %swap3A_1343] {strides = array<i32>} : memref<2x128x128xf32, #tpu.memory_space<vmem>>, vector<1x1x16xf32>,
        %swap3A_1345 = vector.shape_cast %swap3A_1344 : vector<1x1x16xf32> to vector<16xf32>
        %swap3A_1346 = vector.shape_cast %mul3A_1096 : vector<16xf32> to vector<1x1x16xf32>
        tpu.vector_store %arg7[%swap3A_1341, %swap3A_1342, %swap3A_1343], %swap3A_1346 {strides = array<i32>} : memref<2x128x128xf32, #tpu.memory_space<vmem>>, vector<1x1x16xf32>,
        %swap3A_1347 = arith.constant 1 : i32
        %swap3A_1348 = arith.index_cast %swap3A_1347 : i32 to index
        %swap3A_1349 = arith.index_cast %add3A_400 : i32 to index
        %swap3A_1350 = arith.constant 48 : index
        %swap3A_1351 = tpu.vector_load %arg7[%swap3A_1348, %swap3A_1349, %swap3A_1350] {strides = array<i32>} : memref<2x128x128xf32, #tpu.memory_space<vmem>>, vector<1x1x16xf32>,
        %swap3A_1352 = vector.shape_cast %swap3A_1351 : vector<1x1x16xf32> to vector<16xf32>
        %swap3A_1353 = vector.shape_cast %mul3A_1135 : vector<16xf32> to vector<1x1x16xf32>
        tpu.vector_store %arg7[%swap3A_1348, %swap3A_1349, %swap3A_1350], %swap3A_1353 {strides = array<i32>} : memref<2x128x128xf32, #tpu.memory_space<vmem>>, vector<1x1x16xf32>,
        %swap3A_1354 = arith.constant 1 : i32
        %swap3A_1355 = arith.index_cast %swap3A_1354 : i32 to index
        %swap3A_1356 = arith.index_cast %add3A_400 : i32 to index
        %swap3A_1357 = arith.constant 112 : index
        %swap3A_1358 = tpu.vector_load %arg7[%swap3A_1355, %swap3A_1356, %swap3A_1357] {strides = array<i32>} : memref<2x128x128xf32, #tpu.memory_space<vmem>>, vector<1x1x16xf32>,
        %swap3A_1359 = vector.shape_cast %swap3A_1358 : vector<1x1x16xf32> to vector<16xf32>
        %swap3A_1360 = vector.shape_cast %mul3A_1137 : vector<16xf32> to vector<1x1x16xf32>
        tpu.vector_store %arg7[%swap3A_1355, %swap3A_1356, %swap3A_1357], %swap3A_1360 {strides = array<i32>} : memref<2x128x128xf32, #tpu.memory_space<vmem>>, vector<1x1x16xf32>,
      }
      %scan3A_124 = arith.constant 32 : i32
      %mul3A_125 = arith.constant 128 : i32
      %mul3A_126 = arith.muli %add3A_95, %mul3A_125 : i32
      %add3A_127 = arith.addi %mul3A_2, %mul3A_126 : i32
      %dma_start3A_128 = arith.constant 1 : i32
      %dma_start3A_129 = arith.constant 0 : i32
      %dma_start3A_130 = arith.constant 0 : i32
      %dma_start3A_131 = tpu.memref_slice %arg7[%dma_start3A_128, %dma_start3A_129, %dma_start3A_130] : memref<2x128x128xf32, #tpu.memory_space<vmem>> -> memref<1x128x128xf32, #tpu.memory_space<vmem>>
      %dma_start3A_132 = tpu.memref_squeeze %dma_start3A_131 : memref<1x128x128xf32, #tpu.memory_space<vmem>> -> memref<128x128xf32, #tpu.memory_space<vmem>>
      %dma_start3A_133 = arith.constant 0 : i32
      %dma_start3A_134 = tpu.memref_slice %arg4[%add3A_127, %dma_start3A_133] : memref<819200x128xf32, #tpu.memory_space<hbm>> -> memref<128x128xf32, #tpu.memory_space<hbm>>
      %dma_start3A_135 = arith.constant 0 : i32
      %dma_start3A_136 = tpu.memref_slice %arg4[%add3A_127, %dma_start3A_135] : memref<819200x128xf32, #tpu.memory_space<hbm>> -> memref<128x128xf32, #tpu.memory_space<hbm>>
      %dma_start3A_137 = arith.constant 0 : i32
      %dma_start3A_138 = arith.constant 0 : i32
      %dma_start3A_139 = tpu.memref_slice %arg7[%dma_start3A_128, %dma_start3A_137, %dma_start3A_138] : memref<2x128x128xf32, #tpu.memory_space<vmem>> -> memref<1x128x128xf32, #tpu.memory_space<vmem>>
      %dma_start3A_140 = tpu.memref_squeeze %dma_start3A_139 : memref<1x128x128xf32, #tpu.memory_space<vmem>> -> memref<128x128xf32, #tpu.memory_space<vmem>>
      tpu.enqueue_dma source(%dma_start3A_140 : memref<128x128xf32, #tpu.memory_space<vmem>>) target(%dma_start3A_136 : memref<128x128xf32, #tpu.memory_space<hbm>>) target_semaphore(%arg11 : memref<!tpu.dma_semaphore, #tpu.memory_space<semaphore_mem>>)
    }
    %scan3A_16 = arith.constant 100 : i32
    %add3A_17 = arith.constant 25344 : i32
    %add3A_18 = arith.addi %mul3A_2, %add3A_17 : i32
    %dma_wait3A = arith.constant 0 : i32
    %dma_wait3A_19 = arith.constant 0 : i32
    %dma_wait3A_20 = arith.constant 0 : i32
    %dma_wait3A_21 = tpu.memref_slice %arg7[%dma_wait3A, %dma_wait3A_19, %dma_wait3A_20] : memref<2x128x128xf32, #tpu.memory_space<vmem>> -> memref<1x128x128xf32, #tpu.memory_space<vmem>>
    %dma_wait3A_22 = tpu.memref_squeeze %dma_wait3A_21 : memref<1x128x128xf32, #tpu.memory_space<vmem>> -> memref<128x128xf32, #tpu.memory_space<vmem>>
    %dma_wait3A_23 = arith.constant 0 : i32
    %dma_wait3A_24 = tpu.memref_slice %arg4[%add3A_18, %dma_wait3A_23] : memref<819200x128xf32, #tpu.memory_space<hbm>> -> memref<128x128xf32, #tpu.memory_space<hbm>>
    %dma_wait3A_25 = arith.constant 0 : i32
    %dma_wait3A_26 = tpu.memref_slice %arg4[%add3A_18, %dma_wait3A_25] : memref<819200x128xf32, #tpu.memory_space<hbm>> -> memref<128x128xf32, #tpu.memory_space<hbm>>
    %dma_wait3A_27 = arith.constant 0 : i32
    %dma_wait3A_28 = arith.constant 0 : i32
    %dma_wait3A_29 = tpu.memref_slice %arg7[%dma_wait3A, %dma_wait3A_27, %dma_wait3A_28] : memref<2x128x128xf32, #tpu.memory_space<vmem>> -> memref<1x128x128xf32, #tpu.memory_space<vmem>>
    %dma_wait3A_30 = tpu.memref_squeeze %dma_wait3A_29 : memref<1x128x128xf32, #tpu.memory_space<vmem>> -> memref<128x128xf32, #tpu.memory_space<vmem>>
    tpu.wait_dma2 semaphore(%arg10 : memref<!tpu.dma_semaphore, #tpu.memory_space<semaphore_mem>>) src(%dma_wait3A_30 : memref<128x128xf32, #tpu.memory_space<vmem>>) dst(%dma_wait3A_26 : memref<128x128xf32, #tpu.memory_space<hbm>>)
    %add3A_31 = arith.constant 25472 : i32
    %add3A_32 = arith.addi %mul3A_2, %add3A_31 : i32
    %dma_wait3A_33 = arith.constant 1 : i32
    %dma_wait3A_34 = arith.constant 0 : i32
    %dma_wait3A_35 = arith.constant 0 : i32
    %dma_wait3A_36 = tpu.memref_slice %arg7[%dma_wait3A_33, %dma_wait3A_34, %dma_wait3A_35] : memref<2x128x128xf32, #tpu.memory_space<vmem>> -> memref<1x128x128xf32, #tpu.memory_space<vmem>>
    %dma_wait3A_37 = tpu.memref_squeeze %dma_wait3A_36 : memref<1x128x128xf32, #tpu.memory_space<vmem>> -> memref<128x128xf32, #tpu.memory_space<vmem>>
    %dma_wait3A_38 = arith.constant 0 : i32
    %dma_wait3A_39 = tpu.memref_slice %arg4[%add3A_32, %dma_wait3A_38] : memref<819200x128xf32, #tpu.memory_space<hbm>> -> memref<128x128xf32, #tpu.memory_space<hbm>>
    %dma_wait3A_40 = arith.constant 0 : i32
    %dma_wait3A_41 = tpu.memref_slice %arg4[%add3A_32, %dma_wait3A_40] : memref<819200x128xf32, #tpu.memory_space<hbm>> -> memref<128x128xf32, #tpu.memory_space<hbm>>
    %dma_wait3A_42 = arith.constant 0 : i32
    %dma_wait3A_43 = arith.constant 0 : i32
    %dma_wait3A_44 = tpu.memref_slice %arg7[%dma_wait3A_33, %dma_wait3A_42, %dma_wait3A_43] : memref<2x128x128xf32, #tpu.memory_space<vmem>> -> memref<1x128x128xf32, #tpu.memory_space<vmem>>
    %dma_wait3A_45 = tpu.memref_squeeze %dma_wait3A_44 : memref<1x128x128xf32, #tpu.memory_space<vmem>> -> memref<128x128xf32, #tpu.memory_space<vmem>>
    tpu.wait_dma2 semaphore(%arg11 : memref<!tpu.dma_semaphore, #tpu.memory_space<semaphore_mem>>) src(%dma_wait3A_45 : memref<128x128xf32, #tpu.memory_space<vmem>>) dst(%dma_wait3A_41 : memref<128x128xf32, #tpu.memory_space<hbm>>)
    return
  }
}

</mosaic_0001>

<sc_bundles>
// kernel: kernel.3.cloned.1.call-start
scs
__scs_entry_jumppad:
0x0: {  	(pc) =	sbr.rel $0x88, $3  }
0x1: {  	(tag) =	ssettag $0x0;
	lr =	simm.s32 $0x1  }
0x2: {  	[smem:$0x3F9D] =	sst lr;
	_ =	strace $0xD0000000  }
0x3: {  	_ = 	snop  }
0x4: {  	_ = 	snop  }
0x5: {  	_ = 	snop  }
0x6: {  	_ = 	snop  }
0x7: {  	_ = 	snop  }
__scs_overlays_trampoline_lowered:
0x8: {  	[smem:$0x3FAC] =	sst s0  }
0x9: {  	[smem:$0x3FAD] =	sst s1  }
0xa: {  	[smem:$0x3FAE] =	sst s2  }
0xb: {  	[smem:$0x3FAF] =	sst s3  }
0xc: {  	[smem:$0x3FB0] =	sst s4  }
0xd: {  	[smem:$0x3FB1] =	sst s5  }
0xe: {  	[smem:$0x3FB2] =	sst s6  }
0xf: {  	[smem:$0x3FB3] =	sst s7  }
0x10: {  	[smem:$0x3FB4] =	sst s8  }
0x11: {  	[smem:$0x3FB5] =	sst s9;
	s0 =	simm.s32 @!p0 $0x0  }
0x12: {  	s1 =	sld [smem:$0x3F9B];
	s0 =	simm.s32 @p0 $0x1  }
0x13: {  	[smem:$0x3FB6] =	sst s0;
	s0 =	simm.s32 @!p1 $0x0  }
0x14: {  	s2 =	sld [smem:$0x3F9A];
	s0 =	simm.s32 @p1 $0x1  }
0x15: {  	[smem:$0x3FB7] =	sst s0;
	s0 =	simm.s32 @!p2 $0x0  }
0x16: {  	s3 =	sld [smem:$0x3FDB];
	s0 =	simm.s32 @p2 $0x1  }
0x17: {  	s4 =	simm.s32 $0x1BF5;
	[smem:$0x3FB9] =	sst s0  }
0x18: {  	s0 =	sld [smem:$0x3F9C];
	_ =	swait.ge [sflag:s4], $0x0  }
0x19: {  	s7 =	sld [smem:$0x3F9D]  }
0x1a: {  	s8 =	sadd.s32 $0xFFFFE003, lr  }
0x1b: {  	s9 =	sadd.s32 $0xFFFFFEF7, lr;
	s5 =	simm.s32 $0xFFFFFFFF;
	p2 =	slt.u32 s8, $0xFFFFF086  }
0x1c: {  	p1 =	slt.u32 s9, $0xF7A;
	s5 =	simm.s32 @!p2 $0x0  }
0x1d: {  	s5 =	simm.s32 @p1 $0x1;
	p0 =	seq.s32 s7, s2  }
0x1e: {  	s7 =	smul.u32 @!p0 $0xF7A, s2;
	p2 =	seq.s32 @!p0 s5, $0x0  }
0x1f: {  	s9 =	smul.u32 $0xF7A, s1;
	s8 =	simm.s32 @!p0 $0x1BF5;
	p2 =	por !p2, p0  }
0x20: {  	[sflag:s8] =	ssyncset.s32 @!p0 $0xFFFFF086;
	s6 =	sadd.s32 @!p0 s3, s7;
	s7 =	simm.s32 @!p0 $0x108  }
0x21: {  	s3 =	sadd.s32 s3, s9;
	s6 =	sadd.s32 @!p0 $0x88, s6;
	s7 =	simm.s32 @p2 $0x1082  }
0x22: {  	[simem:s7], [sflag:s8] =	dma.local @!p0 [hbm:s6], $0xF7A  }
0x23: {  	s9 =	sor.u32 $0xD0000000, s2;
	s6 =	simm.s32 $0x108;
	_ =	swait.ge @!p0 [sflag:s8], $0x0  }
0x24: {  	s3 =	sadd.s32 $0x88, s3;
	s6 =	simm.s32 @!p1 $0x1082;
	[sflag:s4] =	ssyncset.s32 $0xFFFFF086  }
0x25: {  	[simem:s6], [sflag:s4] =	dma.local [hbm:s3], $0xF7A  }
0x26: {  	[smem:$0x3F9D] =	sst s1;
	(tag) =	ssettag s2;
	_ =	strace s9  }
0x27: {  	s1 =	sld [smem:$0x3FAD]  }
0x28: {  	s2 =	sld [smem:$0x3FAE]  }
0x29: {  	s4 =	sld [smem:$0x3FB0]  }
0x2a: {  	p0 =	seq.s32 s5, $0x0;
	s5 =	sld [smem:$0x3FB1]  }
0x2b: {  	s6 =	sld [smem:$0x3FB2]  }
0x2c: {  	s7 =	sld [smem:$0x3FB3]  }
0x2d: {  	s3 =	simm.s32 $0x108;
	s8 =	sld [smem:$0x3FB4]  }
0x2e: {  	s3 =	simm.s32 @!p0 $0x1082;
	s9 =	sld [smem:$0x3FB5]  }
0x2f: {  	lr =	sadd.s32 s0, s3;
	s0 =	sld [smem:$0x3FAC]  }
0x30: {  	s3 =	sld [smem:$0x3FAF]  }
0x31: {  	[smem:$0x3FB8] =	sst s10  }
0x32: {  	s10 =	sld [smem:$0x3FB6];
	_ =	sdelay $0x3  }
0x33: {  	p0 =	seq.s32 s10, $0x1;
	s10 =	sld [smem:$0x3FB8];
	_ =	sdelay $0x3  }
0x34: {  	[smem:$0x3FB8] =	sst s10  }
0x35: {  	s10 =	sld [smem:$0x3FB7];
	_ =	sdelay $0x3  }
0x36: {  	p1 =	seq.s32 s10, $0x1;
	s10 =	sld [smem:$0x3FB8];
	_ =	sdelay $0x3  }
0x37: {  	[smem:$0x3FB8] =	sst s10  }
0x38: {  	s10 =	sld [smem:$0x3FB9]  }
0x39: {  	_ = 	snop;
	(pc) =	sbr.ind lr, $3  }
0x3a: {  	_ = 	snop  }
0x3b: {  	_ = 	snop  }
0x3c: {  	p2 =	seq.s32 s10, $0x1;
	s10 =	sld [smem:$0x3FB8]  }
0x3d: {  	_ =	shalt  }
0x3e: {  	_ =	shalt  }
0x3f: {  	_ =	shalt  }
0x40: {  	_ =	shalt  }
0x41: {  	_ =	shalt  }
0x42: {  	_ =	shalt  }
0x43: {  	_ =	shalt  }
0x44: {  	_ =	shalt  }
0x45: {  	_ =	shalt  }
0x46: {  	_ =	shalt  }
0x47: {  	_ =	shalt  }
0x48: {  	_ =	shalt  }
0x49: {  	_ =	shalt  }
0x4a: {  	_ =	shalt  }
0x4b: {  	_ =	shalt  }
0x4c: {  	_ =	shalt  }
0x4d: {  	_ =	shalt  }
0x4e: {  	_ =	shalt  }
0x4f: {  	_ =	shalt  }
0x50: {  	_ =	shalt  }
0x51: {  	_ =	shalt  }
0x52: {  	_ =	shalt  }
0x53: {  	_ =	shalt  }
0x54: {  	_ =	shalt  }
0x55: {  	_ =	shalt  }
0x56: {  	_ =	shalt  }
0x57: {  	_ =	shalt  }
0x58: {  	_ =	shalt  }
0x59: {  	_ =	shalt  }
0x5a: {  	_ =	shalt  }
0x5b: {  	_ =	shalt  }
0x5c: {  	_ =	shalt  }
0x5d: {  	_ =	shalt  }
0x5e: {  	_ =	shalt  }
0x5f: {  	_ =	shalt  }
0x60: {  	_ =	shalt  }
0x61: {  	_ =	shalt  }
0x62: {  	_ =	shalt  }
0x63: {  	_ =	shalt  }
0x64: {  	_ =	shalt  }
0x65: {  	_ =	shalt  }
0x66: {  	_ =	shalt  }
0x67: {  	_ =	shalt  }
0x68: {  	_ =	shalt  }
0x69: {  	_ =	shalt  }
0x6a: {  	_ =	shalt  }
0x6b: {  	_ =	shalt  }
0x6c: {  	_ =	shalt  }
0x6d: {  	_ =	shalt  }
0x6e: {  	_ =	shalt  }
0x6f: {  	_ =	shalt  }
0x70: {  	_ =	shalt  }
0x71: {  	_ =	shalt  }
0x72: {  	_ =	shalt  }
0x73: {  	_ =	shalt  }
0x74: {  	_ =	shalt  }
0x75: {  	_ =	shalt  }
0x76: {  	_ =	shalt  }
0x77: {  	_ =	shalt  }
0x78: {  	_ =	shalt  }
0x79: {  	_ =	shalt  }
0x7a: {  	_ =	shalt  }
0x7b: {  	_ =	shalt  }
0x7c: {  	_ =	shalt  }
0x7d: {  	_ =	shalt  }
0x7e: {  	_ =	shalt  }
0x7f: {  	_ =	shalt  }
0x80: {  	_ =	shalt  }
0x81: {  	_ =	shalt  }
0x82: {  	_ =	shalt  }
0x83: {  	_ =	shalt  }
0x84: {  	_ =	shalt  }
0x85: {  	_ =	shalt  }
0x86: {  	_ =	shalt  }
0x87: {  	_ =	shalt  }
.Lfunc_end0:
.L_simem_size_0:
called_computation_lowered:
.L_overlay_start_0:
0x88: {  	s2 =	sld [smem:$0x3FD9]  }
0x89: {  	s3 =	sld [smem:$0x3FFE];
	_ =	sdelay $0x1  }
0x8a: {  	s1 =	srdreg.scid  }
0x8b: {  	s0 =	sand.u32 $0x1, s1  }
0x8c: {  	s17 =	sshll.u32 s0, $0xA;
	s2 =	sadd.s32 s3, s2  }
0x8d: {  	s2 =	sadd.s32 s2, s17  }
0x8e: {  	[smem:$0x3FC4] =	sst s2  }
0x8f: {  	_ = 	snop  }
0x90: {  	s2 =	sld [smem:$0x3FD0];
	(tm) =	ssettm $0x1  }
0x91: {  	s18 =	sld [smem:$0x3FFB];
	_ =	sdelay $0x3  }
0x92: {  	_ =	strace s18  }
0x93: {  	s3 =	sld [smem:$0x3FFC];
	_ =	sdelay $0x3  }
0x94: {  	_ =	strace s3  }
0x95: {  	s3 =	sld [smem:$0x3FFD];
	_ =	sdelay $0x3  }
0x96: {  	_ =	strace s3  }
0x97: {  	_ =	strace $0x8FFFFFFF  }
0x98: {  	s19 =	sld [smem:$0x3FDB];
	_ =	sdelay $0x1  }
0x99: {  	s4 =	simm.s32 $_scs_section_size  }
0x9a: {  	s5 =	simm.s32 $_size__tile_overlayer_lowered;
	s6 =	simm.s32 $_tile_overlayer_lowered  }
0x9b: {  	s22 =	simm.s32 $0x1BFF;
	s21 =	sshll.u32 s6, $0x1;
	s3 =	sadd.s32 s4, s19  }
0x9c: {  	s7 =	simm.s32 $0x0;
	s20 =	sshll.u32 s5, $0x1;
	s5 =	sadd.s32 s21, s3  }
0x9d: {  	[timem:s7], [sflag:s22] =	dma.local [hbm:s5], s20  }
0x9e: {  	_ =	swait.ge [sflag:s22], s20  }
0x9f: {  	s4 =	ssub.s32 $0x0, s20;
	[sflag:s22] =	ssyncset.done $0x0  }
0xa0: {  	[sflag:s22] =	ssyncadd.s32 s4;
	_ =	sdelay $0x1  }
0xa1: {  	s23 =	simm.s32 $0x1B8B  }
0xa2: {  	_ =	swait.ge [sflag:s23], $0x1  }
0xa3: {  	[sflag:s23] =	ssyncset.done $0x0  }
0xa4: {  	s25 =	simm.s32 $0x1B8E;
	s24 =	sld [smem:$0x3FFE];
	[sflag:s23] =	ssyncadd.s32 $0xFFFFFFFF  }
0xa5: {  	s26 =	simm.s32 $execute0_lowered;
	[smem:$0x3FD2] =	sst s25  }
0xa6: {  	s5 =	sshll.u32 s26, $0x1;
	_ =	strace $0x80000046;
	[dreg:$0x1] =	wrdreg $0xFFFFFFFF  }
0xa7: {  	s28 =	simm.s32 $_size_execute0_lowered;
	s3 =	sadd.s32 s3, s5;
	[dreg:$0x0] =	wrdreg $0x0  }
0xa8: {  	s5 =	sshll.u32 s28, $0x1;
	[dreg:$0x2] =	wrdreg s3  }
0xa9: {  	[dreg:$0x3] =	wrdreg s5  }
0xaa: {  	[dreg:$0x4] =	wrdreg $0xC0  }
0xab: {  	_ =	task [dreg:s7], $0x5FFFF  }
0xac: {  	[dreg:$0x1] =	wrdreg $0xFFFFFFFF  }
0xad: {  	[dreg:$0x0] =	wrdreg $0x60  }
0xae: {  	[dreg:$0x2] =	wrdreg s24  }
0xaf: {  	[dreg:$0x3] =	wrdreg s2  }
0xb0: {  	[dreg:$0x4] =	wrdreg $0x9  }
0xb1: {  	_ =	task.clear_ibuf [dreg:s7], $0x5FFFF;
	_ =	strace $0x90000046  }
0xb2: {  	s29 =	simm.s32 $0x9;
	_ =	strace $0x80000048  }
0xb3: {  	_ =	swait.ge [sflag:s29], $0x1  }
0xb4: {  	[sflag:s29] =	ssyncadd.s32 $0xFFFFFFFF  }
0xb5: {  	_ =	strace $0x90000048  }
0xb6: {  	_ =	sfence  }
0xb7: {  	s30 =	sld [smem:$0x0];
	_ =	sdelay $0x2  }
0xb8: {  	s31 =	sshll.u32 s1, $0xD;
	s1 =	sshrl.u32 s1, $0x2  }
0xb9: {  	s3 =	sand.u32 $0x4000, s31;
	s1 =	sadd.s32 s1, s30  }
0xba: {  	s0 =	sor.u32 s3, s0;
	s1 =	sshll.u32 s1, $0x11  }
0xbb: {  	s0 =	sor.u32 s1, s0  }
0xbc: {  	s0 =	sadd.s32 $0x8F2B, s0  }
0xbd: {  	[sflag:s0] =	ssyncadd.remote.s32 $0x1  }
0xbe: {  	_ =	sfence.sel $0xFFFF  }
0xbf: {  	[dreg:$0x0] =	wrdreg $0xFFFFFFFF;
	(pc) =	sbr.abs _section_cstart, $3  }
0xc0: {  	[dreg:$0x1] =	wrdreg $0xFFFFFFFF  }
0xc1: {  	_ =	task.clear_ibuf [dreg:s7], $0x2FFFF;
	_ =	strace $0x9FFFFFFF  }
0xc2: {  	(tm) =	ssettm $0x7FFFFFFF  }
0xc3: {  	_ =	shalt  }
tec
execute0_lowered:
.L_overlay_start_1:
0x0: {  	(tag) =	ssettag $0x1  }
0x1: {  	s0 =	rddreg [dreg:$0x0];
	s1 =	srdreg.scid  }
0x2: {  	s5 =	stileid.u32;
	s2 =	rddreg [dreg:$0x1];
	s3 =	simm.s32 $0x0  }
0x3: {  	s11 =	simm.s32 $0x5;
	s12 =	simm.s32 $0x80;
	s14 =	simm.s32 $0xC400  }
0x4: {  	s15 =	simm.s32 $0x1;
	s16 =	simm.s32 $0x12400;
	s17 =	simm.s32 $0x2  }
0x5: {  	s18 =	simm.s32 $0x16400;
	s19 =	simm.s32 $0x3;
	s20 =	simm.s32 $0x4  }
0x6: {  	s1 =	sand.u32 $0x1, s1;
	s4 =	sshll.u32 s5, $0x1;
	s6 =	smul.u32 $0xC800, s5  }
0x7: {  	s7 =	sor.u32 s1, s4;
	s30 =	ssub.s32 $0x2, s1;
	s1 =	smul.u32 $0x6400, s1  }
0x8: {  	s21 =	simm.s32 $0x0;
	[smem:$0x7FF] =	sst s3;
	s4 =	smul.u32 $0x6400, s7  }
0x9: {  	_ =	strace $0x80000047;
	s31 =	sshrl.u32 s30, $0x1;
	s6 =	sadd.s32 s1, s6  }
0xa: {  	s7 =	smul.u32 $0x320000, s7;
	s4 =	sshrl.u32 s4, $0x3;
	s9 =	sor.u32 $0x81, s6  }
0xb: {  	s8 =	sadd.s32 s4, s0;
	s4 =	sadd.s32 $0x1B200, s0;
	s0 =	ssub.s32 s30, s31  }
0xc: {  	s10 =	sor.u32 $0x80, s6;
	s5 =	sadd.s32 $0x2200, s8;
	s8 =	smax.u32 s0, $0x1  }
.LBB2_1:
0xd: {  	[tilespmem:s3], [sflag:$0x5] =	stream.linear.gather [hbm4b:s5+s3], $0x6400, $0x38;
	[tilespmem:$0x1A400] =	vst v63  }
0xe: {  	s0 =	simm.s32 $0x6400;
	_ =	swait.ge [sflag:s11], $0x6400  }
0xf: {  	s22 =	smov.u32 s10;
	s23 =	smov.u32 s9;
	[sflag:s11] =	ssyncset.done $0x0  }
0x10: {  	s24 =	smov.u32 s6;
	s25 =	simm.s32 $0x0;
	[sflag:s11] =	ssyncadd.s32 $0xFFFF9C00  }
0x11: {  	[tilespmem:s0], [sflag:$0x1] =	stream.indirect.gather [hbm4b:s4+s12], $0xC0, s3, s12, $0xb8;
	[tilespmem:$0x1A400] =	vst v63  }
.LBB2_2:
0x12: {  	s26 =	sshllo.u32 s25, $0x1  }
0x13: {  	s0 =	sshll.u32 s26, $0x7  }
0x14: {  	p0 =	seq.s32 s25, $0x0;
	s0 =	sand.u32 $0x3FFFFF80, s0  }
0x15: {  	[tilespmem:s14], [sflag:$0x2] =	stream.indirect.gather [hbm4b:s4+s12], $0xC0, s0, s12, $0xb8;
	[tilespmem:$0x1A400] =	vst v63  }
0x16: {  	s0 =	simm.s32 @!p0 $0x3  }
0x17: {  	_ =	swait.ge @!p0 [sflag:s0], $0x4000  }
0x18: {  	[sflag:s0] =	ssyncset.done @!p0 $0x0  }
0x19: {  	[sflag:s0] =	ssyncadd.s32 @!p0 $0xFFFFC000  }
0x1a: {  	_ =	swait.ge [sflag:s15], $0x6000  }
0x1b: {  	s28 =	simm.s32 $0x0;
	s29 =	simm.s32 $0x6580;
	[sflag:s15] =	ssyncset.done $0x0  }
0x1c: {  	s30 =	simm.s32 $0x12500;
	s31 =	smov.u32 s24;
	[sflag:s15] =	ssyncadd.s32 $0xFFFFA000  }
.LBB2_3:
0x1d: {  	s0 =	smulhi.u32 $0x51EB851F, s31;
	_ =	sdelay $0x1  }
0x1e: {  	v0 =	vld [tilespmem:s29+$0xFFFFFE80];
	s0 =	sshrl.u32 s0, $0x6  }
0x1f: {  	v1 =	vld [tilespmem:s29+$0xFFFFFF00];
	s0 =	smul.u32 $0xC8, s0  }
0x20: {  	v2 =	vld [tilespmem:s29+$0xFFFFFE90]  }
0x21: {  	v4 =	vld [tilespmem:s29+$0xFFFFFEA0];
	s0 =	ssub.s32 s24, s0  }
0x22: {  	v8 =	vld [tilespmem:s29+$0xFFFFFEB0];
	s1 =	sadd.s32 s0, s28  }
0x23: {  	v6 =	vld [tilespmem:s29+$0xFFFFFF20];
	s0 =	sadd.s32 $0x1, s1  }
0x24: {  	v50 =	vld [tilespmem:s29+$0xFFFFFF30];
	s0 =	scvt.s32.f32 s0  }
0x25: {  	v3 =	vld [tilespmem:s29+$0xFFFFFF10]  }
0x26: {  	v0 =	vmul.f32 s0, v0  }
0x27: {  	v4 =	vmul.f32 s0, v4;
	v8 =	vmul.f32 s0, v8  }
0x28: {  	v2 =	vmul.f32 s0, v2;
	v0 =	vadd.f32 v1, v0  }
0x29: {  	v4 =	vadd.f32 v6, v4;
	v54 =	vadd.f32 v50, v8  }
0x2a: {  	v16 =	vld [tilespmem:s29+$0xFFFFFF50];
	v2 =	vadd.f32 v3, v2;
	v1 =	vadd.f32 $1.258291200e+07, v0  }
0x2b: {  	v19 =	vld [tilespmem:s29+$0xFFFFFF70];
	v12 =	vadd.f32 $1.258291200e+07, v4;
	v14 =	vadd.f32 $1.258291200e+07, v54  }
0x2c: {  	s13 =	sadd.s32 $0x2, s1;
	v45 =	vadd.f32 $1.258291200e+07, v2;
	v1 =	vadd.f32 $-1.258291200e+07, v1  }
0x2d: {  	v21 =	vld [tilespmem:s29+$0xFFFFFFD0];
	s0 =	scvt.s32.f32 s13;
	v12 =	vadd.f32 $-1.258291200e+07, v12;
	v60 =	vadd.f32 $-1.258291200e+07, v14  }
0x2e: {  	v1 =	vsub.f32 v0, v1;
	v0 =	vadd.f32 $-1.258291200e+07, v45  }
0x2f: {  	v16 =	vmul.f32 s0, v16;
	v12 =	vsub.f32 v4, v12;
	v8 =	vsub.f32 v54, v60  }
0x30: {  	v19 =	vmul.f32 s0, v19;
	v46 =	vmul.f32 v1, v1  }
0x31: {  	v7 =	vsub.f32 v2, v0;
	v13 =	vmul.f32 v12, v12;
	v22 =	vmul.f32 v8, v8  }
0x32: {  	v26 =	vadd.f32 v21, v16;
	v5 =	vmul.f32 $6.108969120e+01, v46;
	v48 =	vmul.f32 $5.924681090e+01, v46  }
0x33: {  	v20 =	vld [tilespmem:s29+$0xFFFFFFF0];
	v49 =	vmul.f32 v7, v7;
	v59 =	vmul.f32 $6.108969120e+01, v13  }
0x34: {  	v53 =	vld [tilespmem:s29+$0xFFFFFF40];
	v33 =	vadd.f32 $1.258291200e+07, v26;
	v15 =	vmul.f32 $5.924681090e+01, v13;
	v24 =	vmul.f32 $6.108969120e+01, v22  }
0x35: {  	v25 =	vmul.f32 $5.924681090e+01, v22;
	v47 =	vsub.f32 $6.159730520e+01, v5;
	v2 =	vsub.f32 $7.918756870e+01, v48  }
0x36: {  	v9 =	vmul.f32 $6.108969120e+01, v49;
	v5 =	vsub.f32 $6.159730520e+01, v59;
	v62 =	vsub.f32 $7.918756870e+01, v15  }
0x37: {  	v10 =	vmul.f32 $5.924681090e+01, v49;
	v14 =	vsub.f32 $6.159730520e+01, v24;
	v15 =	vsub.f32 $7.918756870e+01, v25  }
0x38: {  	v48 =	vadd.f32 v20, v19;
	v0 =	vmul.f32 v47, v46;
	v2 =	vmul.f32 v2, v46  }
0x39: {  	v9 =	vsub.f32 $6.159730520e+01, v9;
	v10 =	vsub.f32 $7.918756870e+01, v10;
	v5 =	vmul.f32 v5, v13  }
0x3a: {  	v57 =	vld [tilespmem:s29+$0xFFFFFFC0];
	v29 =	vmul.f32 v14, v22;
	v31 =	vmul.f32 v15, v22;
	v15 =	vadd.f32 $-1.258291200e+07, v33  }
0x3b: {  	v30 =	vld [tilespmem:s29+$0xFFFFFF60];
	v0 =	vadd.f32 $-1.959111020e+01, v0;
	v2 =	vadd.f32 $-4.123403930e+01, v2;
	v9 =	vmul.f32 v9, v49  }
0x3c: {  	v52 =	vmul.f32 v10, v49;
	v10 =	vmul.f32 s0, v53;
	v5 =	vadd.f32 $-1.959111020e+01, v5  }
0x3d: {  	v11 =	vld [tilespmem:s29+$0xFFFFFEC0];
	v15 =	vsub.f32 v26, v15;
	v53 =	vadd.f32 $1.258291200e+07, v48;
	v2 =	vmul.f32 v2, v46  }
0x3e: {  	v0 =	vmul.f32 v0, v46;
	v51 =	vadd.f32 $-1.959111020e+01, v9;
	v56 =	vadd.f32 $-4.123403930e+01, v52  }
0x3f: {  	v55 =	vld [tilespmem:s29+$0xFFFFFED0];
	v63 =	vadd.f32 v57, v10;
	v5 =	vmul.f32 v5, v13;
	v2 =	vadd.f32 $6.282446860e+00, v2  }
0x40: {  	v34 =	vld [tilespmem:s29+$0xFFFFFFE0];
	v9 =	vmul.f32 s0, v30;
	v0 =	vadd.f32 $9.989871380e-01, v0;
	v3 =	vmul.f32 v51, v49  }
0x41: {  	v58 =	vmul.f32 v56, v49;
	v23 =	vadd.f32 $1.258291200e+07, v63;
	v1 =	vmul.f32 v2, v1  }
0x42: {  	v39 =	vmul.f32 v15, v15;
	v0 =	vmul.f32 v0, v11;
	v3 =	vadd.f32 $9.989871380e-01, v3  }
0x43: {  	v61 =	vadd.f32 $6.282446860e+00, v58;
	v2 =	vmul.f32 v1, v11;
	v11 =	vadd.f32 $-1.258291200e+07, v23  }
0x44: {  	v27 =	vadd.f32 $9.989871380e-01, v5;
	v1 =	vmul.f32 v3, v55;
	v3 =	vmul.f32 v62, v13  }
0x45: {  	v17 =	vld [tilespmem:s29+$0xFFFFFEE0];
	v9 =	vadd.f32 v34, v9;
	v7 =	vmul.f32 v61, v7;
	v11 =	vsub.f32 v63, v11  }
0x46: {  	v41 =	vmul.f32 $6.108969120e+01, v39;
	v21 =	vmul.f32 $5.924681090e+01, v39;
	v18 =	vadd.f32 $-4.123403930e+01, v3  }
0x47: {  	v3 =	vmul.f32 v7, v55;
	v7 =	vadd.f32 $-1.959111020e+01, v29;
	v32 =	vmul.f32 v11, v11  }
0x48: {  	v43 =	vadd.f32 $1.258291200e+07, v9;
	v28 =	vmul.f32 v18, v13;
	v13 =	vadd.f32 $-4.123403930e+01, v31  }
0x49: {  	v36 =	vld [tilespmem:s29+$0xFFFFFEF0];
	v21 =	vsub.f32 $7.918756870e+01, v21;
	v7 =	vmul.f32 v7, v22;
	v35 =	vmul.f32 $6.108969120e+01, v32  }
0x4a: {  	v5 =	vadd.f32 $6.282446860e+00, v28;
	v10 =	vmul.f32 v13, v22;
	v38 =	vmul.f32 $5.924681090e+01, v32;
	v22 =	vld [tilespmem:s29+$0x0]  }
0x4b: {  	v4 =	vmul.f32 v27, v17;
	v45 =	vsub.f32 $6.159730520e+01, v41;
	v37 =	vsub.f32 $6.159730520e+01, v35  }
0x4c: {  	s13 =	sadd.s32 $0x3, s1;
	v49 =	vld [tilespmem:s29+$0x80];
	v50 =	vmul.f32 v21, v39;
	v5 =	vmul.f32 v5, v12;
	v40 =	vsub.f32 $7.918756870e+01, v38  }
0x4d: {  	s0 =	scvt.s32.f32 s13;
	v7 =	vadd.f32 $9.989871380e-01, v7;
	v10 =	vadd.f32 $6.282446860e+00, v10;
	v13 =	vmul.f32 v37, v32  }
0x4e: {  	v5 =	vmul.f32 v5, v17;
	v42 =	vmul.f32 v40, v32;
	v17 =	vadd.f32 $-1.258291200e+07, v43  }
0x4f: {  	v6 =	vmul.f32 v7, v36;
	v22 =	vmul.f32 s0, v22;
	v13 =	vadd.f32 $-1.959111020e+01, v13  }
0x50: {  	v46 =	vld [tilespmem:s29+$0xFFFFFF80];
	v8 =	vmul.f32 v10, v8;
	v7 =	vadd.f32 $-4.123403930e+01, v42;
	v17 =	vsub.f32 v9, v17  }
0x51: {  	v59 =	vadd.f32 v49, v22;
	v44 =	vmul.f32 v13, v32;
	v13 =	vmul.f32 v45, v39  }
0x52: {  	v54 =	vadd.f32 $-4.123403930e+01, v50;
	v14 =	vmul.f32 v7, v32;
	v51 =	vmul.f32 v17, v17  }
0x53: {  	v7 =	vmul.f32 v8, v36;
	v22 =	vadd.f32 $1.258291200e+07, v59;
	v10 =	vadd.f32 $9.989871380e-01, v44  }
0x54: {  	v47 =	vadd.f32 $-1.959111020e+01, v13;
	v14 =	vadd.f32 $6.282446860e+00, v14;
	v55 =	vmul.f32 $6.108969120e+01, v51  }
0x55: {  	v62 =	vld [tilespmem:s29+$0x10];
	v57 =	vmul.f32 $5.924681090e+01, v51;
	v22 =	vadd.f32 $-1.258291200e+07, v22;
	v8 =	vmul.f32 v10, v46  }
0x56: {  	v52 =	vld [tilespmem:s29+$0xFFFFFF90];
	v9 =	vmul.f32 v47, v39;
	v11 =	vmul.f32 v14, v11;
	v10 =	vadd.f32 $-1.258291200e+07, v53  }
0x57: {  	v14 =	vmul.f32 v54, v39;
	v56 =	vsub.f32 $6.159730520e+01, v55;
	v61 =	vsub.f32 $7.918756870e+01, v57  }
0x58: {  	v29 =	vld [tilespmem:s29+$0x90];
	v22 =	vsub.f32 v59, v22;
	v23 =	vadd.f32 $9.989871380e-01, v9;
	v9 =	vmul.f32 v11, v46  }
0x59: {  	v58 =	vsub.f32 v48, v10;
	v18 =	vmul.f32 v56, v51;
	v13 =	vmul.f32 v61, v51  }
0x5a: {  	v60 =	vadd.f32 $6.282446860e+00, v14;
	v14 =	vmul.f32 s0, v62;
	v35 =	vmul.f32 v22, v22  }
0x5b: {  	v10 =	vmul.f32 v23, v52;
	v63 =	vmul.f32 v58, v58  }
0x5c: {  	v42 =	vld [tilespmem:s29+$0x30];
	v11 =	vmul.f32 v60, v15;
	v18 =	vadd.f32 $-1.959111020e+01, v18;
	v13 =	vadd.f32 $-4.123403930e+01, v13  }
0x5d: {  	v24 =	vld [tilespmem:s29+$0xFFFFFFA0];
	v14 =	vadd.f32 v29, v14;
	v26 =	vmul.f32 $5.924681090e+01, v35;
	v30 =	vmul.f32 $6.108969120e+01, v63  }
0x5e: {  	v46 =	vld [tilespmem:s29+$0xB0];
	v31 =	vmul.f32 $5.924681090e+01, v63;
	v18 =	vmul.f32 v18, v51  }
0x5f: {  	v36 =	vld [tilespmem:s29+$0x20];
	v32 =	vmul.f32 v13, v51;
	v27 =	vadd.f32 $1.258291200e+07, v14;
	v40 =	vsub.f32 $7.918756870e+01, v26  }
0x60: {  	v38 =	vmul.f32 $6.108969120e+01, v35;
	v23 =	vsub.f32 $6.159730520e+01, v30;
	v33 =	vsub.f32 $7.918756870e+01, v31  }
0x61: {  	v39 =	vld [tilespmem:s29+$0xA0];
	v26 =	vmul.f32 s0, v42;
	v18 =	vadd.f32 $9.989871380e-01, v18;
	v25 =	vadd.f32 $6.282446860e+00, v32  }
0x62: {  	v41 =	vadd.f32 $-1.258291200e+07, v27;
	v30 =	vld [tilespmem:s29+$0xC0];
	v19 =	vmul.f32 v40, v35;
	v34 =	vmul.f32 v23, v63  }
0x63: {  	v32 =	vld [tilespmem:s29+$0xD0];
	v20 =	vadd.f32 v46, v26;
	v13 =	vmul.f32 v33, v63;
	v12 =	vmul.f32 v18, v24  }
0x64: {  	v17 =	vmul.f32 v25, v17;
	v18 =	vsub.f32 $6.159730520e+01, v38;
	v25 =	vsub.f32 v14, v41  }
0x65: {  	s13 =	sadd.s32 $0x4, s1;
	v23 =	vmul.f32 s0, v36;
	v47 =	vadd.f32 $-4.123403930e+01, v19;
	v57 =	vadd.f32 $1.258291200e+07, v20  }
0x66: {  	v11 =	vmul.f32 v11, v52;
	s0 =	scvt.s32.f32 s13;
	v37 =	vadd.f32 $-1.959111020e+01, v34;
	v13 =	vadd.f32 $-4.123403930e+01, v13  }
0x67: {  	v18 =	vmul.f32 v18, v35;
	v45 =	vadd.f32 v39, v23;
	v48 =	vmul.f32 v25, v25  }
0x68: {  	v28 =	vld [tilespmem:s29+$0xFFFFFFB0];
	v27 =	vadd.f32 $-1.258291200e+07, v57;
	v30 =	vmul.f32 s0, v30;
	v32 =	vmul.f32 s0, v32  }
0x69: {  	v15 =	vmul.f32 v37, v63;
	v13 =	vmul.f32 v13, v63;
	v44 =	vadd.f32 $-1.959111020e+01, v18  }
0x6a: {  	v55 =	vld [tilespmem:s29+$0x140];
	v50 =	vadd.f32 $1.258291200e+07, v45;
	v51 =	vmul.f32 $6.108969120e+01, v48;
	v20 =	vsub.f32 v20, v27  }
0x6b: {  	v29 =	vmul.f32 $5.924681090e+01, v48;
	v15 =	vadd.f32 $9.989871380e-01, v15;
	v43 =	vadd.f32 $6.282446860e+00, v13  }
0x6c: {  	v13 =	vmul.f32 v17, v24;
	v17 =	vmul.f32 v44, v35;
	v24 =	vadd.f32 $-1.258291200e+07, v50  }
0x6d: {  	v49 =	vld [tilespmem:s29+$0x40];
	v21 =	vsub.f32 $6.159730520e+01, v51;
	v63 =	vmul.f32 v20, v20;
	v14 =	vmul.f32 v15, v28  }
0x6e: {  	v54 =	vsub.f32 $7.918756870e+01, v29;
	v16 =	vmul.f32 v43, v58;
	v15 =	vmul.f32 v47, v35  }
0x6f: {  	v17 =	vadd.f32 $9.989871380e-01, v17;
	v18 =	vsub.f32 v45, v24;
	v21 =	vmul.f32 v21, v48  }
0x70: {  	v58 =	vmul.f32 v54, v48;
	v24 =	vadd.f32 v55, v30;
	v35 =	vmul.f32 $6.108969120e+01, v63  }
0x71: {  	v60 =	vld [tilespmem:s29+$0x50];
	v37 =	vmul.f32 $5.924681090e+01, v63;
	v52 =	vadd.f32 $6.282446860e+00, v15;
	v16 =	vmul.f32 v16, v28  }
0x72: {  	v46 =	vld [tilespmem:s29+$0xF0];
	v15 =	vmul.f32 v17, v49;
	v56 =	vmul.f32 v18, v18;
	v21 =	vadd.f32 $-1.959111020e+01, v21  }
0x73: {  	v38 =	vld [tilespmem:s29+$0xE0];
	v17 =	vadd.f32 $-4.123403930e+01, v58;
	v33 =	vadd.f32 $1.258291200e+07, v24;
	v53 =	vmul.f32 v52, v22  }
0x74: {  	v35 =	vsub.f32 $6.159730520e+01, v35;
	v59 =	vmul.f32 $6.108969120e+01, v56;
	v61 =	vmul.f32 $5.924681090e+01, v56  }
0x75: {  	v36 =	vld [tilespmem:s29+$0x150];
	v43 =	vsub.f32 $7.918756870e+01, v37;
	v21 =	vmul.f32 v21, v48;
	v17 =	vmul.f32 v17, v48  }
0x76: {  	v41 =	vld [tilespmem:s29+$0x170];
	v33 =	vadd.f32 $-1.258291200e+07, v33;
	v42 =	vmul.f32 v35, v63;
	v22 =	vsub.f32 $6.159730520e+01, v59  }
0x77: {  	v44 =	vld [tilespmem:s29+$0x160];
	v23 =	vmul.f32 v53, v49;
	v62 =	vsub.f32 $7.918756870e+01, v61;
	v21 =	vadd.f32 $9.989871380e-01, v21  }
0x78: {  	v34 =	vadd.f32 $6.282446860e+00, v17;
	v53 =	vmul.f32 s0, v38;
	v59 =	vmul.f32 s0, v46  }
0x79: {  	v31 =	vld [tilespmem:s29+$0x60];
	v24 =	vsub.f32 v24, v33;
	v22 =	vmul.f32 v22, v56;
	v19 =	vmul.f32 v62, v56  }
0x7a: {  	v26 =	vld [tilespmem:s29+$0x120];
	v33 =	vadd.f32 $-1.959111020e+01, v42;
	v21 =	vmul.f32 v21, v60;
	v25 =	vmul.f32 v34, v25  }
0x7b: {  	v39 =	vld [tilespmem:s29+$0x130];
	v32 =	vadd.f32 v36, v32;
	v45 =	vmul.f32 v24, v24;
	v34 =	vmul.f32 v43, v63  }
0x7c: {  	v27 =	vld [tilespmem:s29+$0x70];
	v58 =	vadd.f32 v44, v53;
	v30 =	vadd.f32 v41, v59;
	v47 =	vmul.f32 v33, v63  }
0x7d: {  	v29 =	vld [tilespmem:s29+$0x100];
	v22 =	vadd.f32 $-1.959111020e+01, v22;
	v19 =	vadd.f32 $-4.123403930e+01, v19;
	v25 =	vmul.f32 v25, v60  }
0x7e: {  	v40 =	vmul.f32 $6.108969120e+01, v45;
	v48 =	vadd.f32 $-4.123403930e+01, v34;
	v50 =	vmul.f32 $5.924681090e+01, v45  }
0x7f: {  	v17 =	vld [tilespmem:s29+$0x110];
	[tilespmem:s30+$0xFFFFFF00] =	vst v0;
	v33 =	vadd.f32 $1.258291200e+07, v30;
	v51 =	vadd.f32 $9.989871380e-01, v47;
	v22 =	vmul.f32 v22, v56  }
0x80: {  	[tilespmem:s30+$0xFFFFFF40] =	vst v2;
	v19 =	vmul.f32 v19, v56;
	v49 =	vsub.f32 $6.159730520e+01, v40;
	v55 =	vsub.f32 $7.918756870e+01, v50  }
0x81: {  	[tilespmem:s30+$0xFFFFFF10] =	vst v1;
	v52 =	vmul.f32 v48, v63;
	v56 =	vadd.f32 $1.258291200e+07, v32;
	v63 =	vadd.f32 $1.258291200e+07, v58  }
0x82: {  	[tilespmem:s30+$0xFFFFFF50] =	vst v3;
	v35 =	vadd.f32 $-1.258291200e+07, v33;
	v0 =	vmul.f32 v51, v27;
	v22 =	vadd.f32 $9.989871380e-01, v22  }
0x83: {  	[tilespmem:s30+$0xFFFFFF20] =	vst v4;
	v19 =	vadd.f32 $6.282446860e+00, v19;
	v54 =	vmul.f32 v49, v45;
	v57 =	vadd.f32 $6.282446860e+00, v52  }
0x84: {  	[tilespmem:s30+$0xFFFFFF80] =	vst v8;
	v60 =	vmul.f32 v55, v45;
	v61 =	vadd.f32 $-1.258291200e+07, v56;
	v8 =	vsub.f32 v30, v35  }
0x85: {  	[tilespmem:s30+$0xFFFFFF60] =	vst v5;
	v22 =	vmul.f32 v22, v31;
	v18 =	vmul.f32 v19, v18;
	v2 =	vadd.f32 $-1.959111020e+01, v54  }
0x86: {  	[tilespmem:s30+$0xFFFFFF30] =	vst v6;
	v3 =	vadd.f32 $-4.123403930e+01, v60;
	v1 =	vmul.f32 v57, v20;
	v41 =	vmul.f32 v8, v8  }
0x87: {  	[tilespmem:s30+$0xFFFFFF70] =	vst v7;
	v62 =	vmul.f32 v18, v31;
	v2 =	vmul.f32 v2, v45;
	v31 =	vsub.f32 v32, v61  }
0x88: {  	[tilespmem:s30+$0xFFFFFFC0] =	vst v9;
	v32 =	vadd.f32 $-1.258291200e+07, v63;
	v3 =	vmul.f32 v3, v45;
	v1 =	vmul.f32 v1, v27  }
0x89: {  	[tilespmem:s30+$0xFFFFFF90] =	vst v10;
	v43 =	vmul.f32 $5.924681090e+01, v41;
	v2 =	vadd.f32 $9.989871380e-01, v2;
	v34 =	vmul.f32 v31, v31  }
0x8a: {  	[tilespmem:s30+$0xFFFFFFD0] =	vst v11;
	v44 =	vmul.f32 $6.108969120e+01, v41;
	v6 =	vsub.f32 v58, v32;
	v3 =	vadd.f32 $6.282446860e+00, v3  }
0x8b: {  	[tilespmem:s30+$0xFFFFFFB0] =	vst v14;
	v14 =	vsub.f32 $7.918756870e+01, v43;
	v2 =	vmul.f32 v2, v29;
	v36 =	vmul.f32 $5.924681090e+01, v34  }
0x8c: {  	[tilespmem:s30+$0xFFFFFFA0] =	vst v12;
	v45 =	vsub.f32 $6.159730520e+01, v44;
	v37 =	vmul.f32 v6, v6;
	v3 =	vmul.f32 v3, v24  }
0x8d: {  	[tilespmem:s30+$0xFFFFFFE0] =	vst v13;
	v38 =	vmul.f32 $6.108969120e+01, v34;
	v14 =	vmul.f32 v14, v41  }
0x8e: {  	[tilespmem:s30+$0xFFFFFFF0] =	vst v16;
	v47 =	vmul.f32 v45, v41;
	v9 =	vsub.f32 $7.918756870e+01, v36;
	v40 =	vmul.f32 $5.924681090e+01, v37  }
0x8f: {  	[tilespmem:s30+$0x0] =	vst v15;
	v3 =	vmul.f32 v3, v29;
	v11 =	vsub.f32 $6.159730520e+01, v38;
	v42 =	vmul.f32 $6.108969120e+01, v37  }
0x90: {  	[tilespmem:s30+$0x40] =	vst v23;
	v14 =	vadd.f32 $-4.123403930e+01, v14;
	v9 =	vmul.f32 v9, v34;
	v12 =	vsub.f32 $7.918756870e+01, v40  }
0x91: {  	[tilespmem:s30+$0x10] =	vst v21;
	v50 =	vadd.f32 $-1.959111020e+01, v47;
	v11 =	vmul.f32 v11, v34;
	v13 =	vsub.f32 $6.159730520e+01, v42  }
0x92: {  	[tilespmem:s30+$0x50] =	vst v25;
	v53 =	vmul.f32 v14, v41;
	v9 =	vadd.f32 $-4.123403930e+01, v9;
	v12 =	vmul.f32 v12, v37  }
0x93: {  	[tilespmem:s30+$0x30] =	vst v0;
	v56 =	vmul.f32 v50, v41;
	v11 =	vadd.f32 $-1.959111020e+01, v11;
	v13 =	vmul.f32 v13, v37  }
0x94: {  	[tilespmem:s30+$0x20] =	vst v22;
	v58 =	vadd.f32 $6.282446860e+00, v53;
	v9 =	vmul.f32 v9, v34;
	v12 =	vadd.f32 $-4.123403930e+01, v12  }
0x95: {  	[tilespmem:s30+$0x60] =	vst v62;
	v60 =	vadd.f32 $9.989871380e-01, v56;
	v7 =	vmul.f32 v11, v34;
	v46 =	vadd.f32 $-1.959111020e+01, v13  }
0x96: {  	[tilespmem:s30+$0x70] =	vst v1;
	v62 =	vmul.f32 v58, v8;
	v9 =	vadd.f32 $6.282446860e+00, v9;
	v12 =	vmul.f32 v12, v37  }
0x97: {  	[tilespmem:s30+$0x80] =	vst v2;
	v63 =	vmul.f32 v60, v39;
	v48 =	vadd.f32 $9.989871380e-01, v7;
	v49 =	vmul.f32 v46, v37  }
0x98: {  	[tilespmem:s30+$0xC0] =	vst v3;
	v2 =	vmul.f32 v62, v39;
	v51 =	vmul.f32 v9, v31;
	v52 =	vadd.f32 $6.282446860e+00, v12  }
0x99: {  	p0 =	sne.s32 s28, $0x7C;
	[tilespmem:s30+$0xB0] =	vst v63;
	v54 =	vmul.f32 v48, v17;
	v55 =	vadd.f32 $9.989871380e-01, v49  }
.Ltmp0:
0x9a: {  	[tilespmem:s30+$0xF0] =	vst v2;
	v0 =	vmul.f32 v51, v17;
	v57 =	vmul.f32 v52, v6;
	(pc) =	sbr.rel @p0 .LBB2_3-.Ltmp0, $4  }
0x9b: {  	v59 =	vmul.f32 v55, v26;
	[tilespmem:s30+$0x90] =	vst v54  }
0x9c: {  	v61 =	vmul.f32 v57, v26;
	[tilespmem:s30+$0xD0] =	vst v0  }
0x9d: {  	s31 =	sadd.s32 $0x4, s31;
	[tilespmem:s30+$0xA0] =	vst v59  }
0x9e: {  	s28 =	sadd.s32 $0x4, s28;
	s29 =	sadd.s32 $0x300, s29;
	[tilespmem:s30+$0xE0] =	vst v61;
	s30 =	sadd.s32 $0x200, s30  }
0x9f: {  	s0 =	sshll.u32 s25, $0xF  }
0xa0: {  	s0 =	sadd.s32 s7, s0  }
0xa1: {  	s0 =	sshrl.u32 s0, $0x3  }
0xa2: {  	p0 =	seq.s32 s25, $0x63;
	s0 =	sadd.s32 s2, s0  }
0xa3: {  	[hbm4b:s0+s3] =	stream.linear.scatter [tilespmem:s16], [sflag:$0x3], $0x4000, $0x38;
	[tilespmem:$0x1A400] =	vst v63  }
0xa4: {  	s0 =	sshll.u32 @!p0 s25, $0x8  }
0xa5: {  	p1 =	seq.s32 @!p0 s25, $0x0;
	s0 =	sand.u32 @!p0 $0x3FFFFF00, s0  }
0xa6: {  	s1 =	simm.s32 @!p0 $0x80;
	s13 =	simm.s32 @!p0 $0x6400;
	s0 =	sadd.s32 @!p0 $0x100, s0  }
0xa7: {  	[tilespmem:s13], [sflag:$0x1] =	stream.indirect.gather @!p0 [hbm4b:s4+s1], $0xC0, s0, s1, $0xb8;
	[tilespmem:$0x1A400] =	vst v63  }
0xa8: {  	p0 =	por p0, !p1  }
0xa9: {  	_ =	swait.ge @p0 [sflag:s20], $0x4000  }
0xaa: {  	[sflag:s20] =	ssyncset.done @p0 $0x0  }
0xab: {  	[sflag:s20] =	ssyncadd.s32 @p0 $0xFFFFC000  }
0xac: {  	_ =	swait.ge [sflag:s17], $0x6000  }
0xad: {  	s28 =	simm.s32 $0x0;
	s29 =	simm.s32 $0x165F0;
	[sflag:s17] =	ssyncset.done $0x0  }
0xae: {  	s30 =	smov.u32 s22;
	s31 =	smov.u32 s23;
	[sflag:s17] =	ssyncadd.s32 $0xFFFFA000  }
.LBB2_5:
0xaf: {  	s1 =	sshra.s32 s28, $0x2  }
0xb0: {  	s0 =	smulhi.u32 $0x51EB851F, s30;
	v0 =	vld [tilespmem:s1+$0xC400]  }
0xb1: {  	v1 =	vld [tilespmem:s1+$0xC480]  }
0xb2: {  	v2 =	vld [tilespmem:s1+$0xC410];
	s0 =	sshrl.u32 s0, $0x6  }
0xb3: {  	v4 =	vld [tilespmem:s1+$0xC420];
	s0 =	smul.u32 $0xFFFFFF38, s0  }
0xb4: {  	v8 =	vld [tilespmem:s1+$0xC430]  }
0xb5: {  	v6 =	vld [tilespmem:s1+$0xC4A0];
	s0 =	sadd.s32 s0, s31  }
0xb6: {  	v50 =	vld [tilespmem:s1+$0xC4B0];
	s13 =	scvt.s32.f32 s0  }
0xb7: {  	v3 =	vld [tilespmem:s1+$0xC490]  }
0xb8: {  	v0 =	vmul.f32 s13, v0  }
0xb9: {  	v4 =	vmul.f32 s13, v4;
	v8 =	vmul.f32 s13, v8  }
0xba: {  	v2 =	vmul.f32 s13, v2;
	v0 =	vadd.f32 v1, v0  }
0xbb: {  	v4 =	vadd.f32 v6, v4;
	v54 =	vadd.f32 v50, v8  }
0xbc: {  	v16 =	vld [tilespmem:s1+$0xC4D0];
	v2 =	vadd.f32 v3, v2;
	v1 =	vadd.f32 $1.258291200e+07, v0  }
0xbd: {  	v19 =	vld [tilespmem:s1+$0xC4F0];
	v12 =	vadd.f32 $1.258291200e+07, v4;
	v14 =	vadd.f32 $1.258291200e+07, v54  }
0xbe: {  	s13 =	sadd.s32 $0x1, s0;
	v45 =	vadd.f32 $1.258291200e+07, v2;
	v1 =	vadd.f32 $-1.258291200e+07, v1  }
0xbf: {  	v21 =	vld [tilespmem:s1+$0xC550];
	s13 =	scvt.s32.f32 s13;
	v12 =	vadd.f32 $-1.258291200e+07, v12;
	v60 =	vadd.f32 $-1.258291200e+07, v14  }
0xc0: {  	v1 =	vsub.f32 v0, v1;
	v0 =	vadd.f32 $-1.258291200e+07, v45  }
0xc1: {  	v16 =	vmul.f32 s13, v16;
	v12 =	vsub.f32 v4, v12;
	v8 =	vsub.f32 v54, v60  }
0xc2: {  	v19 =	vmul.f32 s13, v19;
	v46 =	vmul.f32 v1, v1  }
0xc3: {  	v7 =	vsub.f32 v2, v0;
	v13 =	vmul.f32 v12, v12;
	v22 =	vmul.f32 v8, v8  }
0xc4: {  	v26 =	vadd.f32 v21, v16;
	v5 =	vmul.f32 $6.108969120e+01, v46;
	v48 =	vmul.f32 $5.924681090e+01, v46  }
0xc5: {  	v20 =	vld [tilespmem:s1+$0xC570];
	v49 =	vmul.f32 v7, v7;
	v59 =	vmul.f32 $6.108969120e+01, v13  }
0xc6: {  	v53 =	vld [tilespmem:s1+$0xC4C0];
	v33 =	vadd.f32 $1.258291200e+07, v26;
	v15 =	vmul.f32 $5.924681090e+01, v13;
	v24 =	vmul.f32 $6.108969120e+01, v22  }
0xc7: {  	v25 =	vmul.f32 $5.924681090e+01, v22;
	v47 =	vsub.f32 $6.159730520e+01, v5;
	v2 =	vsub.f32 $7.918756870e+01, v48  }
0xc8: {  	v9 =	vmul.f32 $6.108969120e+01, v49;
	v5 =	vsub.f32 $6.159730520e+01, v59;
	v62 =	vsub.f32 $7.918756870e+01, v15  }
0xc9: {  	v10 =	vmul.f32 $5.924681090e+01, v49;
	v14 =	vsub.f32 $6.159730520e+01, v24;
	v15 =	vsub.f32 $7.918756870e+01, v25  }
0xca: {  	v48 =	vadd.f32 v20, v19;
	v0 =	vmul.f32 v47, v46;
	v2 =	vmul.f32 v2, v46  }
0xcb: {  	v9 =	vsub.f32 $6.159730520e+01, v9;
	v10 =	vsub.f32 $7.918756870e+01, v10;
	v5 =	vmul.f32 v5, v13  }
0xcc: {  	v57 =	vld [tilespmem:s1+$0xC540];
	v29 =	vmul.f32 v14, v22;
	v31 =	vmul.f32 v15, v22;
	v15 =	vadd.f32 $-1.258291200e+07, v33  }
0xcd: {  	v30 =	vld [tilespmem:s1+$0xC4E0];
	v0 =	vadd.f32 $-1.959111020e+01, v0;
	v2 =	vadd.f32 $-4.123403930e+01, v2;
	v9 =	vmul.f32 v9, v49  }
0xce: {  	v52 =	vmul.f32 v10, v49;
	v10 =	vmul.f32 s13, v53;
	v5 =	vadd.f32 $-1.959111020e+01, v5  }
0xcf: {  	v11 =	vld [tilespmem:s1+$0xC440];
	v15 =	vsub.f32 v26, v15;
	v53 =	vadd.f32 $1.258291200e+07, v48;
	v2 =	vmul.f32 v2, v46  }
0xd0: {  	v0 =	vmul.f32 v0, v46;
	v51 =	vadd.f32 $-1.959111020e+01, v9;
	v56 =	vadd.f32 $-4.123403930e+01, v52  }
0xd1: {  	v55 =	vld [tilespmem:s1+$0xC450];
	v63 =	vadd.f32 v57, v10;
	v5 =	vmul.f32 v5, v13;
	v2 =	vadd.f32 $6.282446860e+00, v2  }
0xd2: {  	v34 =	vld [tilespmem:s1+$0xC560];
	v9 =	vmul.f32 s13, v30;
	v0 =	vadd.f32 $9.989871380e-01, v0;
	v3 =	vmul.f32 v51, v49  }
0xd3: {  	v58 =	vmul.f32 v56, v49;
	v23 =	vadd.f32 $1.258291200e+07, v63;
	v1 =	vmul.f32 v2, v1  }
0xd4: {  	v39 =	vmul.f32 v15, v15;
	v0 =	vmul.f32 v0, v11;
	v3 =	vadd.f32 $9.989871380e-01, v3  }
0xd5: {  	v61 =	vadd.f32 $6.282446860e+00, v58;
	v2 =	vmul.f32 v1, v11;
	v11 =	vadd.f32 $-1.258291200e+07, v23  }
0xd6: {  	v27 =	vadd.f32 $9.989871380e-01, v5;
	v1 =	vmul.f32 v3, v55;
	v3 =	vmul.f32 v62, v13  }
0xd7: {  	v17 =	vld [tilespmem:s1+$0xC460];
	v9 =	vadd.f32 v34, v9;
	v7 =	vmul.f32 v61, v7;
	v11 =	vsub.f32 v63, v11  }
0xd8: {  	v41 =	vmul.f32 $6.108969120e+01, v39;
	v21 =	vmul.f32 $5.924681090e+01, v39;
	v18 =	vadd.f32 $-4.123403930e+01, v3  }
0xd9: {  	v3 =	vmul.f32 v7, v55;
	v7 =	vadd.f32 $-1.959111020e+01, v29;
	v32 =	vmul.f32 v11, v11  }
0xda: {  	v43 =	vadd.f32 $1.258291200e+07, v9;
	v28 =	vmul.f32 v18, v13;
	v13 =	vadd.f32 $-4.123403930e+01, v31  }
0xdb: {  	v36 =	vld [tilespmem:s1+$0xC470];
	v21 =	vsub.f32 $7.918756870e+01, v21;
	v7 =	vmul.f32 v7, v22;
	v35 =	vmul.f32 $6.108969120e+01, v32  }
0xdc: {  	v5 =	vadd.f32 $6.282446860e+00, v28;
	v10 =	vmul.f32 v13, v22;
	v38 =	vmul.f32 $5.924681090e+01, v32;
	v22 =	vld [tilespmem:s1+$0xC580]  }
0xdd: {  	v4 =	vmul.f32 v27, v17;
	v45 =	vsub.f32 $6.159730520e+01, v41;
	v37 =	vsub.f32 $6.159730520e+01, v35  }
0xde: {  	s13 =	sadd.s32 $0x2, s0;
	v49 =	vld [tilespmem:s1+$0xC600];
	v50 =	vmul.f32 v21, v39;
	v5 =	vmul.f32 v5, v12;
	v40 =	vsub.f32 $7.918756870e+01, v38  }
0xdf: {  	s13 =	scvt.s32.f32 s13;
	v7 =	vadd.f32 $9.989871380e-01, v7;
	v10 =	vadd.f32 $6.282446860e+00, v10;
	v13 =	vmul.f32 v37, v32  }
0xe0: {  	v5 =	vmul.f32 v5, v17;
	v42 =	vmul.f32 v40, v32;
	v17 =	vadd.f32 $-1.258291200e+07, v43  }
0xe1: {  	v6 =	vmul.f32 v7, v36;
	v22 =	vmul.f32 s13, v22;
	v13 =	vadd.f32 $-1.959111020e+01, v13  }
0xe2: {  	v46 =	vld [tilespmem:s1+$0xC500];
	v8 =	vmul.f32 v10, v8;
	v7 =	vadd.f32 $-4.123403930e+01, v42;
	v17 =	vsub.f32 v9, v17  }
0xe3: {  	v59 =	vadd.f32 v49, v22;
	v44 =	vmul.f32 v13, v32;
	v13 =	vmul.f32 v45, v39  }
0xe4: {  	v54 =	vadd.f32 $-4.123403930e+01, v50;
	v14 =	vmul.f32 v7, v32;
	v51 =	vmul.f32 v17, v17  }
0xe5: {  	v7 =	vmul.f32 v8, v36;
	v22 =	vadd.f32 $1.258291200e+07, v59;
	v10 =	vadd.f32 $9.989871380e-01, v44  }
0xe6: {  	v47 =	vadd.f32 $-1.959111020e+01, v13;
	v14 =	vadd.f32 $6.282446860e+00, v14;
	v55 =	vmul.f32 $6.108969120e+01, v51  }
0xe7: {  	v62 =	vld [tilespmem:s1+$0xC590];
	v57 =	vmul.f32 $5.924681090e+01, v51;
	v22 =	vadd.f32 $-1.258291200e+07, v22;
	v8 =	vmul.f32 v10, v46  }
0xe8: {  	v52 =	vld [tilespmem:s1+$0xC510];
	v9 =	vmul.f32 v47, v39;
	v11 =	vmul.f32 v14, v11;
	v10 =	vadd.f32 $-1.258291200e+07, v53  }
0xe9: {  	v14 =	vmul.f32 v54, v39;
	v56 =	vsub.f32 $6.159730520e+01, v55;
	v61 =	vsub.f32 $7.918756870e+01, v57  }
0xea: {  	v29 =	vld [tilespmem:s1+$0xC610];
	v22 =	vsub.f32 v59, v22;
	v23 =	vadd.f32 $9.989871380e-01, v9;
	v9 =	vmul.f32 v11, v46  }
0xeb: {  	v58 =	vsub.f32 v48, v10;
	v18 =	vmul.f32 v56, v51;
	v13 =	vmul.f32 v61, v51  }
0xec: {  	v60 =	vadd.f32 $6.282446860e+00, v14;
	v14 =	vmul.f32 s13, v62;
	v35 =	vmul.f32 v22, v22  }
0xed: {  	v10 =	vmul.f32 v23, v52;
	v63 =	vmul.f32 v58, v58  }
0xee: {  	v42 =	vld [tilespmem:s1+$0xC5B0];
	v11 =	vmul.f32 v60, v15;
	v18 =	vadd.f32 $-1.959111020e+01, v18;
	v13 =	vadd.f32 $-4.123403930e+01, v13  }
0xef: {  	v24 =	vld [tilespmem:s1+$0xC520];
	v14 =	vadd.f32 v29, v14;
	v26 =	vmul.f32 $5.924681090e+01, v35;
	v30 =	vmul.f32 $6.108969120e+01, v63  }
0xf0: {  	v46 =	vld [tilespmem:s1+$0xC630];
	v31 =	vmul.f32 $5.924681090e+01, v63;
	v18 =	vmul.f32 v18, v51  }
0xf1: {  	v36 =	vld [tilespmem:s1+$0xC5A0];
	v32 =	vmul.f32 v13, v51;
	v27 =	vadd.f32 $1.258291200e+07, v14;
	v40 =	vsub.f32 $7.918756870e+01, v26  }
0xf2: {  	v38 =	vmul.f32 $6.108969120e+01, v35;
	v23 =	vsub.f32 $6.159730520e+01, v30;
	v33 =	vsub.f32 $7.918756870e+01, v31  }
0xf3: {  	v39 =	vld [tilespmem:s1+$0xC620];
	v26 =	vmul.f32 s13, v42;
	v18 =	vadd.f32 $9.989871380e-01, v18;
	v25 =	vadd.f32 $6.282446860e+00, v32  }
0xf4: {  	v41 =	vadd.f32 $-1.258291200e+07, v27;
	v30 =	vld [tilespmem:s1+$0xC640];
	v19 =	vmul.f32 v40, v35;
	v34 =	vmul.f32 v23, v63  }
0xf5: {  	v32 =	vld [tilespmem:s1+$0xC650];
	v20 =	vadd.f32 v46, v26;
	v13 =	vmul.f32 v33, v63;
	v12 =	vmul.f32 v18, v24  }
0xf6: {  	v17 =	vmul.f32 v25, v17;
	v18 =	vsub.f32 $6.159730520e+01, v38;
	v25 =	vsub.f32 v14, v41  }
0xf7: {  	s0 =	sadd.s32 $0x3, s0;
	v23 =	vmul.f32 s13, v36;
	v47 =	vadd.f32 $-4.123403930e+01, v19;
	v57 =	vadd.f32 $1.258291200e+07, v20  }
0xf8: {  	s0 =	scvt.s32.f32 s0;
	v11 =	vmul.f32 v11, v52;
	v37 =	vadd.f32 $-1.959111020e+01, v34;
	v13 =	vadd.f32 $-4.123403930e+01, v13  }
0xf9: {  	v18 =	vmul.f32 v18, v35;
	v45 =	vadd.f32 v39, v23;
	v48 =	vmul.f32 v25, v25  }
0xfa: {  	v28 =	vld [tilespmem:s1+$0xC530];
	v27 =	vadd.f32 $-1.258291200e+07, v57;
	v30 =	vmul.f32 s0, v30;
	v32 =	vmul.f32 s0, v32  }
0xfb: {  	v15 =	vmul.f32 v37, v63;
	v13 =	vmul.f32 v13, v63;
	v44 =	vadd.f32 $-1.959111020e+01, v18  }
0xfc: {  	v55 =	vld [tilespmem:s1+$0xC6C0];
	v50 =	vadd.f32 $1.258291200e+07, v45;
	v51 =	vmul.f32 $6.108969120e+01, v48;
	v20 =	vsub.f32 v20, v27  }
0xfd: {  	v29 =	vmul.f32 $5.924681090e+01, v48;
	v15 =	vadd.f32 $9.989871380e-01, v15;
	v43 =	vadd.f32 $6.282446860e+00, v13  }
0xfe: {  	v13 =	vmul.f32 v17, v24;
	v17 =	vmul.f32 v44, v35;
	v24 =	vadd.f32 $-1.258291200e+07, v50  }
0xff: {  	v49 =	vld [tilespmem:s1+$0xC5C0];
	v21 =	vsub.f32 $6.159730520e+01, v51;
	v63 =	vmul.f32 v20, v20;
	v14 =	vmul.f32 v15, v28  }
0x100: {  	v54 =	vsub.f32 $7.918756870e+01, v29;
	v16 =	vmul.f32 v43, v58;
	v15 =	vmul.f32 v47, v35  }
0x101: {  	v17 =	vadd.f32 $9.989871380e-01, v17;
	v18 =	vsub.f32 v45, v24;
	v21 =	vmul.f32 v21, v48  }
0x102: {  	v58 =	vmul.f32 v54, v48;
	v24 =	vadd.f32 v55, v30;
	v35 =	vmul.f32 $6.108969120e+01, v63  }
0x103: {  	v60 =	vld [tilespmem:s1+$0xC5D0];
	v37 =	vmul.f32 $5.924681090e+01, v63;
	v52 =	vadd.f32 $6.282446860e+00, v15;
	v16 =	vmul.f32 v16, v28  }
0x104: {  	v46 =	vld [tilespmem:s1+$0xC670];
	v15 =	vmul.f32 v17, v49;
	v56 =	vmul.f32 v18, v18;
	v21 =	vadd.f32 $-1.959111020e+01, v21  }
0x105: {  	v38 =	vld [tilespmem:s1+$0xC660];
	v17 =	vadd.f32 $-4.123403930e+01, v58;
	v33 =	vadd.f32 $1.258291200e+07, v24;
	v53 =	vmul.f32 v52, v22  }
0x106: {  	v35 =	vsub.f32 $6.159730520e+01, v35;
	v59 =	vmul.f32 $6.108969120e+01, v56;
	v61 =	vmul.f32 $5.924681090e+01, v56  }
0x107: {  	v36 =	vld [tilespmem:s1+$0xC6D0];
	v43 =	vsub.f32 $7.918756870e+01, v37;
	v21 =	vmul.f32 v21, v48;
	v17 =	vmul.f32 v17, v48  }
0x108: {  	v41 =	vld [tilespmem:s1+$0xC6F0];
	v33 =	vadd.f32 $-1.258291200e+07, v33;
	v42 =	vmul.f32 v35, v63;
	v22 =	vsub.f32 $6.159730520e+01, v59  }
0x109: {  	v44 =	vld [tilespmem:s1+$0xC6E0];
	v23 =	vmul.f32 v53, v49;
	v62 =	vsub.f32 $7.918756870e+01, v61;
	v21 =	vadd.f32 $9.989871380e-01, v21  }
0x10a: {  	v34 =	vadd.f32 $6.282446860e+00, v17;
	v53 =	vmul.f32 s0, v38;
	v59 =	vmul.f32 s0, v46  }
0x10b: {  	v31 =	vld [tilespmem:s1+$0xC5E0];
	v24 =	vsub.f32 v24, v33;
	v22 =	vmul.f32 v22, v56;
	v19 =	vmul.f32 v62, v56  }
0x10c: {  	v26 =	vld [tilespmem:s1+$0xC6A0];
	v33 =	vadd.f32 $-1.959111020e+01, v42;
	v21 =	vmul.f32 v21, v60;
	v25 =	vmul.f32 v34, v25  }
0x10d: {  	v39 =	vld [tilespmem:s1+$0xC6B0];
	v32 =	vadd.f32 v36, v32;
	v45 =	vmul.f32 v24, v24;
	v34 =	vmul.f32 v43, v63  }
0x10e: {  	v27 =	vld [tilespmem:s1+$0xC5F0];
	v58 =	vadd.f32 v44, v53;
	v30 =	vadd.f32 v41, v59;
	v47 =	vmul.f32 v33, v63  }
0x10f: {  	v29 =	vld [tilespmem:s1+$0xC680];
	v22 =	vadd.f32 $-1.959111020e+01, v22;
	v19 =	vadd.f32 $-4.123403930e+01, v19;
	v25 =	vmul.f32 v25, v60  }
0x110: {  	v40 =	vmul.f32 $6.108969120e+01, v45;
	v48 =	vadd.f32 $-4.123403930e+01, v34;
	v50 =	vmul.f32 $5.924681090e+01, v45  }
0x111: {  	v17 =	vld [tilespmem:s1+$0xC690];
	[tilespmem:s29+$0xFFFFFE10] =	vst v0;
	v33 =	vadd.f32 $1.258291200e+07, v30;
	v51 =	vadd.f32 $9.989871380e-01, v47;
	v22 =	vmul.f32 v22, v56  }
0x112: {  	[tilespmem:s29+$0xFFFFFE50] =	vst v2;
	v19 =	vmul.f32 v19, v56;
	v49 =	vsub.f32 $6.159730520e+01, v40;
	v55 =	vsub.f32 $7.918756870e+01, v50  }
0x113: {  	[tilespmem:s29+$0xFFFFFE20] =	vst v1;
	v52 =	vmul.f32 v48, v63;
	v56 =	vadd.f32 $1.258291200e+07, v32;
	v63 =	vadd.f32 $1.258291200e+07, v58  }
0x114: {  	[tilespmem:s29+$0xFFFFFE60] =	vst v3;
	v35 =	vadd.f32 $-1.258291200e+07, v33;
	v0 =	vmul.f32 v51, v27;
	v22 =	vadd.f32 $9.989871380e-01, v22  }
0x115: {  	[tilespmem:s29+$0xFFFFFE30] =	vst v4;
	v19 =	vadd.f32 $6.282446860e+00, v19;
	v54 =	vmul.f32 v49, v45;
	v57 =	vadd.f32 $6.282446860e+00, v52  }
0x116: {  	[tilespmem:s29+$0xFFFFFE90] =	vst v8;
	v60 =	vmul.f32 v55, v45;
	v61 =	vadd.f32 $-1.258291200e+07, v56;
	v8 =	vsub.f32 v30, v35  }
0x117: {  	[tilespmem:s29+$0xFFFFFE70] =	vst v5;
	v22 =	vmul.f32 v22, v31;
	v18 =	vmul.f32 v19, v18;
	v2 =	vadd.f32 $-1.959111020e+01, v54  }
0x118: {  	[tilespmem:s29+$0xFFFFFE40] =	vst v6;
	v3 =	vadd.f32 $-4.123403930e+01, v60;
	v1 =	vmul.f32 v57, v20;
	v41 =	vmul.f32 v8, v8  }
0x119: {  	[tilespmem:s29+$0xFFFFFE80] =	vst v7;
	v62 =	vmul.f32 v18, v31;
	v2 =	vmul.f32 v2, v45;
	v31 =	vsub.f32 v32, v61  }
0x11a: {  	[tilespmem:s29+$0xFFFFFED0] =	vst v9;
	v32 =	vadd.f32 $-1.258291200e+07, v63;
	v3 =	vmul.f32 v3, v45;
	v1 =	vmul.f32 v1, v27  }
0x11b: {  	[tilespmem:s29+$0xFFFFFEA0] =	vst v10;
	v43 =	vmul.f32 $5.924681090e+01, v41;
	v2 =	vadd.f32 $9.989871380e-01, v2;
	v34 =	vmul.f32 v31, v31  }
0x11c: {  	[tilespmem:s29+$0xFFFFFEE0] =	vst v11;
	v44 =	vmul.f32 $6.108969120e+01, v41;
	v6 =	vsub.f32 v58, v32;
	v3 =	vadd.f32 $6.282446860e+00, v3  }
0x11d: {  	[tilespmem:s29+$0xFFFFFEC0] =	vst v14;
	v14 =	vsub.f32 $7.918756870e+01, v43;
	v2 =	vmul.f32 v2, v29;
	v36 =	vmul.f32 $5.924681090e+01, v34  }
0x11e: {  	[tilespmem:s29+$0xFFFFFEB0] =	vst v12;
	v45 =	vsub.f32 $6.159730520e+01, v44;
	v37 =	vmul.f32 v6, v6;
	v3 =	vmul.f32 v3, v24  }
0x11f: {  	[tilespmem:s29+$0xFFFFFEF0] =	vst v13;
	v38 =	vmul.f32 $6.108969120e+01, v34;
	v14 =	vmul.f32 v14, v41  }
0x120: {  	[tilespmem:s29+$0xFFFFFF00] =	vst v16;
	v47 =	vmul.f32 v45, v41;
	v9 =	vsub.f32 $7.918756870e+01, v36;
	v40 =	vmul.f32 $5.924681090e+01, v37  }
0x121: {  	[tilespmem:s29+$0xFFFFFF10] =	vst v15;
	v3 =	vmul.f32 v3, v29;
	v11 =	vsub.f32 $6.159730520e+01, v38;
	v42 =	vmul.f32 $6.108969120e+01, v37  }
0x122: {  	[tilespmem:s29+$0xFFFFFF50] =	vst v23;
	v14 =	vadd.f32 $-4.123403930e+01, v14;
	v9 =	vmul.f32 v9, v34;
	v12 =	vsub.f32 $7.918756870e+01, v40  }
0x123: {  	[tilespmem:s29+$0xFFFFFF20] =	vst v21;
	v50 =	vadd.f32 $-1.959111020e+01, v47;
	v11 =	vmul.f32 v11, v34;
	v13 =	vsub.f32 $6.159730520e+01, v42  }
0x124: {  	[tilespmem:s29+$0xFFFFFF60] =	vst v25;
	v53 =	vmul.f32 v14, v41;
	v9 =	vadd.f32 $-4.123403930e+01, v9;
	v12 =	vmul.f32 v12, v37  }
0x125: {  	[tilespmem:s29+$0xFFFFFF40] =	vst v0;
	v56 =	vmul.f32 v50, v41;
	v11 =	vadd.f32 $-1.959111020e+01, v11;
	v13 =	vmul.f32 v13, v37  }
0x126: {  	[tilespmem:s29+$0xFFFFFF30] =	vst v22;
	v58 =	vadd.f32 $6.282446860e+00, v53;
	v9 =	vmul.f32 v9, v34;
	v12 =	vadd.f32 $-4.123403930e+01, v12  }
0x127: {  	[tilespmem:s29+$0xFFFFFF70] =	vst v62;
	v60 =	vadd.f32 $9.989871380e-01, v56;
	v7 =	vmul.f32 v11, v34;
	v46 =	vadd.f32 $-1.959111020e+01, v13  }
0x128: {  	[tilespmem:s29+$0xFFFFFF80] =	vst v1;
	v62 =	vmul.f32 v58, v8;
	v9 =	vadd.f32 $6.282446860e+00, v9;
	v12 =	vmul.f32 v12, v37  }
0x129: {  	[tilespmem:s29+$0xFFFFFF90] =	vst v2;
	v63 =	vmul.f32 v60, v39;
	v48 =	vadd.f32 $9.989871380e-01, v7;
	v49 =	vmul.f32 v46, v37  }
0x12a: {  	[tilespmem:s29+$0xFFFFFFD0] =	vst v3;
	v2 =	vmul.f32 v62, v39;
	v51 =	vmul.f32 v9, v31;
	v52 =	vadd.f32 $6.282446860e+00, v12  }
0x12b: {  	p0 =	sne.s32 s28, $0x17400;
	[tilespmem:s29+$0xFFFFFFC0] =	vst v63;
	v54 =	vmul.f32 v48, v17;
	v55 =	vadd.f32 $9.989871380e-01, v49  }
.Ltmp1:
0x12c: {  	[tilespmem:s29+$0x0] =	vst v2;
	v0 =	vmul.f32 v51, v17;
	v57 =	vmul.f32 v52, v6;
	(pc) =	sbr.rel @p0 .LBB2_5-.Ltmp1, $4  }
0x12d: {  	v59 =	vmul.f32 v55, v26;
	[tilespmem:s29+$0xFFFFFFA0] =	vst v54  }
0x12e: {  	v61 =	vmul.f32 v57, v26;
	[tilespmem:s29+$0xFFFFFFE0] =	vst v0  }
0x12f: {  	s30 =	sadd.s32 $0x4, s30;
	[tilespmem:s29+$0xFFFFFFB0] =	vst v59  }
0x130: {  	s28 =	sadd.s32 $0xC00, s28;
	s31 =	sadd.s32 $0x4, s31;
	[tilespmem:s29+$0xFFFFFFF0] =	vst v61;
	s29 =	sadd.s32 $0x200, s29  }
0x131: {  	s25 =	sadd.s32 $0x1, s25  }
0x132: {  	p0 =	sne.s32 s25, $0x64  }
.Ltmp2:
0x133: {  	s0 =	sshll.u32 s26, $0xE;
	(pc) =	sbr.rel @p0 .LBB2_2-.Ltmp2, $4  }
0x134: {  	s0 =	sadd.s32 s7, s0  }
0x135: {  	s24 =	sadd.s32 $0x100, s24;
	s0 =	sshrl.u32 s0, $0x3  }
0x136: {  	s23 =	sadd.s32 $0x100, s23;
	s22 =	sadd.s32 $0x100, s22;
	s0 =	sadd.s32 s2, s0  }
0x137: {  	[hbm4b:s0+s3] =	stream.linear.scatter [tilespmem:s18], [sflag:$0x4], $0x4000, $0x38;
	[tilespmem:$0x1A400] =	vst v63  }
0x138: {  	s21 =	sadd.s32 $0x1, s21  }
0x139: {  	_ =	swait.ge [sflag:s19], $0x4000;
	p0 =	sne.s32 s21, s8  }
.Ltmp3:
0x13a: {  	[sflag:s19] =	ssyncset.done $0x0;
	(pc) =	sbr.rel @p0 .LBB2_1-.Ltmp3, $4  }
0x13b: {  	[sflag:s19] =	ssyncadd.s32 $0xFFFFC000  }
0x13c: {  	_ =	swait.ge [sflag:s20], $0x4000  }
0x13d: {  	[sflag:s20] =	ssyncset.done $0x0  }
0x13e: {  	[sflag:s20] =	ssyncadd.s32 $0xFFFFC000  }
0x13f: {  	_ =	sfence.sel $0x180000  }
0x140: {  	[bflag:$0x0] =	sbarrier.arrive $0xFFFF  }
0x141: {  	_ =	strace $0x90000047  }
0x142: {  	s0 =	stileid.u32;
	[bflag:$0x2] =	sbarrier.arrive $0xFFFF  }
0x143: {  	p0 =	sne.s32 s0, $0x0;
	s0 =	rddreg [dreg:$0x2]  }
0x144: {  	s0 =	sadd.s32 @!p0 $0x100000, s0  }
0x145: {  	[sflag:s0] =	ssyncadd.tile.s32 @!p0 $0x1;
	_ =	shalt  }
.Lfunc_end2:
_tile_overlayer_lowered:
.L_overlay_start_2:
0x146: {  	(tag) =	ssettag $0x2  }
0x147: {  	s0 =	rddreg [dreg:$0x0];
	s2 =	stileid.u32  }
0x148: {  	s1 =	rddreg [dreg:$0x1];
	p0 =	sne.s32 s2, $0x0  }
0x149: {  	s3 =	rddreg [dreg:$0x2];
	[bflag:$0x3] =	sbarrier.arrive $0xFFFF;
	s2 =	simm.s32 @!p0 $0x1C05  }
0x14a: {  	[timem:s3], [sflag:s2] =	dma.local @!p0 [hbm:s0], s1  }
0x14b: {  	s0 =	simm.s32 @!p0 $0x5  }
0x14c: {  	_ =	swait.ge @!p0 [sflag:s0], s1  }
0x14d: {  	s1 =	ssub.s32 @!p0 $0x0, s1;
	[sflag:s0] =	ssyncset.done @!p0 $0x0  }
0x14e: {  	[sflag:s0] =	ssyncadd.s32 @!p0 s1  }
0x14f: {  	[bflag:$0x3] =	sbarrier.arrive $0xFFFF  }
0x150: {  	_ =	shalt  }

</sc_bundles>
